<compile_context>
chip_gen: v7x
topology: tpu7x:2x2x1
jax: 0.10.2.dev20260603
libtpu: 0.0.44.dev20260713+nightly
codegen_flags: <defaults>
</compile_context>

<pallas_src>
import functools

import jax
import jax.numpy as jnp
from jax import lax
from jax.experimental import pallas as pl
from jax.experimental.pallas import tpu as pltpu
from jax.experimental.pallas import tpu_sc as plsc

VOCAB = 1000000
MAXLEN = 200
EMBED_DIM = 64
BATCH = 4096
BL = BATCH * MAXLEN
NC, NS, LANES = 2, 16, 16
NW = NC * NS
PER_W = BL // NW
C = MAXLEN
NCHUNK = PER_W // C
NBUF = 4
LOOKAHEAD = 2
G0 = 128
G1 = C - G0
NQ = EMBED_DIM // LANES


def _body(xf, tok_tab, pos_tab, out, idx_all, pos_all, tok, sem_g, sem_w):
  wid = lax.axis_index("s") * NC + lax.axis_index("c")
  base = wid * PER_W
  pltpu.sync_copy(xf.at[pl.ds(base, PER_W)], idx_all)
  pltpu.sync_copy(pos_tab, pos_all)

  def prep(n, k):
    loc = n * C

    @pl.when(n >= NBUF)
    def _():
      pltpu.make_async_copy(tok[k], out.at[pl.ds(0, C)], sem_w[k]).wait()

    pltpu.async_copy(tok_tab.at[idx_all.at[pl.ds(loc, G0)]],
                     tok[k].at[pl.ds(0, G0)], sem_g[k])
    pltpu.async_copy(tok_tab.at[idx_all.at[pl.ds(loc + G0, G1)]],
                     tok[k].at[pl.ds(G0, G1)], sem_g[k])

  def step(n, k):
    @pl.when(n + LOOKAHEAD < NCHUNK)
    def _():
      prep(n + LOOKAHEAD, (k + LOOKAHEAD) % NBUF)

    loc = n * C

    mn = idx_all[pl.ds(loc, LANES)]
    for w in range(1, (C + LANES - 1) // LANES):
      o = min(w * LANES, C - LANES)
      mn = jnp.minimum(mn, idx_all[pl.ds(loc + o, LANES)])
    any_masked = lax.reduce_min(mn, (0,)) == 0

    pltpu.make_async_copy(tok_tab.at[pl.ds(0, G0)], tok[k].at[pl.ds(0, G0)],
                          sem_g[k]).wait()
    pltpu.make_async_copy(tok_tab.at[pl.ds(0, G1)], tok[k].at[pl.ds(G0, G1)],
                          sem_g[k]).wait()

    @pl.loop(0, C, unroll=8)
    def _add(j):
      for q in range(NQ):
        s = pl.ds(q * LANES, LANES)
        plsc.addupdate(tok[k].at[j, s], pos_all[j + 1, s])

    @pl.when(any_masked)
    def _():
      @pl.loop(0, C)
      def _fix(j):
        xi = plsc.load_gather(idx_all, [jnp.full((LANES,), loc + j,
                                                 jnp.int32)])
        delta = jnp.where(xi == 0, 1.0, 0.0)
        for q in range(NQ):
          s = pl.ds(q * LANES, LANES)
          plsc.addupdate(tok[k].at[j, s],
                         delta * (pos_all[0, s] - pos_all[j + 1, s]))

    pltpu.async_copy(tok[k], out.at[pl.ds(base + loc, C)], sem_w[k])

  for p in range(LOOKAHEAD):
    prep(p, p)

  @pl.loop(0, NCHUNK, step=NBUF)
  def _chunks(ci):
    for k in range(NBUF):
      step(ci + k, k)

  for k in range(NBUF):
    pltpu.make_async_copy(tok[k], out.at[pl.ds(0, C)], sem_w[k]).wait()


@functools.partial(jax.jit, donate_argnums=())
def kernel(x, token_table, pos_table):
  mesh = plsc.VectorSubcoreMesh(core_axis_name="c", subcore_axis_name="s")
  run = pl.kernel(
      _body,
      out_type=jax.ShapeDtypeStruct((BL, EMBED_DIM), jnp.float32),
      mesh=mesh,
      scratch_types=[
          pltpu.VMEM((PER_W,), jnp.int32),
          pltpu.VMEM((MAXLEN + 1, EMBED_DIM), jnp.float32),
          [pltpu.VMEM((C, EMBED_DIM), jnp.float32) for _ in range(NBUF)],
          [pltpu.SemaphoreType.DMA for _ in range(NBUF)],
          [pltpu.SemaphoreType.DMA for _ in range(NBUF)],
      ],
      compiler_params=pltpu.CompilerParams(use_tc_tiling_on_sc=False,
                                           needs_layout_passes=False),
  )
  out = run(x.reshape(BL), token_table, pos_table)
  return out.reshape(BATCH, MAXLEN, EMBED_DIM)

# --- scband reference (transcript-rebuilt; emitter-appended) ---
"""Pipeline reference for scband-masked-token-and-position-embedding-20143396618701 (READ-ONLY COPY).

The authoritative reference and input builder live on the scoring server;
editing this copy changes nothing except your own understanding.
"""

import jax, jax.numpy as jnp
import numpy as np

VOCAB = 1000000
MAXLEN = 200
EMBED_DIM = 64
BATCH = 4096


def setup_inputs(seed: int = 0) -> dict:
    key = jax.random.key(seed)
    k1, k2, k3 = jax.random.split(key, 3)
    x = jax.random.randint(k1, (BATCH, MAXLEN), 0, VOCAB, dtype=jnp.int32)
    token_table = jax.random.normal(k2, (VOCAB, EMBED_DIM), dtype=jnp.float32) * 0.02
    pos_table = jax.random.normal(k3, (MAXLEN + 1, EMBED_DIM), dtype=jnp.float32) * 0.02
    return {"x": x, "token_table": token_table, "pos_table": pos_table}


def reference(x, token_table, pos_table):
    # positions = range(1, L+1) * sign(x); index 0 acts as the masked/padding slot
    L = x.shape[-1]
    positions = jnp.arange(1, L + 1, dtype=x.dtype)[None, :] * jnp.sign(x)
    pos_emb = jnp.take(pos_table, positions, axis=0)
    tok_emb = jnp.take(token_table, x, axis=0)
    return tok_emb + pos_emb

if __name__ == "__main__":
    import jax
    _d = setup_inputs()
    print(jax.jit(kernel)(*tuple(_d.values())))

</pallas_src>

<mosaic_0001>
#map = affine_map<(d0, d1) -> (0)>
#map1 = affine_map<(d0, d1) -> (0, 0)>
module attributes {stable_mosaic.version = 14 : i64} {
  func.func @_body(%arg0: i32, %arg1: i32, %arg2: memref<819200xi32, #tpu.memory_space<hbm>>, %arg3: memref<1000000x64xf32, #tpu.memory_space<hbm>>, %arg4: memref<201x64xf32, #tpu.memory_space<hbm>>, %arg5: memref<819200x64xf32, #tpu.memory_space<hbm>>, %arg6: memref<25600xi32, #tpu.memory_space<vmem>>, %arg7: memref<201x64xf32, #tpu.memory_space<vmem>>, %arg8: memref<200x64xf32, #tpu.memory_space<vmem>>, %arg9: memref<200x64xf32, #tpu.memory_space<vmem>>, %arg10: memref<200x64xf32, #tpu.memory_space<vmem>>, %arg11: memref<200x64xf32, #tpu.memory_space<vmem>>, %arg12: memref<!tpu.dma_semaphore, #tpu.memory_space<semaphore_mem>>, %arg13: memref<!tpu.dma_semaphore, #tpu.memory_space<semaphore_mem>>, %arg14: memref<!tpu.dma_semaphore, #tpu.memory_space<semaphore_mem>>, %arg15: memref<!tpu.dma_semaphore, #tpu.memory_space<semaphore_mem>>, %arg16: memref<!tpu.dma_semaphore, #tpu.memory_space<semaphore_mem>>, %arg17: memref<!tpu.dma_semaphore, #tpu.memory_space<semaphore_mem>>, %arg18: memref<!tpu.dma_semaphore, #tpu.memory_space<semaphore_mem>>, %arg19: memref<!tpu.dma_semaphore, #tpu.memory_space<semaphore_mem>>) attributes {dimension_semantics = [#tpu.dimension_semantics<core_parallel>, #tpu.dimension_semantics<subcore_parallel>], iteration_bounds = array<i64: 2, 16>, scalar_prefetch = 0 : i64, scratch_operands = 14 : i64, tpu.core_type = #tpu.core_type<sc_vector_subcore>, window_params = [{transform_indices = #map}, {transform_indices = #map1}, {transform_indices = #map1}, {transform_indices = #map1}]} {
    %mul3A = arith.constant 2 : i32
    %mul3A_0 = arith.muli %arg1, %mul3A : i32
    %add3A = arith.addi %mul3A_0, %arg0 : i32
    %mul3A_1 = arith.constant 25600 : i32
    %mul3A_2 = arith.muli %add3A, %mul3A_1 : i32
    "tpu.region"() ({
      %run_scoped3A = tpu.sem_alloc : memref<!tpu.dma_semaphore, #tpu.memory_space<semaphore_mem>>
      %dma_start3A_61 = tpu.memref_slice %arg2[%mul3A_2] : memref<819200xi32, #tpu.memory_space<hbm>> -> memref<25600xi32, #tpu.memory_space<hbm>>
      %dma_start3A_62 = tpu.memref_slice %arg2[%mul3A_2] : memref<819200xi32, #tpu.memory_space<hbm>> -> memref<25600xi32, #tpu.memory_space<hbm>>
      tpu.enqueue_dma source(%dma_start3A_62 : memref<25600xi32, #tpu.memory_space<hbm>>) target(%arg6 : memref<25600xi32, #tpu.memory_space<vmem>>) target_semaphore(%run_scoped3A : memref<!tpu.dma_semaphore, #tpu.memory_space<semaphore_mem>>)
      %dma_wait3A_63 = tpu.memref_slice %arg2[%mul3A_2] : memref<819200xi32, #tpu.memory_space<hbm>> -> memref<25600xi32, #tpu.memory_space<hbm>>
      %dma_wait3A_64 = tpu.memref_slice %arg2[%mul3A_2] : memref<819200xi32, #tpu.memory_space<hbm>> -> memref<25600xi32, #tpu.memory_space<hbm>>
      tpu.wait_dma2 semaphore(%run_scoped3A : memref<!tpu.dma_semaphore, #tpu.memory_space<semaphore_mem>>) src(%dma_wait3A_64 : memref<25600xi32, #tpu.memory_space<hbm>>) dst(%arg6 : memref<25600xi32, #tpu.memory_space<vmem>>)
      tpu.yield
    }) : () -> ()
    "tpu.region"() ({
      %run_scoped3A = tpu.sem_alloc : memref<!tpu.dma_semaphore, #tpu.memory_space<semaphore_mem>>
      tpu.enqueue_dma source(%arg4 : memref<201x64xf32, #tpu.memory_space<hbm>>) target(%arg7 : memref<201x64xf32, #tpu.memory_space<vmem>>) target_semaphore(%run_scoped3A : memref<!tpu.dma_semaphore, #tpu.memory_space<semaphore_mem>>)
      tpu.wait_dma2 semaphore(%run_scoped3A : memref<!tpu.dma_semaphore, #tpu.memory_space<semaphore_mem>>) src(%arg4 : memref<201x64xf32, #tpu.memory_space<hbm>>) dst(%arg7 : memref<201x64xf32, #tpu.memory_space<vmem>>)
      tpu.yield
    }) : () -> ()
    %dma_start3A = arith.constant 0 : i32
    %dma_start3A_3 = arith.constant 0 : i32
    %dma_start3A_4 = tpu.memref_slice %arg8[%dma_start3A, %dma_start3A_3] : memref<200x64xf32, #tpu.memory_space<vmem>> -> memref<128x64xf32, #tpu.memory_space<vmem>>
    %dma_start3A_5 = arith.constant 0 : i32
    %dma_start3A_6 = tpu.memref_slice %arg6[%dma_start3A_5] : memref<25600xi32, #tpu.memory_space<vmem>> -> memref<128xi32, #tpu.memory_space<vmem>>
    %dma_start3A_7 = arith.constant 0 : i32
    %dma_start3A_8 = arith.constant 0 : i32
    %dma_start3A_9 = tpu.memref_slice %arg3[%dma_start3A_7, %dma_start3A_8] : memref<1000000x64xf32, #tpu.memory_space<hbm>> -> memref<1000000x64xf32, #tpu.memory_space<hbm>>
    tpu.enqueue_indirect_dma source(%dma_start3A_9 : memref<1000000x64xf32, #tpu.memory_space<hbm>>) target(%dma_start3A_4 : memref<128x64xf32, #tpu.memory_space<vmem>>) offsets(%dma_start3A_6 : memref<128xi32, #tpu.memory_space<vmem>>) semaphore(%arg12 : memref<!tpu.dma_semaphore, #tpu.memory_space<semaphore_mem>>)
    %dma_start3A_10 = arith.constant 128 : i32
    %dma_start3A_11 = arith.constant 0 : i32
    %dma_start3A_12 = tpu.memref_slice %arg8[%dma_start3A_10, %dma_start3A_11] : memref<200x64xf32, #tpu.memory_space<vmem>> -> memref<72x64xf32, #tpu.memory_space<vmem>>
    %dma_start3A_13 = arith.constant 128 : i32
    %dma_start3A_14 = tpu.memref_slice %arg6[%dma_start3A_13] : memref<25600xi32, #tpu.memory_space<vmem>> -> memref<72xi32, #tpu.memory_space<vmem>>
    %dma_start3A_15 = arith.constant 0 : i32
    %dma_start3A_16 = arith.constant 0 : i32
    %dma_start3A_17 = tpu.memref_slice %arg3[%dma_start3A_15, %dma_start3A_16] : memref<1000000x64xf32, #tpu.memory_space<hbm>> -> memref<1000000x64xf32, #tpu.memory_space<hbm>>
    tpu.enqueue_indirect_dma source(%dma_start3A_17 : memref<1000000x64xf32, #tpu.memory_space<hbm>>) target(%dma_start3A_12 : memref<72x64xf32, #tpu.memory_space<vmem>>) offsets(%dma_start3A_14 : memref<72xi32, #tpu.memory_space<vmem>>) semaphore(%arg12 : memref<!tpu.dma_semaphore, #tpu.memory_space<semaphore_mem>>)
    %dma_start3A_18 = arith.constant 0 : i32
    %dma_start3A_19 = arith.constant 0 : i32
    %dma_start3A_20 = tpu.memref_slice %arg9[%dma_start3A_18, %dma_start3A_19] : memref<200x64xf32, #tpu.memory_space<vmem>> -> memref<128x64xf32, #tpu.memory_space<vmem>>
    %dma_start3A_21 = arith.constant 200 : i32
    %dma_start3A_22 = tpu.memref_slice %arg6[%dma_start3A_21] : memref<25600xi32, #tpu.memory_space<vmem>> -> memref<128xi32, #tpu.memory_space<vmem>>
    %dma_start3A_23 = arith.constant 0 : i32
    %dma_start3A_24 = arith.constant 0 : i32
    %dma_start3A_25 = tpu.memref_slice %arg3[%dma_start3A_23, %dma_start3A_24] : memref<1000000x64xf32, #tpu.memory_space<hbm>> -> memref<1000000x64xf32, #tpu.memory_space<hbm>>
    tpu.enqueue_indirect_dma source(%dma_start3A_25 : memref<1000000x64xf32, #tpu.memory_space<hbm>>) target(%dma_start3A_20 : memref<128x64xf32, #tpu.memory_space<vmem>>) offsets(%dma_start3A_22 : memref<128xi32, #tpu.memory_space<vmem>>) semaphore(%arg13 : memref<!tpu.dma_semaphore, #tpu.memory_space<semaphore_mem>>)
    %dma_start3A_26 = arith.constant 128 : i32
    %dma_start3A_27 = arith.constant 0 : i32
    %dma_start3A_28 = tpu.memref_slice %arg9[%dma_start3A_26, %dma_start3A_27] : memref<200x64xf32, #tpu.memory_space<vmem>> -> memref<72x64xf32, #tpu.memory_space<vmem>>
    %dma_start3A_29 = arith.constant 328 : i32
    %dma_start3A_30 = tpu.memref_slice %arg6[%dma_start3A_29] : memref<25600xi32, #tpu.memory_space<vmem>> -> memref<72xi32, #tpu.memory_space<vmem>>
    %dma_start3A_31 = arith.constant 0 : i32
    %dma_start3A_32 = arith.constant 0 : i32
    %dma_start3A_33 = tpu.memref_slice %arg3[%dma_start3A_31, %dma_start3A_32] : memref<1000000x64xf32, #tpu.memory_space<hbm>> -> memref<1000000x64xf32, #tpu.memory_space<hbm>>
    tpu.enqueue_indirect_dma source(%dma_start3A_33 : memref<1000000x64xf32, #tpu.memory_space<hbm>>) target(%dma_start3A_28 : memref<72x64xf32, #tpu.memory_space<vmem>>) offsets(%dma_start3A_30 : memref<72xi32, #tpu.memory_space<vmem>>) semaphore(%arg13 : memref<!tpu.dma_semaphore, #tpu.memory_space<semaphore_mem>>)
    %scan3A = arith.constant 0 : i32
    %scan3A_34 = arith.constant 32 : i32
    %scan3A_35 = arith.addi %scan3A, %scan3A_34 : i32
    %scan3A_36 = arith.constant 1 : i32
    scf.for %scan3A_61 = %scan3A to %scan3A_35 step %scan3A_36  : i32 {
      %mul3A_62 = arith.constant 4 : i32
      %mul3A_63 = arith.muli %scan3A_61, %mul3A_62 : i32
      %add3A_64 = arith.constant 0 : i32
      %add3A_65 = arith.addi %add3A_64, %mul3A_63 : i32
      %add3A_66 = arith.constant 0 : i32
      %add3A_67 = arith.addi %add3A_65, %add3A_66 : i32
      %add3A_68 = arith.constant 2 : i32
      %add3A_69 = arith.addi %add3A_67, %add3A_68 : i32
      %lt3A = arith.constant 128 : i32
      %lt3A_70 = arith.cmpi slt, %add3A_69, %lt3A : i32
      %convert_element_type3A = arith.extui %lt3A_70 : i1 to i32
      %cond3A = arith.constant 0 : i32
      %cond3A_71 = arith.cmpi ne, %convert_element_type3A, %cond3A : i32
      scf.if %cond3A_71 {
        %add3A_539 = arith.constant 2 : i32
        %add3A_540 = arith.addi %add3A_67, %add3A_539 : i32
        %mul3A_541 = arith.constant 200 : i32
        %mul3A_542 = arith.muli %add3A_540, %mul3A_541 : i32
        %ge3A = arith.constant 4 : i32
        %ge3A_543 = arith.cmpi sge, %add3A_540, %ge3A : i32
        %convert_element_type3A_544 = arith.extui %ge3A_543 : i1 to i32
        %cond3A_545 = arith.constant 0 : i32
        %cond3A_546 = arith.cmpi ne, %convert_element_type3A_544, %cond3A_545 : i32
        scf.if %cond3A_546 {
          %dma_wait3A_563 = arith.constant 0 : i32
          %dma_wait3A_564 = arith.constant 0 : i32
          %dma_wait3A_565 = tpu.memref_slice %arg5[%dma_wait3A_563, %dma_wait3A_564] : memref<819200x64xf32, #tpu.memory_space<hbm>> -> memref<200x64xf32, #tpu.memory_space<hbm>>
          %dma_wait3A_566 = arith.constant 0 : i32
          %dma_wait3A_567 = arith.constant 0 : i32
          %dma_wait3A_568 = tpu.memref_slice %arg5[%dma_wait3A_566, %dma_wait3A_567] : memref<819200x64xf32, #tpu.memory_space<hbm>> -> memref<200x64xf32, #tpu.memory_space<hbm>>
          tpu.wait_dma2 semaphore(%arg18 : memref<!tpu.dma_semaphore, #tpu.memory_space<semaphore_mem>>) src(%arg10 : memref<200x64xf32, #tpu.memory_space<vmem>>) dst(%dma_wait3A_568 : memref<200x64xf32, #tpu.memory_space<hbm>>)
        } else {
        }
        %dma_start3A_547 = arith.constant 0 : i32
        %dma_start3A_548 = arith.constant 0 : i32
        %dma_start3A_549 = tpu.memref_slice %arg10[%dma_start3A_547, %dma_start3A_548] : memref<200x64xf32, #tpu.memory_space<vmem>> -> memref<128x64xf32, #tpu.memory_space<vmem>>
        %dma_start3A_550 = tpu.memref_slice %arg6[%mul3A_542] : memref<25600xi32, #tpu.memory_space<vmem>> -> memref<128xi32, #tpu.memory_space<vmem>>
        %dma_start3A_551 = arith.constant 0 : i32
        %dma_start3A_552 = arith.constant 0 : i32
        %dma_start3A_553 = tpu.memref_slice %arg3[%dma_start3A_551, %dma_start3A_552] : memref<1000000x64xf32, #tpu.memory_space<hbm>> -> memref<1000000x64xf32, #tpu.memory_space<hbm>>
        tpu.enqueue_indirect_dma source(%dma_start3A_553 : memref<1000000x64xf32, #tpu.memory_space<hbm>>) target(%dma_start3A_549 : memref<128x64xf32, #tpu.memory_space<vmem>>) offsets(%dma_start3A_550 : memref<128xi32, #tpu.memory_space<vmem>>) semaphore(%arg14 : memref<!tpu.dma_semaphore, #tpu.memory_space<semaphore_mem>>)
        %add3A_554 = arith.constant 128 : i32
        %add3A_555 = arith.addi %mul3A_542, %add3A_554 : i32
        %dma_start3A_556 = arith.constant 128 : i32
        %dma_start3A_557 = arith.constant 0 : i32
        %dma_start3A_558 = tpu.memref_slice %arg10[%dma_start3A_556, %dma_start3A_557] : memref<200x64xf32, #tpu.memory_space<vmem>> -> memref<72x64xf32, #tpu.memory_space<vmem>>
        %dma_start3A_559 = tpu.memref_slice %arg6[%add3A_555] : memref<25600xi32, #tpu.memory_space<vmem>> -> memref<72xi32, #tpu.memory_space<vmem>>
        %dma_start3A_560 = arith.constant 0 : i32
        %dma_start3A_561 = arith.constant 0 : i32
        %dma_start3A_562 = tpu.memref_slice %arg3[%dma_start3A_560, %dma_start3A_561] : memref<1000000x64xf32, #tpu.memory_space<hbm>> -> memref<1000000x64xf32, #tpu.memory_space<hbm>>
        tpu.enqueue_indirect_dma source(%dma_start3A_562 : memref<1000000x64xf32, #tpu.memory_space<hbm>>) target(%dma_start3A_558 : memref<72x64xf32, #tpu.memory_space<vmem>>) offsets(%dma_start3A_559 : memref<72xi32, #tpu.memory_space<vmem>>) semaphore(%arg14 : memref<!tpu.dma_semaphore, #tpu.memory_space<semaphore_mem>>)
      } else {
      }
      %mul3A_72 = arith.constant 200 : i32
      %mul3A_73 = arith.muli %add3A_67, %mul3A_72 : i32
      %get3A = arith.index_cast %mul3A_73 : i32 to index
      %get3A_74 = tpu.vector_load %arg6[%get3A] {strides = array<i32>} : memref<25600xi32, #tpu.memory_space<vmem>>, vector<16xi32>,
      %add3A_75 = arith.constant 16 : i32
      %add3A_76 = arith.addi %mul3A_73, %add3A_75 : i32
      %get3A_77 = arith.index_cast %add3A_76 : i32 to index
      %get3A_78 = tpu.vector_load %arg6[%get3A_77] {strides = array<i32>} : memref<25600xi32, #tpu.memory_space<vmem>>, vector<16xi32>,
      %min3A = arith.minsi %get3A_74, %get3A_78 : vector<16xi32>
      %add3A_79 = arith.constant 32 : i32
      %add3A_80 = arith.addi %mul3A_73, %add3A_79 : i32
      %get3A_81 = arith.index_cast %add3A_80 : i32 to index
      %get3A_82 = tpu.vector_load %arg6[%get3A_81] {strides = array<i32>} : memref<25600xi32, #tpu.memory_space<vmem>>, vector<16xi32>,
      %min3A_83 = arith.minsi %min3A, %get3A_82 : vector<16xi32>
      %add3A_84 = arith.constant 48 : i32
      %add3A_85 = arith.addi %mul3A_73, %add3A_84 : i32
      %get3A_86 = arith.index_cast %add3A_85 : i32 to index
      %get3A_87 = tpu.vector_load %arg6[%get3A_86] {strides = array<i32>} : memref<25600xi32, #tpu.memory_space<vmem>>, vector<16xi32>,
      %min3A_88 = arith.minsi %min3A_83, %get3A_87 : vector<16xi32>
      %add3A_89 = arith.constant 64 : i32
      %add3A_90 = arith.addi %mul3A_73, %add3A_89 : i32
      %get3A_91 = arith.index_cast %add3A_90 : i32 to index
      %get3A_92 = tpu.vector_load %arg6[%get3A_91] {strides = array<i32>} : memref<25600xi32, #tpu.memory_space<vmem>>, vector<16xi32>,
      %min3A_93 = arith.minsi %min3A_88, %get3A_92 : vector<16xi32>
      %add3A_94 = arith.constant 80 : i32
      %add3A_95 = arith.addi %mul3A_73, %add3A_94 : i32
      %get3A_96 = arith.index_cast %add3A_95 : i32 to index
      %get3A_97 = tpu.vector_load %arg6[%get3A_96] {strides = array<i32>} : memref<25600xi32, #tpu.memory_space<vmem>>, vector<16xi32>,
      %min3A_98 = arith.minsi %min3A_93, %get3A_97 : vector<16xi32>
      %add3A_99 = arith.constant 96 : i32
      %add3A_100 = arith.addi %mul3A_73, %add3A_99 : i32
      %get3A_101 = arith.index_cast %add3A_100 : i32 to index
      %get3A_102 = tpu.vector_load %arg6[%get3A_101] {strides = array<i32>} : memref<25600xi32, #tpu.memory_space<vmem>>, vector<16xi32>,
      %min3A_103 = arith.minsi %min3A_98, %get3A_102 : vector<16xi32>
      %add3A_104 = arith.constant 112 : i32
      %add3A_105 = arith.addi %mul3A_73, %add3A_104 : i32
      %get3A_106 = arith.index_cast %add3A_105 : i32 to index
      %get3A_107 = tpu.vector_load %arg6[%get3A_106] {strides = array<i32>} : memref<25600xi32, #tpu.memory_space<vmem>>, vector<16xi32>,
      %min3A_108 = arith.minsi %min3A_103, %get3A_107 : vector<16xi32>
      %add3A_109 = arith.constant 128 : i32
      %add3A_110 = arith.addi %mul3A_73, %add3A_109 : i32
      %get3A_111 = arith.index_cast %add3A_110 : i32 to index
      %get3A_112 = tpu.vector_load %arg6[%get3A_111] {strides = array<i32>} : memref<25600xi32, #tpu.memory_space<vmem>>, vector<16xi32>,
      %min3A_113 = arith.minsi %min3A_108, %get3A_112 : vector<16xi32>
      %add3A_114 = arith.constant 144 : i32
      %add3A_115 = arith.addi %mul3A_73, %add3A_114 : i32
      %get3A_116 = arith.index_cast %add3A_115 : i32 to index
      %get3A_117 = tpu.vector_load %arg6[%get3A_116] {strides = array<i32>} : memref<25600xi32, #tpu.memory_space<vmem>>, vector<16xi32>,
      %min3A_118 = arith.minsi %min3A_113, %get3A_117 : vector<16xi32>
      %add3A_119 = arith.constant 160 : i32
      %add3A_120 = arith.addi %mul3A_73, %add3A_119 : i32
      %get3A_121 = arith.index_cast %add3A_120 : i32 to index
      %get3A_122 = tpu.vector_load %arg6[%get3A_121] {strides = array<i32>} : memref<25600xi32, #tpu.memory_space<vmem>>, vector<16xi32>,
      %min3A_123 = arith.minsi %min3A_118, %get3A_122 : vector<16xi32>
      %add3A_124 = arith.constant 176 : i32
      %add3A_125 = arith.addi %mul3A_73, %add3A_124 : i32
      %get3A_126 = arith.index_cast %add3A_125 : i32 to index
      %get3A_127 = tpu.vector_load %arg6[%get3A_126] {strides = array<i32>} : memref<25600xi32, #tpu.memory_space<vmem>>, vector<16xi32>,
      %min3A_128 = arith.minsi %min3A_123, %get3A_127 : vector<16xi32>
      %add3A_129 = arith.constant 184 : i32
      %add3A_130 = arith.addi %mul3A_73, %add3A_129 : i32
      %get3A_131 = arith.index_cast %add3A_130 : i32 to index
      %get3A_132 = tpu.vector_load %arg6[%get3A_131] {strides = array<i32>} : memref<25600xi32, #tpu.memory_space<vmem>>, vector<16xi32>,
      %min3A_133 = arith.minsi %min3A_128, %get3A_132 : vector<16xi32>
      %reduce_min3A = arith.constant true
      %reduce_min3A_134 = vector.broadcast %reduce_min3A : i1 to vector<16xi1>
      %reduce_min3A_135 = arith.constant -2147483648 : i32
      %reduce_min3A_136 = vector.broadcast %reduce_min3A_135 : i32 to vector<16xi32>
      %reduce_min3A_137 = arith.xori %min3A_133, %reduce_min3A_136 : vector<16xi32>
      %reduce_min3A_138 = tpu.scan <min>, %reduce_min3A_137 masked %reduce_min3A_134 : vector<16xi32>, vector<16xi1> -> vector<16xi32>
      %reduce_min3A_139 = arith.xori %reduce_min3A_138, %reduce_min3A_136 : vector<16xi32>
      %reduce_min3A_140 = vector.extract %reduce_min3A_139[15] : i32 from vector<16xi32>
      %eq3A = arith.constant 0 : i32
      %eq3A_141 = arith.cmpi eq, %reduce_min3A_140, %eq3A : i32
      %dma_wait3A_142 = arith.constant 0 : i32
      %dma_wait3A_143 = arith.constant 0 : i32
      %dma_wait3A_144 = tpu.memref_slice %arg8[%dma_wait3A_142, %dma_wait3A_143] : memref<200x64xf32, #tpu.memory_space<vmem>> -> memref<128x64xf32, #tpu.memory_space<vmem>>
      %dma_wait3A_145 = arith.constant 0 : i32
      %dma_wait3A_146 = arith.constant 0 : i32
      %dma_wait3A_147 = tpu.memref_slice %arg3[%dma_wait3A_145, %dma_wait3A_146] : memref<1000000x64xf32, #tpu.memory_space<hbm>> -> memref<128x64xf32, #tpu.memory_space<hbm>>
      %dma_wait3A_148 = arith.constant 0 : i32
      %dma_wait3A_149 = arith.constant 0 : i32
      %dma_wait3A_150 = tpu.memref_slice %arg8[%dma_wait3A_148, %dma_wait3A_149] : memref<200x64xf32, #tpu.memory_space<vmem>> -> memref<128x64xf32, #tpu.memory_space<vmem>>
      %dma_wait3A_151 = arith.constant 0 : i32
      %dma_wait3A_152 = arith.constant 0 : i32
      %dma_wait3A_153 = tpu.memref_slice %arg3[%dma_wait3A_151, %dma_wait3A_152] : memref<1000000x64xf32, #tpu.memory_space<hbm>> -> memref<128x64xf32, #tpu.memory_space<hbm>>
      tpu.wait_dma2 semaphore(%arg12 : memref<!tpu.dma_semaphore, #tpu.memory_space<semaphore_mem>>) src(%dma_wait3A_153 : memref<128x64xf32, #tpu.memory_space<hbm>>) dst(%dma_wait3A_150 : memref<128x64xf32, #tpu.memory_space<vmem>>)
      %dma_wait3A_154 = arith.constant 128 : i32
      %dma_wait3A_155 = arith.constant 0 : i32
      %dma_wait3A_156 = tpu.memref_slice %arg8[%dma_wait3A_154, %dma_wait3A_155] : memref<200x64xf32, #tpu.memory_space<vmem>> -> memref<72x64xf32, #tpu.memory_space<vmem>>
      %dma_wait3A_157 = arith.constant 0 : i32
      %dma_wait3A_158 = arith.constant 0 : i32
      %dma_wait3A_159 = tpu.memref_slice %arg3[%dma_wait3A_157, %dma_wait3A_158] : memref<1000000x64xf32, #tpu.memory_space<hbm>> -> memref<72x64xf32, #tpu.memory_space<hbm>>
      %dma_wait3A_160 = arith.constant 128 : i32
      %dma_wait3A_161 = arith.constant 0 : i32
      %dma_wait3A_162 = tpu.memref_slice %arg8[%dma_wait3A_160, %dma_wait3A_161] : memref<200x64xf32, #tpu.memory_space<vmem>> -> memref<72x64xf32, #tpu.memory_space<vmem>>
      %dma_wait3A_163 = arith.constant 0 : i32
      %dma_wait3A_164 = arith.constant 0 : i32
      %dma_wait3A_165 = tpu.memref_slice %arg3[%dma_wait3A_163, %dma_wait3A_164] : memref<1000000x64xf32, #tpu.memory_space<hbm>> -> memref<72x64xf32, #tpu.memory_space<hbm>>
      tpu.wait_dma2 semaphore(%arg12 : memref<!tpu.dma_semaphore, #tpu.memory_space<semaphore_mem>>) src(%dma_wait3A_165 : memref<72x64xf32, #tpu.memory_space<hbm>>) dst(%dma_wait3A_162 : memref<72x64xf32, #tpu.memory_space<vmem>>)
      %scan3A_166 = arith.constant 0 : i32
      %scan3A_167 = arith.constant 200 : i32
      %scan3A_168 = arith.addi %scan3A_166, %scan3A_167 : i32
      %scan3A_169 = arith.constant 8 : i32
      scf.for %scan3A_539 = %scan3A_166 to %scan3A_168 step %scan3A_169  : i32 {
        %mul3A_540 = arith.constant 1 : i32
        %mul3A_541 = arith.muli %scan3A_539, %mul3A_540 : i32
        %add3A_542 = arith.constant 0 : i32
        %add3A_543 = arith.addi %add3A_542, %mul3A_541 : i32
        %add3A_544 = arith.constant 1 : i32
        %add3A_545 = arith.addi %add3A_543, %add3A_544 : i32
        %get3A_546 = arith.index_cast %add3A_545 : i32 to index
        %get3A_547 = arith.constant 0 : index
        %get3A_548 = tpu.vector_load %arg7[%get3A_546, %get3A_547] {strides = array<i32>} : memref<201x64xf32, #tpu.memory_space<vmem>>, vector<16xf32>,
        %swap3A = arith.index_cast %add3A_543 : i32 to index
        %swap3A_549 = arith.constant 0 : index
        %swap3A_550 = tpu.vector_load %arg8[%swap3A, %swap3A_549] {strides = array<i32>} : memref<200x64xf32, #tpu.memory_space<vmem>>, vector<16xf32>,
        tpu.vector_store %arg8[%swap3A, %swap3A_549], %get3A_548 {add = true, strides = array<i32>} : memref<200x64xf32, #tpu.memory_space<vmem>>, vector<16xf32>,
        %add3A_551 = arith.constant 1 : i32
        %add3A_552 = arith.addi %add3A_543, %add3A_551 : i32
        %get3A_553 = arith.index_cast %add3A_552 : i32 to index
        %get3A_554 = arith.constant 16 : index
        %get3A_555 = tpu.vector_load %arg7[%get3A_553, %get3A_554] {strides = array<i32>} : memref<201x64xf32, #tpu.memory_space<vmem>>, vector<16xf32>,
        %swap3A_556 = arith.index_cast %add3A_543 : i32 to index
        %swap3A_557 = arith.constant 16 : index
        %swap3A_558 = tpu.vector_load %arg8[%swap3A_556, %swap3A_557] {strides = array<i32>} : memref<200x64xf32, #tpu.memory_space<vmem>>, vector<16xf32>,
        tpu.vector_store %arg8[%swap3A_556, %swap3A_557], %get3A_555 {add = true, strides = array<i32>} : memref<200x64xf32, #tpu.memory_space<vmem>>, vector<16xf32>,
        %add3A_559 = arith.constant 1 : i32
        %add3A_560 = arith.addi %add3A_543, %add3A_559 : i32
        %get3A_561 = arith.index_cast %add3A_560 : i32 to index
        %get3A_562 = arith.constant 32 : index
        %get3A_563 = tpu.vector_load %arg7[%get3A_561, %get3A_562] {strides = array<i32>} : memref<201x64xf32, #tpu.memory_space<vmem>>, vector<16xf32>,
        %swap3A_564 = arith.index_cast %add3A_543 : i32 to index
        %swap3A_565 = arith.constant 32 : index
        %swap3A_566 = tpu.vector_load %arg8[%swap3A_564, %swap3A_565] {strides = array<i32>} : memref<200x64xf32, #tpu.memory_space<vmem>>, vector<16xf32>,
        tpu.vector_store %arg8[%swap3A_564, %swap3A_565], %get3A_563 {add = true, strides = array<i32>} : memref<200x64xf32, #tpu.memory_space<vmem>>, vector<16xf32>,
        %add3A_567 = arith.constant 1 : i32
        %add3A_568 = arith.addi %add3A_543, %add3A_567 : i32
        %get3A_569 = arith.index_cast %add3A_568 : i32 to index
        %get3A_570 = arith.constant 48 : index
        %get3A_571 = tpu.vector_load %arg7[%get3A_569, %get3A_570] {strides = array<i32>} : memref<201x64xf32, #tpu.memory_space<vmem>>, vector<16xf32>,
        %swap3A_572 = arith.index_cast %add3A_543 : i32 to index
        %swap3A_573 = arith.constant 48 : index
        %swap3A_574 = tpu.vector_load %arg8[%swap3A_572, %swap3A_573] {strides = array<i32>} : memref<200x64xf32, #tpu.memory_space<vmem>>, vector<16xf32>,
        tpu.vector_store %arg8[%swap3A_572, %swap3A_573], %get3A_571 {add = true, strides = array<i32>} : memref<200x64xf32, #tpu.memory_space<vmem>>, vector<16xf32>,
        %scan3A_575 = arith.constant 1 : i32
        %scan3A_576 = arith.addi %scan3A_539, %scan3A_575 : i32
        %mul3A_577 = arith.constant 1 : i32
        %mul3A_578 = arith.muli %scan3A_576, %mul3A_577 : i32
        %add3A_579 = arith.constant 0 : i32
        %add3A_580 = arith.addi %add3A_579, %mul3A_578 : i32
        %add3A_581 = arith.constant 1 : i32
        %add3A_582 = arith.addi %add3A_580, %add3A_581 : i32
        %get3A_583 = arith.index_cast %add3A_582 : i32 to index
        %get3A_584 = arith.constant 0 : index
        %get3A_585 = tpu.vector_load %arg7[%get3A_583, %get3A_584] {strides = array<i32>} : memref<201x64xf32, #tpu.memory_space<vmem>>, vector<16xf32>,
        %swap3A_586 = arith.index_cast %add3A_580 : i32 to index
        %swap3A_587 = arith.constant 0 : index
        %swap3A_588 = tpu.vector_load %arg8[%swap3A_586, %swap3A_587] {strides = array<i32>} : memref<200x64xf32, #tpu.memory_space<vmem>>, vector<16xf32>,
        tpu.vector_store %arg8[%swap3A_586, %swap3A_587], %get3A_585 {add = true, strides = array<i32>} : memref<200x64xf32, #tpu.memory_space<vmem>>, vector<16xf32>,
        %add3A_589 = arith.constant 1 : i32
        %add3A_590 = arith.addi %add3A_580, %add3A_589 : i32
        %get3A_591 = arith.index_cast %add3A_590 : i32 to index
        %get3A_592 = arith.constant 16 : index
        %get3A_593 = tpu.vector_load %arg7[%get3A_591, %get3A_592] {strides = array<i32>} : memref<201x64xf32, #tpu.memory_space<vmem>>, vector<16xf32>,
        %swap3A_594 = arith.index_cast %add3A_580 : i32 to index
        %swap3A_595 = arith.constant 16 : index
        %swap3A_596 = tpu.vector_load %arg8[%swap3A_594, %swap3A_595] {strides = array<i32>} : memref<200x64xf32, #tpu.memory_space<vmem>>, vector<16xf32>,
        tpu.vector_store %arg8[%swap3A_594, %swap3A_595], %get3A_593 {add = true, strides = array<i32>} : memref<200x64xf32, #tpu.memory_space<vmem>>, vector<16xf32>,
        %add3A_597 = arith.constant 1 : i32
        %add3A_598 = arith.addi %add3A_580, %add3A_597 : i32
        %get3A_599 = arith.index_cast %add3A_598 : i32 to index
        %get3A_600 = arith.constant 32 : index
        %get3A_601 = tpu.vector_load %arg7[%get3A_599, %get3A_600] {strides = array<i32>} : memref<201x64xf32, #tpu.memory_space<vmem>>, vector<16xf32>,
        %swap3A_602 = arith.index_cast %add3A_580 : i32 to index
        %swap3A_603 = arith.constant 32 : index
        %swap3A_604 = tpu.vector_load %arg8[%swap3A_602, %swap3A_603] {strides = array<i32>} : memref<200x64xf32, #tpu.memory_space<vmem>>, vector<16xf32>,
        tpu.vector_store %arg8[%swap3A_602, %swap3A_603], %get3A_601 {add = true, strides = array<i32>} : memref<200x64xf32, #tpu.memory_space<vmem>>, vector<16xf32>,
        %add3A_605 = arith.constant 1 : i32
        %add3A_606 = arith.addi %add3A_580, %add3A_605 : i32
        %get3A_607 = arith.index_cast %add3A_606 : i32 to index
        %get3A_608 = arith.constant 48 : index
        %get3A_609 = tpu.vector_load %arg7[%get3A_607, %get3A_608] {strides = array<i32>} : memref<201x64xf32, #tpu.memory_space<vmem>>, vector<16xf32>,
        %swap3A_610 = arith.index_cast %add3A_580 : i32 to index
        %swap3A_611 = arith.constant 48 : index
        %swap3A_612 = tpu.vector_load %arg8[%swap3A_610, %swap3A_611] {strides = array<i32>} : memref<200x64xf32, #tpu.memory_space<vmem>>, vector<16xf32>,
        tpu.vector_store %arg8[%swap3A_610, %swap3A_611], %get3A_609 {add = true, strides = array<i32>} : memref<200x64xf32, #tpu.memory_space<vmem>>, vector<16xf32>,
        %scan3A_613 = arith.constant 2 : i32
        %scan3A_614 = arith.addi %scan3A_539, %scan3A_613 : i32
        %mul3A_615 = arith.constant 1 : i32
        %mul3A_616 = arith.muli %scan3A_614, %mul3A_615 : i32
        %add3A_617 = arith.constant 0 : i32
        %add3A_618 = arith.addi %add3A_617, %mul3A_616 : i32
        %add3A_619 = arith.constant 1 : i32
        %add3A_620 = arith.addi %add3A_618, %add3A_619 : i32
        %get3A_621 = arith.index_cast %add3A_620 : i32 to index
        %get3A_622 = arith.constant 0 : index
        %get3A_623 = tpu.vector_load %arg7[%get3A_621, %get3A_622] {strides = array<i32>} : memref<201x64xf32, #tpu.memory_space<vmem>>, vector<16xf32>,
        %swap3A_624 = arith.index_cast %add3A_618 : i32 to index
        %swap3A_625 = arith.constant 0 : index
        %swap3A_626 = tpu.vector_load %arg8[%swap3A_624, %swap3A_625] {strides = array<i32>} : memref<200x64xf32, #tpu.memory_space<vmem>>, vector<16xf32>,
        tpu.vector_store %arg8[%swap3A_624, %swap3A_625], %get3A_623 {add = true, strides = array<i32>} : memref<200x64xf32, #tpu.memory_space<vmem>>, vector<16xf32>,
        %add3A_627 = arith.constant 1 : i32
        %add3A_628 = arith.addi %add3A_618, %add3A_627 : i32
        %get3A_629 = arith.index_cast %add3A_628 : i32 to index
        %get3A_630 = arith.constant 16 : index
        %get3A_631 = tpu.vector_load %arg7[%get3A_629, %get3A_630] {strides = array<i32>} : memref<201x64xf32, #tpu.memory_space<vmem>>, vector<16xf32>,
        %swap3A_632 = arith.index_cast %add3A_618 : i32 to index
        %swap3A_633 = arith.constant 16 : index
        %swap3A_634 = tpu.vector_load %arg8[%swap3A_632, %swap3A_633] {strides = array<i32>} : memref<200x64xf32, #tpu.memory_space<vmem>>, vector<16xf32>,
        tpu.vector_store %arg8[%swap3A_632, %swap3A_633], %get3A_631 {add = true, strides = array<i32>} : memref<200x64xf32, #tpu.memory_space<vmem>>, vector<16xf32>,
        %add3A_635 = arith.constant 1 : i32
        %add3A_636 = arith.addi %add3A_618, %add3A_635 : i32
        %get3A_637 = arith.index_cast %add3A_636 : i32 to index
        %get3A_638 = arith.constant 32 : index
        %get3A_639 = tpu.vector_load %arg7[%get3A_637, %get3A_638] {strides = array<i32>} : memref<201x64xf32, #tpu.memory_space<vmem>>, vector<16xf32>,
        %swap3A_640 = arith.index_cast %add3A_618 : i32 to index
        %swap3A_641 = arith.constant 32 : index
        %swap3A_642 = tpu.vector_load %arg8[%swap3A_640, %swap3A_641] {strides = array<i32>} : memref<200x64xf32, #tpu.memory_space<vmem>>, vector<16xf32>,
        tpu.vector_store %arg8[%swap3A_640, %swap3A_641], %get3A_639 {add = true, strides = array<i32>} : memref<200x64xf32, #tpu.memory_space<vmem>>, vector<16xf32>,
        %add3A_643 = arith.constant 1 : i32
        %add3A_644 = arith.addi %add3A_618, %add3A_643 : i32
        %get3A_645 = arith.index_cast %add3A_644 : i32 to index
        %get3A_646 = arith.constant 48 : index
        %get3A_647 = tpu.vector_load %arg7[%get3A_645, %get3A_646] {strides = array<i32>} : memref<201x64xf32, #tpu.memory_space<vmem>>, vector<16xf32>,
        %swap3A_648 = arith.index_cast %add3A_618 : i32 to index
        %swap3A_649 = arith.constant 48 : index
        %swap3A_650 = tpu.vector_load %arg8[%swap3A_648, %swap3A_649] {strides = array<i32>} : memref<200x64xf32, #tpu.memory_space<vmem>>, vector<16xf32>,
        tpu.vector_store %arg8[%swap3A_648, %swap3A_649], %get3A_647 {add = true, strides = array<i32>} : memref<200x64xf32, #tpu.memory_space<vmem>>, vector<16xf32>,
        %scan3A_651 = arith.constant 3 : i32
        %scan3A_652 = arith.addi %scan3A_539, %scan3A_651 : i32
        %mul3A_653 = arith.constant 1 : i32
        %mul3A_654 = arith.muli %scan3A_652, %mul3A_653 : i32
        %add3A_655 = arith.constant 0 : i32
        %add3A_656 = arith.addi %add3A_655, %mul3A_654 : i32
        %add3A_657 = arith.constant 1 : i32
        %add3A_658 = arith.addi %add3A_656, %add3A_657 : i32
        %get3A_659 = arith.index_cast %add3A_658 : i32 to index
        %get3A_660 = arith.constant 0 : index
        %get3A_661 = tpu.vector_load %arg7[%get3A_659, %get3A_660] {strides = array<i32>} : memref<201x64xf32, #tpu.memory_space<vmem>>, vector<16xf32>,
        %swap3A_662 = arith.index_cast %add3A_656 : i32 to index
        %swap3A_663 = arith.constant 0 : index
        %swap3A_664 = tpu.vector_load %arg8[%swap3A_662, %swap3A_663] {strides = array<i32>} : memref<200x64xf32, #tpu.memory_space<vmem>>, vector<16xf32>,
        tpu.vector_store %arg8[%swap3A_662, %swap3A_663], %get3A_661 {add = true, strides = array<i32>} : memref<200x64xf32, #tpu.memory_space<vmem>>, vector<16xf32>,
        %add3A_665 = arith.constant 1 : i32
        %add3A_666 = arith.addi %add3A_656, %add3A_665 : i32
        %get3A_667 = arith.index_cast %add3A_666 : i32 to index
        %get3A_668 = arith.constant 16 : index
        %get3A_669 = tpu.vector_load %arg7[%get3A_667, %get3A_668] {strides = array<i32>} : memref<201x64xf32, #tpu.memory_space<vmem>>, vector<16xf32>,
        %swap3A_670 = arith.index_cast %add3A_656 : i32 to index
        %swap3A_671 = arith.constant 16 : index
        %swap3A_672 = tpu.vector_load %arg8[%swap3A_670, %swap3A_671] {strides = array<i32>} : memref<200x64xf32, #tpu.memory_space<vmem>>, vector<16xf32>,
        tpu.vector_store %arg8[%swap3A_670, %swap3A_671], %get3A_669 {add = true, strides = array<i32>} : memref<200x64xf32, #tpu.memory_space<vmem>>, vector<16xf32>,
        %add3A_673 = arith.constant 1 : i32
        %add3A_674 = arith.addi %add3A_656, %add3A_673 : i32
        %get3A_675 = arith.index_cast %add3A_674 : i32 to index
        %get3A_676 = arith.constant 32 : index
        %get3A_677 = tpu.vector_load %arg7[%get3A_675, %get3A_676] {strides = array<i32>} : memref<201x64xf32, #tpu.memory_space<vmem>>, vector<16xf32>,
        %swap3A_678 = arith.index_cast %add3A_656 : i32 to index
        %swap3A_679 = arith.constant 32 : index
        %swap3A_680 = tpu.vector_load %arg8[%swap3A_678, %swap3A_679] {strides = array<i32>} : memref<200x64xf32, #tpu.memory_space<vmem>>, vector<16xf32>,
        tpu.vector_store %arg8[%swap3A_678, %swap3A_679], %get3A_677 {add = true, strides = array<i32>} : memref<200x64xf32, #tpu.memory_space<vmem>>, vector<16xf32>,
        %add3A_681 = arith.constant 1 : i32
        %add3A_682 = arith.addi %add3A_656, %add3A_681 : i32
        %get3A_683 = arith.index_cast %add3A_682 : i32 to index
        %get3A_684 = arith.constant 48 : index
        %get3A_685 = tpu.vector_load %arg7[%get3A_683, %get3A_684] {strides = array<i32>} : memref<201x64xf32, #tpu.memory_space<vmem>>, vector<16xf32>,
        %swap3A_686 = arith.index_cast %add3A_656 : i32 to index
        %swap3A_687 = arith.constant 48 : index
        %swap3A_688 = tpu.vector_load %arg8[%swap3A_686, %swap3A_687] {strides = array<i32>} : memref<200x64xf32, #tpu.memory_space<vmem>>, vector<16xf32>,
        tpu.vector_store %arg8[%swap3A_686, %swap3A_687], %get3A_685 {add = true, strides = array<i32>} : memref<200x64xf32, #tpu.memory_space<vmem>>, vector<16xf32>,
        %scan3A_689 = arith.constant 4 : i32
        %scan3A_690 = arith.addi %scan3A_539, %scan3A_689 : i32
        %mul3A_691 = arith.constant 1 : i32
        %mul3A_692 = arith.muli %scan3A_690, %mul3A_691 : i32
        %add3A_693 = arith.constant 0 : i32
        %add3A_694 = arith.addi %add3A_693, %mul3A_692 : i32
        %add3A_695 = arith.constant 1 : i32
        %add3A_696 = arith.addi %add3A_694, %add3A_695 : i32
        %get3A_697 = arith.index_cast %add3A_696 : i32 to index
        %get3A_698 = arith.constant 0 : index
        %get3A_699 = tpu.vector_load %arg7[%get3A_697, %get3A_698] {strides = array<i32>} : memref<201x64xf32, #tpu.memory_space<vmem>>, vector<16xf32>,
        %swap3A_700 = arith.index_cast %add3A_694 : i32 to index
        %swap3A_701 = arith.constant 0 : index
        %swap3A_702 = tpu.vector_load %arg8[%swap3A_700, %swap3A_701] {strides = array<i32>} : memref<200x64xf32, #tpu.memory_space<vmem>>, vector<16xf32>,
        tpu.vector_store %arg8[%swap3A_700, %swap3A_701], %get3A_699 {add = true, strides = array<i32>} : memref<200x64xf32, #tpu.memory_space<vmem>>, vector<16xf32>,
        %add3A_703 = arith.constant 1 : i32
        %add3A_704 = arith.addi %add3A_694, %add3A_703 : i32
        %get3A_705 = arith.index_cast %add3A_704 : i32 to index
        %get3A_706 = arith.constant 16 : index
        %get3A_707 = tpu.vector_load %arg7[%get3A_705, %get3A_706] {strides = array<i32>} : memref<201x64xf32, #tpu.memory_space<vmem>>, vector<16xf32>,
        %swap3A_708 = arith.index_cast %add3A_694 : i32 to index
        %swap3A_709 = arith.constant 16 : index
        %swap3A_710 = tpu.vector_load %arg8[%swap3A_708, %swap3A_709] {strides = array<i32>} : memref<200x64xf32, #tpu.memory_space<vmem>>, vector<16xf32>,
        tpu.vector_store %arg8[%swap3A_708, %swap3A_709], %get3A_707 {add = true, strides = array<i32>} : memref<200x64xf32, #tpu.memory_space<vmem>>, vector<16xf32>,
        %add3A_711 = arith.constant 1 : i32
        %add3A_712 = arith.addi %add3A_694, %add3A_711 : i32
        %get3A_713 = arith.index_cast %add3A_712 : i32 to index
        %get3A_714 = arith.constant 32 : index
        %get3A_715 = tpu.vector_load %arg7[%get3A_713, %get3A_714] {strides = array<i32>} : memref<201x64xf32, #tpu.memory_space<vmem>>, vector<16xf32>,
        %swap3A_716 = arith.index_cast %add3A_694 : i32 to index
        %swap3A_717 = arith.constant 32 : index
        %swap3A_718 = tpu.vector_load %arg8[%swap3A_716, %swap3A_717] {strides = array<i32>} : memref<200x64xf32, #tpu.memory_space<vmem>>, vector<16xf32>,
        tpu.vector_store %arg8[%swap3A_716, %swap3A_717], %get3A_715 {add = true, strides = array<i32>} : memref<200x64xf32, #tpu.memory_space<vmem>>, vector<16xf32>,
        %add3A_719 = arith.constant 1 : i32
        %add3A_720 = arith.addi %add3A_694, %add3A_719 : i32
        %get3A_721 = arith.index_cast %add3A_720 : i32 to index
        %get3A_722 = arith.constant 48 : index
        %get3A_723 = tpu.vector_load %arg7[%get3A_721, %get3A_722] {strides = array<i32>} : memref<201x64xf32, #tpu.memory_space<vmem>>, vector<16xf32>,
        %swap3A_724 = arith.index_cast %add3A_694 : i32 to index
        %swap3A_725 = arith.constant 48 : index
        %swap3A_726 = tpu.vector_load %arg8[%swap3A_724, %swap3A_725] {strides = array<i32>} : memref<200x64xf32, #tpu.memory_space<vmem>>, vector<16xf32>,
        tpu.vector_store %arg8[%swap3A_724, %swap3A_725], %get3A_723 {add = true, strides = array<i32>} : memref<200x64xf32, #tpu.memory_space<vmem>>, vector<16xf32>,
        %scan3A_727 = arith.constant 5 : i32
        %scan3A_728 = arith.addi %scan3A_539, %scan3A_727 : i32
        %mul3A_729 = arith.constant 1 : i32
        %mul3A_730 = arith.muli %scan3A_728, %mul3A_729 : i32
        %add3A_731 = arith.constant 0 : i32
        %add3A_732 = arith.addi %add3A_731, %mul3A_730 : i32
        %add3A_733 = arith.constant 1 : i32
        %add3A_734 = arith.addi %add3A_732, %add3A_733 : i32
        %get3A_735 = arith.index_cast %add3A_734 : i32 to index
        %get3A_736 = arith.constant 0 : index
        %get3A_737 = tpu.vector_load %arg7[%get3A_735, %get3A_736] {strides = array<i32>} : memref<201x64xf32, #tpu.memory_space<vmem>>, vector<16xf32>,
        %swap3A_738 = arith.index_cast %add3A_732 : i32 to index
        %swap3A_739 = arith.constant 0 : index
        %swap3A_740 = tpu.vector_load %arg8[%swap3A_738, %swap3A_739] {strides = array<i32>} : memref<200x64xf32, #tpu.memory_space<vmem>>, vector<16xf32>,
        tpu.vector_store %arg8[%swap3A_738, %swap3A_739], %get3A_737 {add = true, strides = array<i32>} : memref<200x64xf32, #tpu.memory_space<vmem>>, vector<16xf32>,
        %add3A_741 = arith.constant 1 : i32
        %add3A_742 = arith.addi %add3A_732, %add3A_741 : i32
        %get3A_743 = arith.index_cast %add3A_742 : i32 to index
        %get3A_744 = arith.constant 16 : index
        %get3A_745 = tpu.vector_load %arg7[%get3A_743, %get3A_744] {strides = array<i32>} : memref<201x64xf32, #tpu.memory_space<vmem>>, vector<16xf32>,
        %swap3A_746 = arith.index_cast %add3A_732 : i32 to index
        %swap3A_747 = arith.constant 16 : index
        %swap3A_748 = tpu.vector_load %arg8[%swap3A_746, %swap3A_747] {strides = array<i32>} : memref<200x64xf32, #tpu.memory_space<vmem>>, vector<16xf32>,
        tpu.vector_store %arg8[%swap3A_746, %swap3A_747], %get3A_745 {add = true, strides = array<i32>} : memref<200x64xf32, #tpu.memory_space<vmem>>, vector<16xf32>,
        %add3A_749 = arith.constant 1 : i32
        %add3A_750 = arith.addi %add3A_732, %add3A_749 : i32
        %get3A_751 = arith.index_cast %add3A_750 : i32 to index
        %get3A_752 = arith.constant 32 : index
        %get3A_753 = tpu.vector_load %arg7[%get3A_751, %get3A_752] {strides = array<i32>} : memref<201x64xf32, #tpu.memory_space<vmem>>, vector<16xf32>,
        %swap3A_754 = arith.index_cast %add3A_732 : i32 to index
        %swap3A_755 = arith.constant 32 : index
        %swap3A_756 = tpu.vector_load %arg8[%swap3A_754, %swap3A_755] {strides = array<i32>} : memref<200x64xf32, #tpu.memory_space<vmem>>, vector<16xf32>,
        tpu.vector_store %arg8[%swap3A_754, %swap3A_755], %get3A_753 {add = true, strides = array<i32>} : memref<200x64xf32, #tpu.memory_space<vmem>>, vector<16xf32>,
        %add3A_757 = arith.constant 1 : i32
        %add3A_758 = arith.addi %add3A_732, %add3A_757 : i32
        %get3A_759 = arith.index_cast %add3A_758 : i32 to index
        %get3A_760 = arith.constant 48 : index
        %get3A_761 = tpu.vector_load %arg7[%get3A_759, %get3A_760] {strides = array<i32>} : memref<201x64xf32, #tpu.memory_space<vmem>>, vector<16xf32>,
        %swap3A_762 = arith.index_cast %add3A_732 : i32 to index
        %swap3A_763 = arith.constant 48 : index
        %swap3A_764 = tpu.vector_load %arg8[%swap3A_762, %swap3A_763] {strides = array<i32>} : memref<200x64xf32, #tpu.memory_space<vmem>>, vector<16xf32>,
        tpu.vector_store %arg8[%swap3A_762, %swap3A_763], %get3A_761 {add = true, strides = array<i32>} : memref<200x64xf32, #tpu.memory_space<vmem>>, vector<16xf32>,
        %scan3A_765 = arith.constant 6 : i32
        %scan3A_766 = arith.addi %scan3A_539, %scan3A_765 : i32
        %mul3A_767 = arith.constant 1 : i32
        %mul3A_768 = arith.muli %scan3A_766, %mul3A_767 : i32
        %add3A_769 = arith.constant 0 : i32
        %add3A_770 = arith.addi %add3A_769, %mul3A_768 : i32
        %add3A_771 = arith.constant 1 : i32
        %add3A_772 = arith.addi %add3A_770, %add3A_771 : i32
        %get3A_773 = arith.index_cast %add3A_772 : i32 to index
        %get3A_774 = arith.constant 0 : index
        %get3A_775 = tpu.vector_load %arg7[%get3A_773, %get3A_774] {strides = array<i32>} : memref<201x64xf32, #tpu.memory_space<vmem>>, vector<16xf32>,
        %swap3A_776 = arith.index_cast %add3A_770 : i32 to index
        %swap3A_777 = arith.constant 0 : index
        %swap3A_778 = tpu.vector_load %arg8[%swap3A_776, %swap3A_777] {strides = array<i32>} : memref<200x64xf32, #tpu.memory_space<vmem>>, vector<16xf32>,
        tpu.vector_store %arg8[%swap3A_776, %swap3A_777], %get3A_775 {add = true, strides = array<i32>} : memref<200x64xf32, #tpu.memory_space<vmem>>, vector<16xf32>,
        %add3A_779 = arith.constant 1 : i32
        %add3A_780 = arith.addi %add3A_770, %add3A_779 : i32
        %get3A_781 = arith.index_cast %add3A_780 : i32 to index
        %get3A_782 = arith.constant 16 : index
        %get3A_783 = tpu.vector_load %arg7[%get3A_781, %get3A_782] {strides = array<i32>} : memref<201x64xf32, #tpu.memory_space<vmem>>, vector<16xf32>,
        %swap3A_784 = arith.index_cast %add3A_770 : i32 to index
        %swap3A_785 = arith.constant 16 : index
        %swap3A_786 = tpu.vector_load %arg8[%swap3A_784, %swap3A_785] {strides = array<i32>} : memref<200x64xf32, #tpu.memory_space<vmem>>, vector<16xf32>,
        tpu.vector_store %arg8[%swap3A_784, %swap3A_785], %get3A_783 {add = true, strides = array<i32>} : memref<200x64xf32, #tpu.memory_space<vmem>>, vector<16xf32>,
        %add3A_787 = arith.constant 1 : i32
        %add3A_788 = arith.addi %add3A_770, %add3A_787 : i32
        %get3A_789 = arith.index_cast %add3A_788 : i32 to index
        %get3A_790 = arith.constant 32 : index
        %get3A_791 = tpu.vector_load %arg7[%get3A_789, %get3A_790] {strides = array<i32>} : memref<201x64xf32, #tpu.memory_space<vmem>>, vector<16xf32>,
        %swap3A_792 = arith.index_cast %add3A_770 : i32 to index
        %swap3A_793 = arith.constant 32 : index
        %swap3A_794 = tpu.vector_load %arg8[%swap3A_792, %swap3A_793] {strides = array<i32>} : memref<200x64xf32, #tpu.memory_space<vmem>>, vector<16xf32>,
        tpu.vector_store %arg8[%swap3A_792, %swap3A_793], %get3A_791 {add = true, strides = array<i32>} : memref<200x64xf32, #tpu.memory_space<vmem>>, vector<16xf32>,
        %add3A_795 = arith.constant 1 : i32
        %add3A_796 = arith.addi %add3A_770, %add3A_795 : i32
        %get3A_797 = arith.index_cast %add3A_796 : i32 to index
        %get3A_798 = arith.constant 48 : index
        %get3A_799 = tpu.vector_load %arg7[%get3A_797, %get3A_798] {strides = array<i32>} : memref<201x64xf32, #tpu.memory_space<vmem>>, vector<16xf32>,
        %swap3A_800 = arith.index_cast %add3A_770 : i32 to index
        %swap3A_801 = arith.constant 48 : index
        %swap3A_802 = tpu.vector_load %arg8[%swap3A_800, %swap3A_801] {strides = array<i32>} : memref<200x64xf32, #tpu.memory_space<vmem>>, vector<16xf32>,
        tpu.vector_store %arg8[%swap3A_800, %swap3A_801], %get3A_799 {add = true, strides = array<i32>} : memref<200x64xf32, #tpu.memory_space<vmem>>, vector<16xf32>,
        %scan3A_803 = arith.constant 7 : i32
        %scan3A_804 = arith.addi %scan3A_539, %scan3A_803 : i32
        %mul3A_805 = arith.constant 1 : i32
        %mul3A_806 = arith.muli %scan3A_804, %mul3A_805 : i32
        %add3A_807 = arith.constant 0 : i32
        %add3A_808 = arith.addi %add3A_807, %mul3A_806 : i32
        %add3A_809 = arith.constant 1 : i32
        %add3A_810 = arith.addi %add3A_808, %add3A_809 : i32
        %get3A_811 = arith.index_cast %add3A_810 : i32 to index
        %get3A_812 = arith.constant 0 : index
        %get3A_813 = tpu.vector_load %arg7[%get3A_811, %get3A_812] {strides = array<i32>} : memref<201x64xf32, #tpu.memory_space<vmem>>, vector<16xf32>,
        %swap3A_814 = arith.index_cast %add3A_808 : i32 to index
        %swap3A_815 = arith.constant 0 : index
        %swap3A_816 = tpu.vector_load %arg8[%swap3A_814, %swap3A_815] {strides = array<i32>} : memref<200x64xf32, #tpu.memory_space<vmem>>, vector<16xf32>,
        tpu.vector_store %arg8[%swap3A_814, %swap3A_815], %get3A_813 {add = true, strides = array<i32>} : memref<200x64xf32, #tpu.memory_space<vmem>>, vector<16xf32>,
        %add3A_817 = arith.constant 1 : i32
        %add3A_818 = arith.addi %add3A_808, %add3A_817 : i32
        %get3A_819 = arith.index_cast %add3A_818 : i32 to index
        %get3A_820 = arith.constant 16 : index
        %get3A_821 = tpu.vector_load %arg7[%get3A_819, %get3A_820] {strides = array<i32>} : memref<201x64xf32, #tpu.memory_space<vmem>>, vector<16xf32>,
        %swap3A_822 = arith.index_cast %add3A_808 : i32 to index
        %swap3A_823 = arith.constant 16 : index
        %swap3A_824 = tpu.vector_load %arg8[%swap3A_822, %swap3A_823] {strides = array<i32>} : memref<200x64xf32, #tpu.memory_space<vmem>>, vector<16xf32>,
        tpu.vector_store %arg8[%swap3A_822, %swap3A_823], %get3A_821 {add = true, strides = array<i32>} : memref<200x64xf32, #tpu.memory_space<vmem>>, vector<16xf32>,
        %add3A_825 = arith.constant 1 : i32
        %add3A_826 = arith.addi %add3A_808, %add3A_825 : i32
        %get3A_827 = arith.index_cast %add3A_826 : i32 to index
        %get3A_828 = arith.constant 32 : index
        %get3A_829 = tpu.vector_load %arg7[%get3A_827, %get3A_828] {strides = array<i32>} : memref<201x64xf32, #tpu.memory_space<vmem>>, vector<16xf32>,
        %swap3A_830 = arith.index_cast %add3A_808 : i32 to index
        %swap3A_831 = arith.constant 32 : index
        %swap3A_832 = tpu.vector_load %arg8[%swap3A_830, %swap3A_831] {strides = array<i32>} : memref<200x64xf32, #tpu.memory_space<vmem>>, vector<16xf32>,
        tpu.vector_store %arg8[%swap3A_830, %swap3A_831], %get3A_829 {add = true, strides = array<i32>} : memref<200x64xf32, #tpu.memory_space<vmem>>, vector<16xf32>,
        %add3A_833 = arith.constant 1 : i32
        %add3A_834 = arith.addi %add3A_808, %add3A_833 : i32
        %get3A_835 = arith.index_cast %add3A_834 : i32 to index
        %get3A_836 = arith.constant 48 : index
        %get3A_837 = tpu.vector_load %arg7[%get3A_835, %get3A_836] {strides = array<i32>} : memref<201x64xf32, #tpu.memory_space<vmem>>, vector<16xf32>,
        %swap3A_838 = arith.index_cast %add3A_808 : i32 to index
        %swap3A_839 = arith.constant 48 : index
        %swap3A_840 = tpu.vector_load %arg8[%swap3A_838, %swap3A_839] {strides = array<i32>} : memref<200x64xf32, #tpu.memory_space<vmem>>, vector<16xf32>,
        tpu.vector_store %arg8[%swap3A_838, %swap3A_839], %get3A_837 {add = true, strides = array<i32>} : memref<200x64xf32, #tpu.memory_space<vmem>>, vector<16xf32>,
      }
      %scan3A_170 = arith.constant 200 : i32
      %convert_element_type3A_171 = arith.extui %eq3A_141 : i1 to i32
      %cond3A_172 = arith.constant 0 : i32
      %cond3A_173 = arith.cmpi ne, %convert_element_type3A_171, %cond3A_172 : i32
      scf.if %cond3A_173 {
        %scan3A_539 = arith.constant 0 : i32
        %scan3A_540 = arith.constant 200 : i32
        %scan3A_541 = arith.addi %scan3A_539, %scan3A_540 : i32
        %scan3A_542 = arith.constant 1 : i32
        scf.for %scan3A_544 = %scan3A_539 to %scan3A_541 step %scan3A_542  : i32 {
          %mul3A_545 = arith.constant 1 : i32
          %mul3A_546 = arith.muli %scan3A_544, %mul3A_545 : i32
          %add3A_547 = arith.constant 0 : i32
          %add3A_548 = arith.addi %add3A_547, %mul3A_546 : i32
          %add3A_549 = arith.addi %mul3A_73, %add3A_548 : i32
          %broadcast_in_dim3A = vector.broadcast %add3A_549 : i32 to vector<16xi32>
          %gather3A = tpu.vector_load_idx %arg6[%broadcast_in_dim3A] : memref<25600xi32, #tpu.memory_space<vmem>>[vector<16xi32>], vector<16xi32>,
          %eq3A_550 = arith.constant 0 : i32
          %eq3A_551 = vector.broadcast %eq3A_550 : i32 to vector<16xi32>
          %eq3A_552 = arith.cmpi eq, %gather3A, %eq3A_551 : vector<16xi32>
          %jit3A = arith.constant 1.000000e+00 : f32
          %jit3A_553 = arith.constant 0.000000e+00 : f32
          %broadcast_in_dim3A_554 = vector.broadcast %jit3A : f32 to vector<16xf32>
          %broadcast_in_dim3A_555 = vector.broadcast %jit3A_553 : f32 to vector<16xf32>
          %select_n3A = arith.select %eq3A_552, %broadcast_in_dim3A_554, %broadcast_in_dim3A_555 : vector<16xi1>, vector<16xf32>
          %get3A_556 = arith.constant 0 : i32
          %get3A_557 = arith.index_cast %get3A_556 : i32 to index
          %get3A_558 = arith.constant 0 : index
          %get3A_559 = tpu.vector_load %arg7[%get3A_557, %get3A_558] {strides = array<i32>} : memref<201x64xf32, #tpu.memory_space<vmem>>, vector<16xf32>,
          %add3A_560 = arith.constant 1 : i32
          %add3A_561 = arith.addi %add3A_548, %add3A_560 : i32
          %get3A_562 = arith.index_cast %add3A_561 : i32 to index
          %get3A_563 = arith.constant 0 : index
          %get3A_564 = tpu.vector_load %arg7[%get3A_562, %get3A_563] {strides = array<i32>} : memref<201x64xf32, #tpu.memory_space<vmem>>, vector<16xf32>,
          %sub3A = arith.subf %get3A_559, %get3A_564 : vector<16xf32>
          %mul3A_565 = arith.mulf %select_n3A, %sub3A : vector<16xf32>
          %swap3A = arith.index_cast %add3A_548 : i32 to index
          %swap3A_566 = arith.constant 0 : index
          %swap3A_567 = tpu.vector_load %arg8[%swap3A, %swap3A_566] {strides = array<i32>} : memref<200x64xf32, #tpu.memory_space<vmem>>, vector<16xf32>,
          tpu.vector_store %arg8[%swap3A, %swap3A_566], %mul3A_565 {add = true, strides = array<i32>} : memref<200x64xf32, #tpu.memory_space<vmem>>, vector<16xf32>,
          %get3A_568 = arith.constant 0 : i32
          %get3A_569 = arith.index_cast %get3A_568 : i32 to index
          %get3A_570 = arith.constant 16 : index
          %get3A_571 = tpu.vector_load %arg7[%get3A_569, %get3A_570] {strides = array<i32>} : memref<201x64xf32, #tpu.memory_space<vmem>>, vector<16xf32>,
          %add3A_572 = arith.constant 1 : i32
          %add3A_573 = arith.addi %add3A_548, %add3A_572 : i32
          %get3A_574 = arith.index_cast %add3A_573 : i32 to index
          %get3A_575 = arith.constant 16 : index
          %get3A_576 = tpu.vector_load %arg7[%get3A_574, %get3A_575] {strides = array<i32>} : memref<201x64xf32, #tpu.memory_space<vmem>>, vector<16xf32>,
          %sub3A_577 = arith.subf %get3A_571, %get3A_576 : vector<16xf32>
          %mul3A_578 = arith.mulf %select_n3A, %sub3A_577 : vector<16xf32>
          %swap3A_579 = arith.index_cast %add3A_548 : i32 to index
          %swap3A_580 = arith.constant 16 : index
          %swap3A_581 = tpu.vector_load %arg8[%swap3A_579, %swap3A_580] {strides = array<i32>} : memref<200x64xf32, #tpu.memory_space<vmem>>, vector<16xf32>,
          tpu.vector_store %arg8[%swap3A_579, %swap3A_580], %mul3A_578 {add = true, strides = array<i32>} : memref<200x64xf32, #tpu.memory_space<vmem>>, vector<16xf32>,
          %get3A_582 = arith.constant 0 : i32
          %get3A_583 = arith.index_cast %get3A_582 : i32 to index
          %get3A_584 = arith.constant 32 : index
          %get3A_585 = tpu.vector_load %arg7[%get3A_583, %get3A_584] {strides = array<i32>} : memref<201x64xf32, #tpu.memory_space<vmem>>, vector<16xf32>,
          %add3A_586 = arith.constant 1 : i32
          %add3A_587 = arith.addi %add3A_548, %add3A_586 : i32
          %get3A_588 = arith.index_cast %add3A_587 : i32 to index
          %get3A_589 = arith.constant 32 : index
          %get3A_590 = tpu.vector_load %arg7[%get3A_588, %get3A_589] {strides = array<i32>} : memref<201x64xf32, #tpu.memory_space<vmem>>, vector<16xf32>,
          %sub3A_591 = arith.subf %get3A_585, %get3A_590 : vector<16xf32>
          %mul3A_592 = arith.mulf %select_n3A, %sub3A_591 : vector<16xf32>
          %swap3A_593 = arith.index_cast %add3A_548 : i32 to index
          %swap3A_594 = arith.constant 32 : index
          %swap3A_595 = tpu.vector_load %arg8[%swap3A_593, %swap3A_594] {strides = array<i32>} : memref<200x64xf32, #tpu.memory_space<vmem>>, vector<16xf32>,
          tpu.vector_store %arg8[%swap3A_593, %swap3A_594], %mul3A_592 {add = true, strides = array<i32>} : memref<200x64xf32, #tpu.memory_space<vmem>>, vector<16xf32>,
          %get3A_596 = arith.constant 0 : i32
          %get3A_597 = arith.index_cast %get3A_596 : i32 to index
          %get3A_598 = arith.constant 48 : index
          %get3A_599 = tpu.vector_load %arg7[%get3A_597, %get3A_598] {strides = array<i32>} : memref<201x64xf32, #tpu.memory_space<vmem>>, vector<16xf32>,
          %add3A_600 = arith.constant 1 : i32
          %add3A_601 = arith.addi %add3A_548, %add3A_600 : i32
          %get3A_602 = arith.index_cast %add3A_601 : i32 to index
          %get3A_603 = arith.constant 48 : index
          %get3A_604 = tpu.vector_load %arg7[%get3A_602, %get3A_603] {strides = array<i32>} : memref<201x64xf32, #tpu.memory_space<vmem>>, vector<16xf32>,
          %sub3A_605 = arith.subf %get3A_599, %get3A_604 : vector<16xf32>
          %mul3A_606 = arith.mulf %select_n3A, %sub3A_605 : vector<16xf32>
          %swap3A_607 = arith.index_cast %add3A_548 : i32 to index
          %swap3A_608 = arith.constant 48 : index
          %swap3A_609 = tpu.vector_load %arg8[%swap3A_607, %swap3A_608] {strides = array<i32>} : memref<200x64xf32, #tpu.memory_space<vmem>>, vector<16xf32>,
          tpu.vector_store %arg8[%swap3A_607, %swap3A_608], %mul3A_606 {add = true, strides = array<i32>} : memref<200x64xf32, #tpu.memory_space<vmem>>, vector<16xf32>,
        }
        %scan3A_543 = arith.constant 200 : i32
      } else {
      }
      %add3A_174 = arith.addi %mul3A_2, %mul3A_73 : i32
      %dma_start3A_175 = arith.constant 0 : i32
      %dma_start3A_176 = tpu.memref_slice %arg5[%add3A_174, %dma_start3A_175] : memref<819200x64xf32, #tpu.memory_space<hbm>> -> memref<200x64xf32, #tpu.memory_space<hbm>>
      %dma_start3A_177 = arith.constant 0 : i32
      %dma_start3A_178 = tpu.memref_slice %arg5[%add3A_174, %dma_start3A_177] : memref<819200x64xf32, #tpu.memory_space<hbm>> -> memref<200x64xf32, #tpu.memory_space<hbm>>
      tpu.enqueue_dma source(%arg8 : memref<200x64xf32, #tpu.memory_space<vmem>>) target(%dma_start3A_178 : memref<200x64xf32, #tpu.memory_space<hbm>>) target_semaphore(%arg16 : memref<!tpu.dma_semaphore, #tpu.memory_space<semaphore_mem>>)
      %add3A_179 = arith.constant 1 : i32
      %add3A_180 = arith.addi %add3A_65, %add3A_179 : i32
      %add3A_181 = arith.constant 2 : i32
      %add3A_182 = arith.addi %add3A_180, %add3A_181 : i32
      %lt3A_183 = arith.constant 128 : i32
      %lt3A_184 = arith.cmpi slt, %add3A_182, %lt3A_183 : i32
      %convert_element_type3A_185 = arith.extui %lt3A_184 : i1 to i32
      %cond3A_186 = arith.constant 0 : i32
      %cond3A_187 = arith.cmpi ne, %convert_element_type3A_185, %cond3A_186 : i32
      scf.if %cond3A_187 {
        %add3A_539 = arith.constant 2 : i32
        %add3A_540 = arith.addi %add3A_180, %add3A_539 : i32
        %mul3A_541 = arith.constant 200 : i32
        %mul3A_542 = arith.muli %add3A_540, %mul3A_541 : i32
        %ge3A = arith.constant 4 : i32
        %ge3A_543 = arith.cmpi sge, %add3A_540, %ge3A : i32
        %convert_element_type3A_544 = arith.extui %ge3A_543 : i1 to i32
        %cond3A_545 = arith.constant 0 : i32
        %cond3A_546 = arith.cmpi ne, %convert_element_type3A_544, %cond3A_545 : i32
        scf.if %cond3A_546 {
          %dma_wait3A_563 = arith.constant 0 : i32
          %dma_wait3A_564 = arith.constant 0 : i32
          %dma_wait3A_565 = tpu.memref_slice %arg5[%dma_wait3A_563, %dma_wait3A_564] : memref<819200x64xf32, #tpu.memory_space<hbm>> -> memref<200x64xf32, #tpu.memory_space<hbm>>
          %dma_wait3A_566 = arith.constant 0 : i32
          %dma_wait3A_567 = arith.constant 0 : i32
          %dma_wait3A_568 = tpu.memref_slice %arg5[%dma_wait3A_566, %dma_wait3A_567] : memref<819200x64xf32, #tpu.memory_space<hbm>> -> memref<200x64xf32, #tpu.memory_space<hbm>>
          tpu.wait_dma2 semaphore(%arg19 : memref<!tpu.dma_semaphore, #tpu.memory_space<semaphore_mem>>) src(%arg11 : memref<200x64xf32, #tpu.memory_space<vmem>>) dst(%dma_wait3A_568 : memref<200x64xf32, #tpu.memory_space<hbm>>)
        } else {
        }
        %dma_start3A_547 = arith.constant 0 : i32
        %dma_start3A_548 = arith.constant 0 : i32
        %dma_start3A_549 = tpu.memref_slice %arg11[%dma_start3A_547, %dma_start3A_548] : memref<200x64xf32, #tpu.memory_space<vmem>> -> memref<128x64xf32, #tpu.memory_space<vmem>>
        %dma_start3A_550 = tpu.memref_slice %arg6[%mul3A_542] : memref<25600xi32, #tpu.memory_space<vmem>> -> memref<128xi32, #tpu.memory_space<vmem>>
        %dma_start3A_551 = arith.constant 0 : i32
        %dma_start3A_552 = arith.constant 0 : i32
        %dma_start3A_553 = tpu.memref_slice %arg3[%dma_start3A_551, %dma_start3A_552] : memref<1000000x64xf32, #tpu.memory_space<hbm>> -> memref<1000000x64xf32, #tpu.memory_space<hbm>>
        tpu.enqueue_indirect_dma source(%dma_start3A_553 : memref<1000000x64xf32, #tpu.memory_space<hbm>>) target(%dma_start3A_549 : memref<128x64xf32, #tpu.memory_space<vmem>>) offsets(%dma_start3A_550 : memref<128xi32, #tpu.memory_space<vmem>>) semaphore(%arg15 : memref<!tpu.dma_semaphore, #tpu.memory_space<semaphore_mem>>)
        %add3A_554 = arith.constant 128 : i32
        %add3A_555 = arith.addi %mul3A_542, %add3A_554 : i32
        %dma_start3A_556 = arith.constant 128 : i32
        %dma_start3A_557 = arith.constant 0 : i32
        %dma_start3A_558 = tpu.memref_slice %arg11[%dma_start3A_556, %dma_start3A_557] : memref<200x64xf32, #tpu.memory_space<vmem>> -> memref<72x64xf32, #tpu.memory_space<vmem>>
        %dma_start3A_559 = tpu.memref_slice %arg6[%add3A_555] : memref<25600xi32, #tpu.memory_space<vmem>> -> memref<72xi32, #tpu.memory_space<vmem>>
        %dma_start3A_560 = arith.constant 0 : i32
        %dma_start3A_561 = arith.constant 0 : i32
        %dma_start3A_562 = tpu.memref_slice %arg3[%dma_start3A_560, %dma_start3A_561] : memref<1000000x64xf32, #tpu.memory_space<hbm>> -> memref<1000000x64xf32, #tpu.memory_space<hbm>>
        tpu.enqueue_indirect_dma source(%dma_start3A_562 : memref<1000000x64xf32, #tpu.memory_space<hbm>>) target(%dma_start3A_558 : memref<72x64xf32, #tpu.memory_space<vmem>>) offsets(%dma_start3A_559 : memref<72xi32, #tpu.memory_space<vmem>>) semaphore(%arg15 : memref<!tpu.dma_semaphore, #tpu.memory_space<semaphore_mem>>)
      } else {
      }
      %mul3A_188 = arith.constant 200 : i32
      %mul3A_189 = arith.muli %add3A_180, %mul3A_188 : i32
      %get3A_190 = arith.index_cast %mul3A_189 : i32 to index
      %get3A_191 = tpu.vector_load %arg6[%get3A_190] {strides = array<i32>} : memref<25600xi32, #tpu.memory_space<vmem>>, vector<16xi32>,
      %add3A_192 = arith.constant 16 : i32
      %add3A_193 = arith.addi %mul3A_189, %add3A_192 : i32
      %get3A_194 = arith.index_cast %add3A_193 : i32 to index
      %get3A_195 = tpu.vector_load %arg6[%get3A_194] {strides = array<i32>} : memref<25600xi32, #tpu.memory_space<vmem>>, vector<16xi32>,
      %min3A_196 = arith.minsi %get3A_191, %get3A_195 : vector<16xi32>
      %add3A_197 = arith.constant 32 : i32
      %add3A_198 = arith.addi %mul3A_189, %add3A_197 : i32
      %get3A_199 = arith.index_cast %add3A_198 : i32 to index
      %get3A_200 = tpu.vector_load %arg6[%get3A_199] {strides = array<i32>} : memref<25600xi32, #tpu.memory_space<vmem>>, vector<16xi32>,
      %min3A_201 = arith.minsi %min3A_196, %get3A_200 : vector<16xi32>
      %add3A_202 = arith.constant 48 : i32
      %add3A_203 = arith.addi %mul3A_189, %add3A_202 : i32
      %get3A_204 = arith.index_cast %add3A_203 : i32 to index
      %get3A_205 = tpu.vector_load %arg6[%get3A_204] {strides = array<i32>} : memref<25600xi32, #tpu.memory_space<vmem>>, vector<16xi32>,
      %min3A_206 = arith.minsi %min3A_201, %get3A_205 : vector<16xi32>
      %add3A_207 = arith.constant 64 : i32
      %add3A_208 = arith.addi %mul3A_189, %add3A_207 : i32
      %get3A_209 = arith.index_cast %add3A_208 : i32 to index
      %get3A_210 = tpu.vector_load %arg6[%get3A_209] {strides = array<i32>} : memref<25600xi32, #tpu.memory_space<vmem>>, vector<16xi32>,
      %min3A_211 = arith.minsi %min3A_206, %get3A_210 : vector<16xi32>
      %add3A_212 = arith.constant 80 : i32
      %add3A_213 = arith.addi %mul3A_189, %add3A_212 : i32
      %get3A_214 = arith.index_cast %add3A_213 : i32 to index
      %get3A_215 = tpu.vector_load %arg6[%get3A_214] {strides = array<i32>} : memref<25600xi32, #tpu.memory_space<vmem>>, vector<16xi32>,
      %min3A_216 = arith.minsi %min3A_211, %get3A_215 : vector<16xi32>
      %add3A_217 = arith.constant 96 : i32
      %add3A_218 = arith.addi %mul3A_189, %add3A_217 : i32
      %get3A_219 = arith.index_cast %add3A_218 : i32 to index
      %get3A_220 = tpu.vector_load %arg6[%get3A_219] {strides = array<i32>} : memref<25600xi32, #tpu.memory_space<vmem>>, vector<16xi32>,
      %min3A_221 = arith.minsi %min3A_216, %get3A_220 : vector<16xi32>
      %add3A_222 = arith.constant 112 : i32
      %add3A_223 = arith.addi %mul3A_189, %add3A_222 : i32
      %get3A_224 = arith.index_cast %add3A_223 : i32 to index
      %get3A_225 = tpu.vector_load %arg6[%get3A_224] {strides = array<i32>} : memref<25600xi32, #tpu.memory_space<vmem>>, vector<16xi32>,
      %min3A_226 = arith.minsi %min3A_221, %get3A_225 : vector<16xi32>
      %add3A_227 = arith.constant 128 : i32
      %add3A_228 = arith.addi %mul3A_189, %add3A_227 : i32
      %get3A_229 = arith.index_cast %add3A_228 : i32 to index
      %get3A_230 = tpu.vector_load %arg6[%get3A_229] {strides = array<i32>} : memref<25600xi32, #tpu.memory_space<vmem>>, vector<16xi32>,
      %min3A_231 = arith.minsi %min3A_226, %get3A_230 : vector<16xi32>
      %add3A_232 = arith.constant 144 : i32
      %add3A_233 = arith.addi %mul3A_189, %add3A_232 : i32
      %get3A_234 = arith.index_cast %add3A_233 : i32 to index
      %get3A_235 = tpu.vector_load %arg6[%get3A_234] {strides = array<i32>} : memref<25600xi32, #tpu.memory_space<vmem>>, vector<16xi32>,
      %min3A_236 = arith.minsi %min3A_231, %get3A_235 : vector<16xi32>
      %add3A_237 = arith.constant 160 : i32
      %add3A_238 = arith.addi %mul3A_189, %add3A_237 : i32
      %get3A_239 = arith.index_cast %add3A_238 : i32 to index
      %get3A_240 = tpu.vector_load %arg6[%get3A_239] {strides = array<i32>} : memref<25600xi32, #tpu.memory_space<vmem>>, vector<16xi32>,
      %min3A_241 = arith.minsi %min3A_236, %get3A_240 : vector<16xi32>
      %add3A_242 = arith.constant 176 : i32
      %add3A_243 = arith.addi %mul3A_189, %add3A_242 : i32
      %get3A_244 = arith.index_cast %add3A_243 : i32 to index
      %get3A_245 = tpu.vector_load %arg6[%get3A_244] {strides = array<i32>} : memref<25600xi32, #tpu.memory_space<vmem>>, vector<16xi32>,
      %min3A_246 = arith.minsi %min3A_241, %get3A_245 : vector<16xi32>
      %add3A_247 = arith.constant 184 : i32
      %add3A_248 = arith.addi %mul3A_189, %add3A_247 : i32
      %get3A_249 = arith.index_cast %add3A_248 : i32 to index
      %get3A_250 = tpu.vector_load %arg6[%get3A_249] {strides = array<i32>} : memref<25600xi32, #tpu.memory_space<vmem>>, vector<16xi32>,
      %min3A_251 = arith.minsi %min3A_246, %get3A_250 : vector<16xi32>
      %reduce_min3A_252 = arith.constant true
      %reduce_min3A_253 = vector.broadcast %reduce_min3A_252 : i1 to vector<16xi1>
      %reduce_min3A_254 = arith.constant -2147483648 : i32
      %reduce_min3A_255 = vector.broadcast %reduce_min3A_254 : i32 to vector<16xi32>
      %reduce_min3A_256 = arith.xori %min3A_251, %reduce_min3A_255 : vector<16xi32>
      %reduce_min3A_257 = tpu.scan <min>, %reduce_min3A_256 masked %reduce_min3A_253 : vector<16xi32>, vector<16xi1> -> vector<16xi32>
      %reduce_min3A_258 = arith.xori %reduce_min3A_257, %reduce_min3A_255 : vector<16xi32>
      %reduce_min3A_259 = vector.extract %reduce_min3A_258[15] : i32 from vector<16xi32>
      %eq3A_260 = arith.constant 0 : i32
      %eq3A_261 = arith.cmpi eq, %reduce_min3A_259, %eq3A_260 : i32
      %dma_wait3A_262 = arith.constant 0 : i32
      %dma_wait3A_263 = arith.constant 0 : i32
      %dma_wait3A_264 = tpu.memref_slice %arg9[%dma_wait3A_262, %dma_wait3A_263] : memref<200x64xf32, #tpu.memory_space<vmem>> -> memref<128x64xf32, #tpu.memory_space<vmem>>
      %dma_wait3A_265 = arith.constant 0 : i32
      %dma_wait3A_266 = arith.constant 0 : i32
      %dma_wait3A_267 = tpu.memref_slice %arg3[%dma_wait3A_265, %dma_wait3A_266] : memref<1000000x64xf32, #tpu.memory_space<hbm>> -> memref<128x64xf32, #tpu.memory_space<hbm>>
      %dma_wait3A_268 = arith.constant 0 : i32
      %dma_wait3A_269 = arith.constant 0 : i32
      %dma_wait3A_270 = tpu.memref_slice %arg9[%dma_wait3A_268, %dma_wait3A_269] : memref<200x64xf32, #tpu.memory_space<vmem>> -> memref<128x64xf32, #tpu.memory_space<vmem>>
      %dma_wait3A_271 = arith.constant 0 : i32
      %dma_wait3A_272 = arith.constant 0 : i32
      %dma_wait3A_273 = tpu.memref_slice %arg3[%dma_wait3A_271, %dma_wait3A_272] : memref<1000000x64xf32, #tpu.memory_space<hbm>> -> memref<128x64xf32, #tpu.memory_space<hbm>>
      tpu.wait_dma2 semaphore(%arg13 : memref<!tpu.dma_semaphore, #tpu.memory_space<semaphore_mem>>) src(%dma_wait3A_273 : memref<128x64xf32, #tpu.memory_space<hbm>>) dst(%dma_wait3A_270 : memref<128x64xf32, #tpu.memory_space<vmem>>)
      %dma_wait3A_274 = arith.constant 128 : i32
      %dma_wait3A_275 = arith.constant 0 : i32
      %dma_wait3A_276 = tpu.memref_slice %arg9[%dma_wait3A_274, %dma_wait3A_275] : memref<200x64xf32, #tpu.memory_space<vmem>> -> memref<72x64xf32, #tpu.memory_space<vmem>>
      %dma_wait3A_277 = arith.constant 0 : i32
      %dma_wait3A_278 = arith.constant 0 : i32
      %dma_wait3A_279 = tpu.memref_slice %arg3[%dma_wait3A_277, %dma_wait3A_278] : memref<1000000x64xf32, #tpu.memory_space<hbm>> -> memref<72x64xf32, #tpu.memory_space<hbm>>
      %dma_wait3A_280 = arith.constant 128 : i32
      %dma_wait3A_281 = arith.constant 0 : i32
      %dma_wait3A_282 = tpu.memref_slice %arg9[%dma_wait3A_280, %dma_wait3A_281] : memref<200x64xf32, #tpu.memory_space<vmem>> -> memref<72x64xf32, #tpu.memory_space<vmem>>
      %dma_wait3A_283 = arith.constant 0 : i32
      %dma_wait3A_284 = arith.constant 0 : i32
      %dma_wait3A_285 = tpu.memref_slice %arg3[%dma_wait3A_283, %dma_wait3A_284] : memref<1000000x64xf32, #tpu.memory_space<hbm>> -> memref<72x64xf32, #tpu.memory_space<hbm>>
      tpu.wait_dma2 semaphore(%arg13 : memref<!tpu.dma_semaphore, #tpu.memory_space<semaphore_mem>>) src(%dma_wait3A_285 : memref<72x64xf32, #tpu.memory_space<hbm>>) dst(%dma_wait3A_282 : memref<72x64xf32, #tpu.memory_space<vmem>>)
      %scan3A_286 = arith.constant 0 : i32
      %scan3A_287 = arith.constant 200 : i32
      %scan3A_288 = arith.addi %scan3A_286, %scan3A_287 : i32
      %scan3A_289 = arith.constant 8 : i32
      scf.for %scan3A_539 = %scan3A_286 to %scan3A_288 step %scan3A_289  : i32 {
        %mul3A_540 = arith.constant 1 : i32
        %mul3A_541 = arith.muli %scan3A_539, %mul3A_540 : i32
        %add3A_542 = arith.constant 0 : i32
        %add3A_543 = arith.addi %add3A_542, %mul3A_541 : i32
        %add3A_544 = arith.constant 1 : i32
        %add3A_545 = arith.addi %add3A_543, %add3A_544 : i32
        %get3A_546 = arith.index_cast %add3A_545 : i32 to index
        %get3A_547 = arith.constant 0 : index
        %get3A_548 = tpu.vector_load %arg7[%get3A_546, %get3A_547] {strides = array<i32>} : memref<201x64xf32, #tpu.memory_space<vmem>>, vector<16xf32>,
        %swap3A = arith.index_cast %add3A_543 : i32 to index
        %swap3A_549 = arith.constant 0 : index
        %swap3A_550 = tpu.vector_load %arg9[%swap3A, %swap3A_549] {strides = array<i32>} : memref<200x64xf32, #tpu.memory_space<vmem>>, vector<16xf32>,
        tpu.vector_store %arg9[%swap3A, %swap3A_549], %get3A_548 {add = true, strides = array<i32>} : memref<200x64xf32, #tpu.memory_space<vmem>>, vector<16xf32>,
        %add3A_551 = arith.constant 1 : i32
        %add3A_552 = arith.addi %add3A_543, %add3A_551 : i32
        %get3A_553 = arith.index_cast %add3A_552 : i32 to index
        %get3A_554 = arith.constant 16 : index
        %get3A_555 = tpu.vector_load %arg7[%get3A_553, %get3A_554] {strides = array<i32>} : memref<201x64xf32, #tpu.memory_space<vmem>>, vector<16xf32>,
        %swap3A_556 = arith.index_cast %add3A_543 : i32 to index
        %swap3A_557 = arith.constant 16 : index
        %swap3A_558 = tpu.vector_load %arg9[%swap3A_556, %swap3A_557] {strides = array<i32>} : memref<200x64xf32, #tpu.memory_space<vmem>>, vector<16xf32>,
        tpu.vector_store %arg9[%swap3A_556, %swap3A_557], %get3A_555 {add = true, strides = array<i32>} : memref<200x64xf32, #tpu.memory_space<vmem>>, vector<16xf32>,
        %add3A_559 = arith.constant 1 : i32
        %add3A_560 = arith.addi %add3A_543, %add3A_559 : i32
        %get3A_561 = arith.index_cast %add3A_560 : i32 to index
        %get3A_562 = arith.constant 32 : index
        %get3A_563 = tpu.vector_load %arg7[%get3A_561, %get3A_562] {strides = array<i32>} : memref<201x64xf32, #tpu.memory_space<vmem>>, vector<16xf32>,
        %swap3A_564 = arith.index_cast %add3A_543 : i32 to index
        %swap3A_565 = arith.constant 32 : index
        %swap3A_566 = tpu.vector_load %arg9[%swap3A_564, %swap3A_565] {strides = array<i32>} : memref<200x64xf32, #tpu.memory_space<vmem>>, vector<16xf32>,
        tpu.vector_store %arg9[%swap3A_564, %swap3A_565], %get3A_563 {add = true, strides = array<i32>} : memref<200x64xf32, #tpu.memory_space<vmem>>, vector<16xf32>,
        %add3A_567 = arith.constant 1 : i32
        %add3A_568 = arith.addi %add3A_543, %add3A_567 : i32
        %get3A_569 = arith.index_cast %add3A_568 : i32 to index
        %get3A_570 = arith.constant 48 : index
        %get3A_571 = tpu.vector_load %arg7[%get3A_569, %get3A_570] {strides = array<i32>} : memref<201x64xf32, #tpu.memory_space<vmem>>, vector<16xf32>,
        %swap3A_572 = arith.index_cast %add3A_543 : i32 to index
        %swap3A_573 = arith.constant 48 : index
        %swap3A_574 = tpu.vector_load %arg9[%swap3A_572, %swap3A_573] {strides = array<i32>} : memref<200x64xf32, #tpu.memory_space<vmem>>, vector<16xf32>,
        tpu.vector_store %arg9[%swap3A_572, %swap3A_573], %get3A_571 {add = true, strides = array<i32>} : memref<200x64xf32, #tpu.memory_space<vmem>>, vector<16xf32>,
        %scan3A_575 = arith.constant 1 : i32
        %scan3A_576 = arith.addi %scan3A_539, %scan3A_575 : i32
        %mul3A_577 = arith.constant 1 : i32
        %mul3A_578 = arith.muli %scan3A_576, %mul3A_577 : i32
        %add3A_579 = arith.constant 0 : i32
        %add3A_580 = arith.addi %add3A_579, %mul3A_578 : i32
        %add3A_581 = arith.constant 1 : i32
        %add3A_582 = arith.addi %add3A_580, %add3A_581 : i32
        %get3A_583 = arith.index_cast %add3A_582 : i32 to index
        %get3A_584 = arith.constant 0 : index
        %get3A_585 = tpu.vector_load %arg7[%get3A_583, %get3A_584] {strides = array<i32>} : memref<201x64xf32, #tpu.memory_space<vmem>>, vector<16xf32>,
        %swap3A_586 = arith.index_cast %add3A_580 : i32 to index
        %swap3A_587 = arith.constant 0 : index
        %swap3A_588 = tpu.vector_load %arg9[%swap3A_586, %swap3A_587] {strides = array<i32>} : memref<200x64xf32, #tpu.memory_space<vmem>>, vector<16xf32>,
        tpu.vector_store %arg9[%swap3A_586, %swap3A_587], %get3A_585 {add = true, strides = array<i32>} : memref<200x64xf32, #tpu.memory_space<vmem>>, vector<16xf32>,
        %add3A_589 = arith.constant 1 : i32
        %add3A_590 = arith.addi %add3A_580, %add3A_589 : i32
        %get3A_591 = arith.index_cast %add3A_590 : i32 to index
        %get3A_592 = arith.constant 16 : index
        %get3A_593 = tpu.vector_load %arg7[%get3A_591, %get3A_592] {strides = array<i32>} : memref<201x64xf32, #tpu.memory_space<vmem>>, vector<16xf32>,
        %swap3A_594 = arith.index_cast %add3A_580 : i32 to index
        %swap3A_595 = arith.constant 16 : index
        %swap3A_596 = tpu.vector_load %arg9[%swap3A_594, %swap3A_595] {strides = array<i32>} : memref<200x64xf32, #tpu.memory_space<vmem>>, vector<16xf32>,
        tpu.vector_store %arg9[%swap3A_594, %swap3A_595], %get3A_593 {add = true, strides = array<i32>} : memref<200x64xf32, #tpu.memory_space<vmem>>, vector<16xf32>,
        %add3A_597 = arith.constant 1 : i32
        %add3A_598 = arith.addi %add3A_580, %add3A_597 : i32
        %get3A_599 = arith.index_cast %add3A_598 : i32 to index
        %get3A_600 = arith.constant 32 : index
        %get3A_601 = tpu.vector_load %arg7[%get3A_599, %get3A_600] {strides = array<i32>} : memref<201x64xf32, #tpu.memory_space<vmem>>, vector<16xf32>,
        %swap3A_602 = arith.index_cast %add3A_580 : i32 to index
        %swap3A_603 = arith.constant 32 : index
        %swap3A_604 = tpu.vector_load %arg9[%swap3A_602, %swap3A_603] {strides = array<i32>} : memref<200x64xf32, #tpu.memory_space<vmem>>, vector<16xf32>,
        tpu.vector_store %arg9[%swap3A_602, %swap3A_603], %get3A_601 {add = true, strides = array<i32>} : memref<200x64xf32, #tpu.memory_space<vmem>>, vector<16xf32>,
        %add3A_605 = arith.constant 1 : i32
        %add3A_606 = arith.addi %add3A_580, %add3A_605 : i32
        %get3A_607 = arith.index_cast %add3A_606 : i32 to index
        %get3A_608 = arith.constant 48 : index
        %get3A_609 = tpu.vector_load %arg7[%get3A_607, %get3A_608] {strides = array<i32>} : memref<201x64xf32, #tpu.memory_space<vmem>>, vector<16xf32>,
        %swap3A_610 = arith.index_cast %add3A_580 : i32 to index
        %swap3A_611 = arith.constant 48 : index
        %swap3A_612 = tpu.vector_load %arg9[%swap3A_610, %swap3A_611] {strides = array<i32>} : memref<200x64xf32, #tpu.memory_space<vmem>>, vector<16xf32>,
        tpu.vector_store %arg9[%swap3A_610, %swap3A_611], %get3A_609 {add = true, strides = array<i32>} : memref<200x64xf32, #tpu.memory_space<vmem>>, vector<16xf32>,
        %scan3A_613 = arith.constant 2 : i32
        %scan3A_614 = arith.addi %scan3A_539, %scan3A_613 : i32
        %mul3A_615 = arith.constant 1 : i32
        %mul3A_616 = arith.muli %scan3A_614, %mul3A_615 : i32
        %add3A_617 = arith.constant 0 : i32
        %add3A_618 = arith.addi %add3A_617, %mul3A_616 : i32
        %add3A_619 = arith.constant 1 : i32
        %add3A_620 = arith.addi %add3A_618, %add3A_619 : i32
        %get3A_621 = arith.index_cast %add3A_620 : i32 to index
        %get3A_622 = arith.constant 0 : index
        %get3A_623 = tpu.vector_load %arg7[%get3A_621, %get3A_622] {strides = array<i32>} : memref<201x64xf32, #tpu.memory_space<vmem>>, vector<16xf32>,
        %swap3A_624 = arith.index_cast %add3A_618 : i32 to index
        %swap3A_625 = arith.constant 0 : index
        %swap3A_626 = tpu.vector_load %arg9[%swap3A_624, %swap3A_625] {strides = array<i32>} : memref<200x64xf32, #tpu.memory_space<vmem>>, vector<16xf32>,
        tpu.vector_store %arg9[%swap3A_624, %swap3A_625], %get3A_623 {add = true, strides = array<i32>} : memref<200x64xf32, #tpu.memory_space<vmem>>, vector<16xf32>,
        %add3A_627 = arith.constant 1 : i32
        %add3A_628 = arith.addi %add3A_618, %add3A_627 : i32
        %get3A_629 = arith.index_cast %add3A_628 : i32 to index
        %get3A_630 = arith.constant 16 : index
        %get3A_631 = tpu.vector_load %arg7[%get3A_629, %get3A_630] {strides = array<i32>} : memref<201x64xf32, #tpu.memory_space<vmem>>, vector<16xf32>,
        %swap3A_632 = arith.index_cast %add3A_618 : i32 to index
        %swap3A_633 = arith.constant 16 : index
        %swap3A_634 = tpu.vector_load %arg9[%swap3A_632, %swap3A_633] {strides = array<i32>} : memref<200x64xf32, #tpu.memory_space<vmem>>, vector<16xf32>,
        tpu.vector_store %arg9[%swap3A_632, %swap3A_633], %get3A_631 {add = true, strides = array<i32>} : memref<200x64xf32, #tpu.memory_space<vmem>>, vector<16xf32>,
        %add3A_635 = arith.constant 1 : i32
        %add3A_636 = arith.addi %add3A_618, %add3A_635 : i32
        %get3A_637 = arith.index_cast %add3A_636 : i32 to index
        %get3A_638 = arith.constant 32 : index
        %get3A_639 = tpu.vector_load %arg7[%get3A_637, %get3A_638] {strides = array<i32>} : memref<201x64xf32, #tpu.memory_space<vmem>>, vector<16xf32>,
        %swap3A_640 = arith.index_cast %add3A_618 : i32 to index
        %swap3A_641 = arith.constant 32 : index
        %swap3A_642 = tpu.vector_load %arg9[%swap3A_640, %swap3A_641] {strides = array<i32>} : memref<200x64xf32, #tpu.memory_space<vmem>>, vector<16xf32>,
        tpu.vector_store %arg9[%swap3A_640, %swap3A_641], %get3A_639 {add = true, strides = array<i32>} : memref<200x64xf32, #tpu.memory_space<vmem>>, vector<16xf32>,
        %add3A_643 = arith.constant 1 : i32
        %add3A_644 = arith.addi %add3A_618, %add3A_643 : i32
        %get3A_645 = arith.index_cast %add3A_644 : i32 to index
        %get3A_646 = arith.constant 48 : index
        %get3A_647 = tpu.vector_load %arg7[%get3A_645, %get3A_646] {strides = array<i32>} : memref<201x64xf32, #tpu.memory_space<vmem>>, vector<16xf32>,
        %swap3A_648 = arith.index_cast %add3A_618 : i32 to index
        %swap3A_649 = arith.constant 48 : index
        %swap3A_650 = tpu.vector_load %arg9[%swap3A_648, %swap3A_649] {strides = array<i32>} : memref<200x64xf32, #tpu.memory_space<vmem>>, vector<16xf32>,
        tpu.vector_store %arg9[%swap3A_648, %swap3A_649], %get3A_647 {add = true, strides = array<i32>} : memref<200x64xf32, #tpu.memory_space<vmem>>, vector<16xf32>,
        %scan3A_651 = arith.constant 3 : i32
        %scan3A_652 = arith.addi %scan3A_539, %scan3A_651 : i32
        %mul3A_653 = arith.constant 1 : i32
        %mul3A_654 = arith.muli %scan3A_652, %mul3A_653 : i32
        %add3A_655 = arith.constant 0 : i32
        %add3A_656 = arith.addi %add3A_655, %mul3A_654 : i32
        %add3A_657 = arith.constant 1 : i32
        %add3A_658 = arith.addi %add3A_656, %add3A_657 : i32
        %get3A_659 = arith.index_cast %add3A_658 : i32 to index
        %get3A_660 = arith.constant 0 : index
        %get3A_661 = tpu.vector_load %arg7[%get3A_659, %get3A_660] {strides = array<i32>} : memref<201x64xf32, #tpu.memory_space<vmem>>, vector<16xf32>,
        %swap3A_662 = arith.index_cast %add3A_656 : i32 to index
        %swap3A_663 = arith.constant 0 : index
        %swap3A_664 = tpu.vector_load %arg9[%swap3A_662, %swap3A_663] {strides = array<i32>} : memref<200x64xf32, #tpu.memory_space<vmem>>, vector<16xf32>,
        tpu.vector_store %arg9[%swap3A_662, %swap3A_663], %get3A_661 {add = true, strides = array<i32>} : memref<200x64xf32, #tpu.memory_space<vmem>>, vector<16xf32>,
        %add3A_665 = arith.constant 1 : i32
        %add3A_666 = arith.addi %add3A_656, %add3A_665 : i32
        %get3A_667 = arith.index_cast %add3A_666 : i32 to index
        %get3A_668 = arith.constant 16 : index
        %get3A_669 = tpu.vector_load %arg7[%get3A_667, %get3A_668] {strides = array<i32>} : memref<201x64xf32, #tpu.memory_space<vmem>>, vector<16xf32>,
        %swap3A_670 = arith.index_cast %add3A_656 : i32 to index
        %swap3A_671 = arith.constant 16 : index
        %swap3A_672 = tpu.vector_load %arg9[%swap3A_670, %swap3A_671] {strides = array<i32>} : memref<200x64xf32, #tpu.memory_space<vmem>>, vector<16xf32>,
        tpu.vector_store %arg9[%swap3A_670, %swap3A_671], %get3A_669 {add = true, strides = array<i32>} : memref<200x64xf32, #tpu.memory_space<vmem>>, vector<16xf32>,
        %add3A_673 = arith.constant 1 : i32
        %add3A_674 = arith.addi %add3A_656, %add3A_673 : i32
        %get3A_675 = arith.index_cast %add3A_674 : i32 to index
        %get3A_676 = arith.constant 32 : index
        %get3A_677 = tpu.vector_load %arg7[%get3A_675, %get3A_676] {strides = array<i32>} : memref<201x64xf32, #tpu.memory_space<vmem>>, vector<16xf32>,
        %swap3A_678 = arith.index_cast %add3A_656 : i32 to index
        %swap3A_679 = arith.constant 32 : index
        %swap3A_680 = tpu.vector_load %arg9[%swap3A_678, %swap3A_679] {strides = array<i32>} : memref<200x64xf32, #tpu.memory_space<vmem>>, vector<16xf32>,
        tpu.vector_store %arg9[%swap3A_678, %swap3A_679], %get3A_677 {add = true, strides = array<i32>} : memref<200x64xf32, #tpu.memory_space<vmem>>, vector<16xf32>,
        %add3A_681 = arith.constant 1 : i32
        %add3A_682 = arith.addi %add3A_656, %add3A_681 : i32
        %get3A_683 = arith.index_cast %add3A_682 : i32 to index
        %get3A_684 = arith.constant 48 : index
        %get3A_685 = tpu.vector_load %arg7[%get3A_683, %get3A_684] {strides = array<i32>} : memref<201x64xf32, #tpu.memory_space<vmem>>, vector<16xf32>,
        %swap3A_686 = arith.index_cast %add3A_656 : i32 to index
        %swap3A_687 = arith.constant 48 : index
        %swap3A_688 = tpu.vector_load %arg9[%swap3A_686, %swap3A_687] {strides = array<i32>} : memref<200x64xf32, #tpu.memory_space<vmem>>, vector<16xf32>,
        tpu.vector_store %arg9[%swap3A_686, %swap3A_687], %get3A_685 {add = true, strides = array<i32>} : memref<200x64xf32, #tpu.memory_space<vmem>>, vector<16xf32>,
        %scan3A_689 = arith.constant 4 : i32
        %scan3A_690 = arith.addi %scan3A_539, %scan3A_689 : i32
        %mul3A_691 = arith.constant 1 : i32
        %mul3A_692 = arith.muli %scan3A_690, %mul3A_691 : i32
        %add3A_693 = arith.constant 0 : i32
        %add3A_694 = arith.addi %add3A_693, %mul3A_692 : i32
        %add3A_695 = arith.constant 1 : i32
        %add3A_696 = arith.addi %add3A_694, %add3A_695 : i32
        %get3A_697 = arith.index_cast %add3A_696 : i32 to index
        %get3A_698 = arith.constant 0 : index
        %get3A_699 = tpu.vector_load %arg7[%get3A_697, %get3A_698] {strides = array<i32>} : memref<201x64xf32, #tpu.memory_space<vmem>>, vector<16xf32>,
        %swap3A_700 = arith.index_cast %add3A_694 : i32 to index
        %swap3A_701 = arith.constant 0 : index
        %swap3A_702 = tpu.vector_load %arg9[%swap3A_700, %swap3A_701] {strides = array<i32>} : memref<200x64xf32, #tpu.memory_space<vmem>>, vector<16xf32>,
        tpu.vector_store %arg9[%swap3A_700, %swap3A_701], %get3A_699 {add = true, strides = array<i32>} : memref<200x64xf32, #tpu.memory_space<vmem>>, vector<16xf32>,
        %add3A_703 = arith.constant 1 : i32
        %add3A_704 = arith.addi %add3A_694, %add3A_703 : i32
        %get3A_705 = arith.index_cast %add3A_704 : i32 to index
        %get3A_706 = arith.constant 16 : index
        %get3A_707 = tpu.vector_load %arg7[%get3A_705, %get3A_706] {strides = array<i32>} : memref<201x64xf32, #tpu.memory_space<vmem>>, vector<16xf32>,
        %swap3A_708 = arith.index_cast %add3A_694 : i32 to index
        %swap3A_709 = arith.constant 16 : index
        %swap3A_710 = tpu.vector_load %arg9[%swap3A_708, %swap3A_709] {strides = array<i32>} : memref<200x64xf32, #tpu.memory_space<vmem>>, vector<16xf32>,
        tpu.vector_store %arg9[%swap3A_708, %swap3A_709], %get3A_707 {add = true, strides = array<i32>} : memref<200x64xf32, #tpu.memory_space<vmem>>, vector<16xf32>,
        %add3A_711 = arith.constant 1 : i32
        %add3A_712 = arith.addi %add3A_694, %add3A_711 : i32
        %get3A_713 = arith.index_cast %add3A_712 : i32 to index
        %get3A_714 = arith.constant 32 : index
        %get3A_715 = tpu.vector_load %arg7[%get3A_713, %get3A_714] {strides = array<i32>} : memref<201x64xf32, #tpu.memory_space<vmem>>, vector<16xf32>,
        %swap3A_716 = arith.index_cast %add3A_694 : i32 to index
        %swap3A_717 = arith.constant 32 : index
        %swap3A_718 = tpu.vector_load %arg9[%swap3A_716, %swap3A_717] {strides = array<i32>} : memref<200x64xf32, #tpu.memory_space<vmem>>, vector<16xf32>,
        tpu.vector_store %arg9[%swap3A_716, %swap3A_717], %get3A_715 {add = true, strides = array<i32>} : memref<200x64xf32, #tpu.memory_space<vmem>>, vector<16xf32>,
        %add3A_719 = arith.constant 1 : i32
        %add3A_720 = arith.addi %add3A_694, %add3A_719 : i32
        %get3A_721 = arith.index_cast %add3A_720 : i32 to index
        %get3A_722 = arith.constant 48 : index
        %get3A_723 = tpu.vector_load %arg7[%get3A_721, %get3A_722] {strides = array<i32>} : memref<201x64xf32, #tpu.memory_space<vmem>>, vector<16xf32>,
        %swap3A_724 = arith.index_cast %add3A_694 : i32 to index
        %swap3A_725 = arith.constant 48 : index
        %swap3A_726 = tpu.vector_load %arg9[%swap3A_724, %swap3A_725] {strides = array<i32>} : memref<200x64xf32, #tpu.memory_space<vmem>>, vector<16xf32>,
        tpu.vector_store %arg9[%swap3A_724, %swap3A_725], %get3A_723 {add = true, strides = array<i32>} : memref<200x64xf32, #tpu.memory_space<vmem>>, vector<16xf32>,
        %scan3A_727 = arith.constant 5 : i32
        %scan3A_728 = arith.addi %scan3A_539, %scan3A_727 : i32
        %mul3A_729 = arith.constant 1 : i32
        %mul3A_730 = arith.muli %scan3A_728, %mul3A_729 : i32
        %add3A_731 = arith.constant 0 : i32
        %add3A_732 = arith.addi %add3A_731, %mul3A_730 : i32
        %add3A_733 = arith.constant 1 : i32
        %add3A_734 = arith.addi %add3A_732, %add3A_733 : i32
        %get3A_735 = arith.index_cast %add3A_734 : i32 to index
        %get3A_736 = arith.constant 0 : index
        %get3A_737 = tpu.vector_load %arg7[%get3A_735, %get3A_736] {strides = array<i32>} : memref<201x64xf32, #tpu.memory_space<vmem>>, vector<16xf32>,
        %swap3A_738 = arith.index_cast %add3A_732 : i32 to index
        %swap3A_739 = arith.constant 0 : index
        %swap3A_740 = tpu.vector_load %arg9[%swap3A_738, %swap3A_739] {strides = array<i32>} : memref<200x64xf32, #tpu.memory_space<vmem>>, vector<16xf32>,
        tpu.vector_store %arg9[%swap3A_738, %swap3A_739], %get3A_737 {add = true, strides = array<i32>} : memref<200x64xf32, #tpu.memory_space<vmem>>, vector<16xf32>,
        %add3A_741 = arith.constant 1 : i32
        %add3A_742 = arith.addi %add3A_732, %add3A_741 : i32
        %get3A_743 = arith.index_cast %add3A_742 : i32 to index
        %get3A_744 = arith.constant 16 : index
        %get3A_745 = tpu.vector_load %arg7[%get3A_743, %get3A_744] {strides = array<i32>} : memref<201x64xf32, #tpu.memory_space<vmem>>, vector<16xf32>,
        %swap3A_746 = arith.index_cast %add3A_732 : i32 to index
        %swap3A_747 = arith.constant 16 : index
        %swap3A_748 = tpu.vector_load %arg9[%swap3A_746, %swap3A_747] {strides = array<i32>} : memref<200x64xf32, #tpu.memory_space<vmem>>, vector<16xf32>,
        tpu.vector_store %arg9[%swap3A_746, %swap3A_747], %get3A_745 {add = true, strides = array<i32>} : memref<200x64xf32, #tpu.memory_space<vmem>>, vector<16xf32>,
        %add3A_749 = arith.constant 1 : i32
        %add3A_750 = arith.addi %add3A_732, %add3A_749 : i32
        %get3A_751 = arith.index_cast %add3A_750 : i32 to index
        %get3A_752 = arith.constant 32 : index
        %get3A_753 = tpu.vector_load %arg7[%get3A_751, %get3A_752] {strides = array<i32>} : memref<201x64xf32, #tpu.memory_space<vmem>>, vector<16xf32>,
        %swap3A_754 = arith.index_cast %add3A_732 : i32 to index
        %swap3A_755 = arith.constant 32 : index
        %swap3A_756 = tpu.vector_load %arg9[%swap3A_754, %swap3A_755] {strides = array<i32>} : memref<200x64xf32, #tpu.memory_space<vmem>>, vector<16xf32>,
        tpu.vector_store %arg9[%swap3A_754, %swap3A_755], %get3A_753 {add = true, strides = array<i32>} : memref<200x64xf32, #tpu.memory_space<vmem>>, vector<16xf32>,
        %add3A_757 = arith.constant 1 : i32
        %add3A_758 = arith.addi %add3A_732, %add3A_757 : i32
        %get3A_759 = arith.index_cast %add3A_758 : i32 to index
        %get3A_760 = arith.constant 48 : index
        %get3A_761 = tpu.vector_load %arg7[%get3A_759, %get3A_760] {strides = array<i32>} : memref<201x64xf32, #tpu.memory_space<vmem>>, vector<16xf32>,
        %swap3A_762 = arith.index_cast %add3A_732 : i32 to index
        %swap3A_763 = arith.constant 48 : index
        %swap3A_764 = tpu.vector_load %arg9[%swap3A_762, %swap3A_763] {strides = array<i32>} : memref<200x64xf32, #tpu.memory_space<vmem>>, vector<16xf32>,
        tpu.vector_store %arg9[%swap3A_762, %swap3A_763], %get3A_761 {add = true, strides = array<i32>} : memref<200x64xf32, #tpu.memory_space<vmem>>, vector<16xf32>,
        %scan3A_765 = arith.constant 6 : i32
        %scan3A_766 = arith.addi %scan3A_539, %scan3A_765 : i32
        %mul3A_767 = arith.constant 1 : i32
        %mul3A_768 = arith.muli %scan3A_766, %mul3A_767 : i32
        %add3A_769 = arith.constant 0 : i32
        %add3A_770 = arith.addi %add3A_769, %mul3A_768 : i32
        %add3A_771 = arith.constant 1 : i32
        %add3A_772 = arith.addi %add3A_770, %add3A_771 : i32
        %get3A_773 = arith.index_cast %add3A_772 : i32 to index
        %get3A_774 = arith.constant 0 : index
        %get3A_775 = tpu.vector_load %arg7[%get3A_773, %get3A_774] {strides = array<i32>} : memref<201x64xf32, #tpu.memory_space<vmem>>, vector<16xf32>,
        %swap3A_776 = arith.index_cast %add3A_770 : i32 to index
        %swap3A_777 = arith.constant 0 : index
        %swap3A_778 = tpu.vector_load %arg9[%swap3A_776, %swap3A_777] {strides = array<i32>} : memref<200x64xf32, #tpu.memory_space<vmem>>, vector<16xf32>,
        tpu.vector_store %arg9[%swap3A_776, %swap3A_777], %get3A_775 {add = true, strides = array<i32>} : memref<200x64xf32, #tpu.memory_space<vmem>>, vector<16xf32>,
        %add3A_779 = arith.constant 1 : i32
        %add3A_780 = arith.addi %add3A_770, %add3A_779 : i32
        %get3A_781 = arith.index_cast %add3A_780 : i32 to index
        %get3A_782 = arith.constant 16 : index
        %get3A_783 = tpu.vector_load %arg7[%get3A_781, %get3A_782] {strides = array<i32>} : memref<201x64xf32, #tpu.memory_space<vmem>>, vector<16xf32>,
        %swap3A_784 = arith.index_cast %add3A_770 : i32 to index
        %swap3A_785 = arith.constant 16 : index
        %swap3A_786 = tpu.vector_load %arg9[%swap3A_784, %swap3A_785] {strides = array<i32>} : memref<200x64xf32, #tpu.memory_space<vmem>>, vector<16xf32>,
        tpu.vector_store %arg9[%swap3A_784, %swap3A_785], %get3A_783 {add = true, strides = array<i32>} : memref<200x64xf32, #tpu.memory_space<vmem>>, vector<16xf32>,
        %add3A_787 = arith.constant 1 : i32
        %add3A_788 = arith.addi %add3A_770, %add3A_787 : i32
        %get3A_789 = arith.index_cast %add3A_788 : i32 to index
        %get3A_790 = arith.constant 32 : index
        %get3A_791 = tpu.vector_load %arg7[%get3A_789, %get3A_790] {strides = array<i32>} : memref<201x64xf32, #tpu.memory_space<vmem>>, vector<16xf32>,
        %swap3A_792 = arith.index_cast %add3A_770 : i32 to index
        %swap3A_793 = arith.constant 32 : index
        %swap3A_794 = tpu.vector_load %arg9[%swap3A_792, %swap3A_793] {strides = array<i32>} : memref<200x64xf32, #tpu.memory_space<vmem>>, vector<16xf32>,
        tpu.vector_store %arg9[%swap3A_792, %swap3A_793], %get3A_791 {add = true, strides = array<i32>} : memref<200x64xf32, #tpu.memory_space<vmem>>, vector<16xf32>,
        %add3A_795 = arith.constant 1 : i32
        %add3A_796 = arith.addi %add3A_770, %add3A_795 : i32
        %get3A_797 = arith.index_cast %add3A_796 : i32 to index
        %get3A_798 = arith.constant 48 : index
        %get3A_799 = tpu.vector_load %arg7[%get3A_797, %get3A_798] {strides = array<i32>} : memref<201x64xf32, #tpu.memory_space<vmem>>, vector<16xf32>,
        %swap3A_800 = arith.index_cast %add3A_770 : i32 to index
        %swap3A_801 = arith.constant 48 : index
        %swap3A_802 = tpu.vector_load %arg9[%swap3A_800, %swap3A_801] {strides = array<i32>} : memref<200x64xf32, #tpu.memory_space<vmem>>, vector<16xf32>,
        tpu.vector_store %arg9[%swap3A_800, %swap3A_801], %get3A_799 {add = true, strides = array<i32>} : memref<200x64xf32, #tpu.memory_space<vmem>>, vector<16xf32>,
        %scan3A_803 = arith.constant 7 : i32
        %scan3A_804 = arith.addi %scan3A_539, %scan3A_803 : i32
        %mul3A_805 = arith.constant 1 : i32
        %mul3A_806 = arith.muli %scan3A_804, %mul3A_805 : i32
        %add3A_807 = arith.constant 0 : i32
        %add3A_808 = arith.addi %add3A_807, %mul3A_806 : i32
        %add3A_809 = arith.constant 1 : i32
        %add3A_810 = arith.addi %add3A_808, %add3A_809 : i32
        %get3A_811 = arith.index_cast %add3A_810 : i32 to index
        %get3A_812 = arith.constant 0 : index
        %get3A_813 = tpu.vector_load %arg7[%get3A_811, %get3A_812] {strides = array<i32>} : memref<201x64xf32, #tpu.memory_space<vmem>>, vector<16xf32>,
        %swap3A_814 = arith.index_cast %add3A_808 : i32 to index
        %swap3A_815 = arith.constant 0 : index
        %swap3A_816 = tpu.vector_load %arg9[%swap3A_814, %swap3A_815] {strides = array<i32>} : memref<200x64xf32, #tpu.memory_space<vmem>>, vector<16xf32>,
        tpu.vector_store %arg9[%swap3A_814, %swap3A_815], %get3A_813 {add = true, strides = array<i32>} : memref<200x64xf32, #tpu.memory_space<vmem>>, vector<16xf32>,
        %add3A_817 = arith.constant 1 : i32
        %add3A_818 = arith.addi %add3A_808, %add3A_817 : i32
        %get3A_819 = arith.index_cast %add3A_818 : i32 to index
        %get3A_820 = arith.constant 16 : index
        %get3A_821 = tpu.vector_load %arg7[%get3A_819, %get3A_820] {strides = array<i32>} : memref<201x64xf32, #tpu.memory_space<vmem>>, vector<16xf32>,
        %swap3A_822 = arith.index_cast %add3A_808 : i32 to index
        %swap3A_823 = arith.constant 16 : index
        %swap3A_824 = tpu.vector_load %arg9[%swap3A_822, %swap3A_823] {strides = array<i32>} : memref<200x64xf32, #tpu.memory_space<vmem>>, vector<16xf32>,
        tpu.vector_store %arg9[%swap3A_822, %swap3A_823], %get3A_821 {add = true, strides = array<i32>} : memref<200x64xf32, #tpu.memory_space<vmem>>, vector<16xf32>,
        %add3A_825 = arith.constant 1 : i32
        %add3A_826 = arith.addi %add3A_808, %add3A_825 : i32
        %get3A_827 = arith.index_cast %add3A_826 : i32 to index
        %get3A_828 = arith.constant 32 : index
        %get3A_829 = tpu.vector_load %arg7[%get3A_827, %get3A_828] {strides = array<i32>} : memref<201x64xf32, #tpu.memory_space<vmem>>, vector<16xf32>,
        %swap3A_830 = arith.index_cast %add3A_808 : i32 to index
        %swap3A_831 = arith.constant 32 : index
        %swap3A_832 = tpu.vector_load %arg9[%swap3A_830, %swap3A_831] {strides = array<i32>} : memref<200x64xf32, #tpu.memory_space<vmem>>, vector<16xf32>,
        tpu.vector_store %arg9[%swap3A_830, %swap3A_831], %get3A_829 {add = true, strides = array<i32>} : memref<200x64xf32, #tpu.memory_space<vmem>>, vector<16xf32>,
        %add3A_833 = arith.constant 1 : i32
        %add3A_834 = arith.addi %add3A_808, %add3A_833 : i32
        %get3A_835 = arith.index_cast %add3A_834 : i32 to index
        %get3A_836 = arith.constant 48 : index
        %get3A_837 = tpu.vector_load %arg7[%get3A_835, %get3A_836] {strides = array<i32>} : memref<201x64xf32, #tpu.memory_space<vmem>>, vector<16xf32>,
        %swap3A_838 = arith.index_cast %add3A_808 : i32 to index
        %swap3A_839 = arith.constant 48 : index
        %swap3A_840 = tpu.vector_load %arg9[%swap3A_838, %swap3A_839] {strides = array<i32>} : memref<200x64xf32, #tpu.memory_space<vmem>>, vector<16xf32>,
        tpu.vector_store %arg9[%swap3A_838, %swap3A_839], %get3A_837 {add = true, strides = array<i32>} : memref<200x64xf32, #tpu.memory_space<vmem>>, vector<16xf32>,
      }
      %scan3A_290 = arith.constant 200 : i32
      %convert_element_type3A_291 = arith.extui %eq3A_261 : i1 to i32
      %cond3A_292 = arith.constant 0 : i32
      %cond3A_293 = arith.cmpi ne, %convert_element_type3A_291, %cond3A_292 : i32
      scf.if %cond3A_293 {
        %scan3A_539 = arith.constant 0 : i32
        %scan3A_540 = arith.constant 200 : i32
        %scan3A_541 = arith.addi %scan3A_539, %scan3A_540 : i32
        %scan3A_542 = arith.constant 1 : i32
        scf.for %scan3A_544 = %scan3A_539 to %scan3A_541 step %scan3A_542  : i32 {
          %mul3A_545 = arith.constant 1 : i32
          %mul3A_546 = arith.muli %scan3A_544, %mul3A_545 : i32
          %add3A_547 = arith.constant 0 : i32
          %add3A_548 = arith.addi %add3A_547, %mul3A_546 : i32
          %add3A_549 = arith.addi %mul3A_189, %add3A_548 : i32
          %broadcast_in_dim3A = vector.broadcast %add3A_549 : i32 to vector<16xi32>
          %gather3A = tpu.vector_load_idx %arg6[%broadcast_in_dim3A] : memref<25600xi32, #tpu.memory_space<vmem>>[vector<16xi32>], vector<16xi32>,
          %eq3A_550 = arith.constant 0 : i32
          %eq3A_551 = vector.broadcast %eq3A_550 : i32 to vector<16xi32>
          %eq3A_552 = arith.cmpi eq, %gather3A, %eq3A_551 : vector<16xi32>
          %jit3A = arith.constant 1.000000e+00 : f32
          %jit3A_553 = arith.constant 0.000000e+00 : f32
          %broadcast_in_dim3A_554 = vector.broadcast %jit3A : f32 to vector<16xf32>
          %broadcast_in_dim3A_555 = vector.broadcast %jit3A_553 : f32 to vector<16xf32>
          %select_n3A = arith.select %eq3A_552, %broadcast_in_dim3A_554, %broadcast_in_dim3A_555 : vector<16xi1>, vector<16xf32>
          %get3A_556 = arith.constant 0 : i32
          %get3A_557 = arith.index_cast %get3A_556 : i32 to index
          %get3A_558 = arith.constant 0 : index
          %get3A_559 = tpu.vector_load %arg7[%get3A_557, %get3A_558] {strides = array<i32>} : memref<201x64xf32, #tpu.memory_space<vmem>>, vector<16xf32>,
          %add3A_560 = arith.constant 1 : i32
          %add3A_561 = arith.addi %add3A_548, %add3A_560 : i32
          %get3A_562 = arith.index_cast %add3A_561 : i32 to index
          %get3A_563 = arith.constant 0 : index
          %get3A_564 = tpu.vector_load %arg7[%get3A_562, %get3A_563] {strides = array<i32>} : memref<201x64xf32, #tpu.memory_space<vmem>>, vector<16xf32>,
          %sub3A = arith.subf %get3A_559, %get3A_564 : vector<16xf32>
          %mul3A_565 = arith.mulf %select_n3A, %sub3A : vector<16xf32>
          %swap3A = arith.index_cast %add3A_548 : i32 to index
          %swap3A_566 = arith.constant 0 : index
          %swap3A_567 = tpu.vector_load %arg9[%swap3A, %swap3A_566] {strides = array<i32>} : memref<200x64xf32, #tpu.memory_space<vmem>>, vector<16xf32>,
          tpu.vector_store %arg9[%swap3A, %swap3A_566], %mul3A_565 {add = true, strides = array<i32>} : memref<200x64xf32, #tpu.memory_space<vmem>>, vector<16xf32>,
          %get3A_568 = arith.constant 0 : i32
          %get3A_569 = arith.index_cast %get3A_568 : i32 to index
          %get3A_570 = arith.constant 16 : index
          %get3A_571 = tpu.vector_load %arg7[%get3A_569, %get3A_570] {strides = array<i32>} : memref<201x64xf32, #tpu.memory_space<vmem>>, vector<16xf32>,
          %add3A_572 = arith.constant 1 : i32
          %add3A_573 = arith.addi %add3A_548, %add3A_572 : i32
          %get3A_574 = arith.index_cast %add3A_573 : i32 to index
          %get3A_575 = arith.constant 16 : index
          %get3A_576 = tpu.vector_load %arg7[%get3A_574, %get3A_575] {strides = array<i32>} : memref<201x64xf32, #tpu.memory_space<vmem>>, vector<16xf32>,
          %sub3A_577 = arith.subf %get3A_571, %get3A_576 : vector<16xf32>
          %mul3A_578 = arith.mulf %select_n3A, %sub3A_577 : vector<16xf32>
          %swap3A_579 = arith.index_cast %add3A_548 : i32 to index
          %swap3A_580 = arith.constant 16 : index
          %swap3A_581 = tpu.vector_load %arg9[%swap3A_579, %swap3A_580] {strides = array<i32>} : memref<200x64xf32, #tpu.memory_space<vmem>>, vector<16xf32>,
          tpu.vector_store %arg9[%swap3A_579, %swap3A_580], %mul3A_578 {add = true, strides = array<i32>} : memref<200x64xf32, #tpu.memory_space<vmem>>, vector<16xf32>,
          %get3A_582 = arith.constant 0 : i32
          %get3A_583 = arith.index_cast %get3A_582 : i32 to index
          %get3A_584 = arith.constant 32 : index
          %get3A_585 = tpu.vector_load %arg7[%get3A_583, %get3A_584] {strides = array<i32>} : memref<201x64xf32, #tpu.memory_space<vmem>>, vector<16xf32>,
          %add3A_586 = arith.constant 1 : i32
          %add3A_587 = arith.addi %add3A_548, %add3A_586 : i32
          %get3A_588 = arith.index_cast %add3A_587 : i32 to index
          %get3A_589 = arith.constant 32 : index
          %get3A_590 = tpu.vector_load %arg7[%get3A_588, %get3A_589] {strides = array<i32>} : memref<201x64xf32, #tpu.memory_space<vmem>>, vector<16xf32>,
          %sub3A_591 = arith.subf %get3A_585, %get3A_590 : vector<16xf32>
          %mul3A_592 = arith.mulf %select_n3A, %sub3A_591 : vector<16xf32>
          %swap3A_593 = arith.index_cast %add3A_548 : i32 to index
          %swap3A_594 = arith.constant 32 : index
          %swap3A_595 = tpu.vector_load %arg9[%swap3A_593, %swap3A_594] {strides = array<i32>} : memref<200x64xf32, #tpu.memory_space<vmem>>, vector<16xf32>,
          tpu.vector_store %arg9[%swap3A_593, %swap3A_594], %mul3A_592 {add = true, strides = array<i32>} : memref<200x64xf32, #tpu.memory_space<vmem>>, vector<16xf32>,
          %get3A_596 = arith.constant 0 : i32
          %get3A_597 = arith.index_cast %get3A_596 : i32 to index
          %get3A_598 = arith.constant 48 : index
          %get3A_599 = tpu.vector_load %arg7[%get3A_597, %get3A_598] {strides = array<i32>} : memref<201x64xf32, #tpu.memory_space<vmem>>, vector<16xf32>,
          %add3A_600 = arith.constant 1 : i32
          %add3A_601 = arith.addi %add3A_548, %add3A_600 : i32
          %get3A_602 = arith.index_cast %add3A_601 : i32 to index
          %get3A_603 = arith.constant 48 : index
          %get3A_604 = tpu.vector_load %arg7[%get3A_602, %get3A_603] {strides = array<i32>} : memref<201x64xf32, #tpu.memory_space<vmem>>, vector<16xf32>,
          %sub3A_605 = arith.subf %get3A_599, %get3A_604 : vector<16xf32>
          %mul3A_606 = arith.mulf %select_n3A, %sub3A_605 : vector<16xf32>
          %swap3A_607 = arith.index_cast %add3A_548 : i32 to index
          %swap3A_608 = arith.constant 48 : index
          %swap3A_609 = tpu.vector_load %arg9[%swap3A_607, %swap3A_608] {strides = array<i32>} : memref<200x64xf32, #tpu.memory_space<vmem>>, vector<16xf32>,
          tpu.vector_store %arg9[%swap3A_607, %swap3A_608], %mul3A_606 {add = true, strides = array<i32>} : memref<200x64xf32, #tpu.memory_space<vmem>>, vector<16xf32>,
        }
        %scan3A_543 = arith.constant 200 : i32
      } else {
      }
      %add3A_294 = arith.addi %mul3A_2, %mul3A_189 : i32
      %dma_start3A_295 = arith.constant 0 : i32
      %dma_start3A_296 = tpu.memref_slice %arg5[%add3A_294, %dma_start3A_295] : memref<819200x64xf32, #tpu.memory_space<hbm>> -> memref<200x64xf32, #tpu.memory_space<hbm>>
      %dma_start3A_297 = arith.constant 0 : i32
      %dma_start3A_298 = tpu.memref_slice %arg5[%add3A_294, %dma_start3A_297] : memref<819200x64xf32, #tpu.memory_space<hbm>> -> memref<200x64xf32, #tpu.memory_space<hbm>>
      tpu.enqueue_dma source(%arg9 : memref<200x64xf32, #tpu.memory_space<vmem>>) target(%dma_start3A_298 : memref<200x64xf32, #tpu.memory_space<hbm>>) target_semaphore(%arg17 : memref<!tpu.dma_semaphore, #tpu.memory_space<semaphore_mem>>)
      %add3A_299 = arith.constant 2 : i32
      %add3A_300 = arith.addi %add3A_65, %add3A_299 : i32
      %add3A_301 = arith.constant 2 : i32
      %add3A_302 = arith.addi %add3A_300, %add3A_301 : i32
      %lt3A_303 = arith.constant 128 : i32
      %lt3A_304 = arith.cmpi slt, %add3A_302, %lt3A_303 : i32
      %convert_element_type3A_305 = arith.extui %lt3A_304 : i1 to i32
      %cond3A_306 = arith.constant 0 : i32
      %cond3A_307 = arith.cmpi ne, %convert_element_type3A_305, %cond3A_306 : i32
      scf.if %cond3A_307 {
        %add3A_539 = arith.constant 2 : i32
        %add3A_540 = arith.addi %add3A_300, %add3A_539 : i32
        %mul3A_541 = arith.constant 200 : i32
        %mul3A_542 = arith.muli %add3A_540, %mul3A_541 : i32
        %ge3A = arith.constant 4 : i32
        %ge3A_543 = arith.cmpi sge, %add3A_540, %ge3A : i32
        %convert_element_type3A_544 = arith.extui %ge3A_543 : i1 to i32
        %cond3A_545 = arith.constant 0 : i32
        %cond3A_546 = arith.cmpi ne, %convert_element_type3A_544, %cond3A_545 : i32
        scf.if %cond3A_546 {
          %dma_wait3A_563 = arith.constant 0 : i32
          %dma_wait3A_564 = arith.constant 0 : i32
          %dma_wait3A_565 = tpu.memref_slice %arg5[%dma_wait3A_563, %dma_wait3A_564] : memref<819200x64xf32, #tpu.memory_space<hbm>> -> memref<200x64xf32, #tpu.memory_space<hbm>>
          %dma_wait3A_566 = arith.constant 0 : i32
          %dma_wait3A_567 = arith.constant 0 : i32
          %dma_wait3A_568 = tpu.memref_slice %arg5[%dma_wait3A_566, %dma_wait3A_567] : memref<819200x64xf32, #tpu.memory_space<hbm>> -> memref<200x64xf32, #tpu.memory_space<hbm>>
          tpu.wait_dma2 semaphore(%arg16 : memref<!tpu.dma_semaphore, #tpu.memory_space<semaphore_mem>>) src(%arg8 : memref<200x64xf32, #tpu.memory_space<vmem>>) dst(%dma_wait3A_568 : memref<200x64xf32, #tpu.memory_space<hbm>>)
        } else {
        }
        %dma_start3A_547 = arith.constant 0 : i32
        %dma_start3A_548 = arith.constant 0 : i32
        %dma_start3A_549 = tpu.memref_slice %arg8[%dma_start3A_547, %dma_start3A_548] : memref<200x64xf32, #tpu.memory_space<vmem>> -> memref<128x64xf32, #tpu.memory_space<vmem>>
        %dma_start3A_550 = tpu.memref_slice %arg6[%mul3A_542] : memref<25600xi32, #tpu.memory_space<vmem>> -> memref<128xi32, #tpu.memory_space<vmem>>
        %dma_start3A_551 = arith.constant 0 : i32
        %dma_start3A_552 = arith.constant 0 : i32
        %dma_start3A_553 = tpu.memref_slice %arg3[%dma_start3A_551, %dma_start3A_552] : memref<1000000x64xf32, #tpu.memory_space<hbm>> -> memref<1000000x64xf32, #tpu.memory_space<hbm>>
        tpu.enqueue_indirect_dma source(%dma_start3A_553 : memref<1000000x64xf32, #tpu.memory_space<hbm>>) target(%dma_start3A_549 : memref<128x64xf32, #tpu.memory_space<vmem>>) offsets(%dma_start3A_550 : memref<128xi32, #tpu.memory_space<vmem>>) semaphore(%arg12 : memref<!tpu.dma_semaphore, #tpu.memory_space<semaphore_mem>>)
        %add3A_554 = arith.constant 128 : i32
        %add3A_555 = arith.addi %mul3A_542, %add3A_554 : i32
        %dma_start3A_556 = arith.constant 128 : i32
        %dma_start3A_557 = arith.constant 0 : i32
        %dma_start3A_558 = tpu.memref_slice %arg8[%dma_start3A_556, %dma_start3A_557] : memref<200x64xf32, #tpu.memory_space<vmem>> -> memref<72x64xf32, #tpu.memory_space<vmem>>
        %dma_start3A_559 = tpu.memref_slice %arg6[%add3A_555] : memref<25600xi32, #tpu.memory_space<vmem>> -> memref<72xi32, #tpu.memory_space<vmem>>
        %dma_start3A_560 = arith.constant 0 : i32
        %dma_start3A_561 = arith.constant 0 : i32
        %dma_start3A_562 = tpu.memref_slice %arg3[%dma_start3A_560, %dma_start3A_561] : memref<1000000x64xf32, #tpu.memory_space<hbm>> -> memref<1000000x64xf32, #tpu.memory_space<hbm>>
        tpu.enqueue_indirect_dma source(%dma_start3A_562 : memref<1000000x64xf32, #tpu.memory_space<hbm>>) target(%dma_start3A_558 : memref<72x64xf32, #tpu.memory_space<vmem>>) offsets(%dma_start3A_559 : memref<72xi32, #tpu.memory_space<vmem>>) semaphore(%arg12 : memref<!tpu.dma_semaphore, #tpu.memory_space<semaphore_mem>>)
      } else {
      }
      %mul3A_308 = arith.constant 200 : i32
      %mul3A_309 = arith.muli %add3A_300, %mul3A_308 : i32
      %get3A_310 = arith.index_cast %mul3A_309 : i32 to index
      %get3A_311 = tpu.vector_load %arg6[%get3A_310] {strides = array<i32>} : memref<25600xi32, #tpu.memory_space<vmem>>, vector<16xi32>,
      %add3A_312 = arith.constant 16 : i32
      %add3A_313 = arith.addi %mul3A_309, %add3A_312 : i32
      %get3A_314 = arith.index_cast %add3A_313 : i32 to index
      %get3A_315 = tpu.vector_load %arg6[%get3A_314] {strides = array<i32>} : memref<25600xi32, #tpu.memory_space<vmem>>, vector<16xi32>,
      %min3A_316 = arith.minsi %get3A_311, %get3A_315 : vector<16xi32>
      %add3A_317 = arith.constant 32 : i32
      %add3A_318 = arith.addi %mul3A_309, %add3A_317 : i32
      %get3A_319 = arith.index_cast %add3A_318 : i32 to index
      %get3A_320 = tpu.vector_load %arg6[%get3A_319] {strides = array<i32>} : memref<25600xi32, #tpu.memory_space<vmem>>, vector<16xi32>,
      %min3A_321 = arith.minsi %min3A_316, %get3A_320 : vector<16xi32>
      %add3A_322 = arith.constant 48 : i32
      %add3A_323 = arith.addi %mul3A_309, %add3A_322 : i32
      %get3A_324 = arith.index_cast %add3A_323 : i32 to index
      %get3A_325 = tpu.vector_load %arg6[%get3A_324] {strides = array<i32>} : memref<25600xi32, #tpu.memory_space<vmem>>, vector<16xi32>,
      %min3A_326 = arith.minsi %min3A_321, %get3A_325 : vector<16xi32>
      %add3A_327 = arith.constant 64 : i32
      %add3A_328 = arith.addi %mul3A_309, %add3A_327 : i32
      %get3A_329 = arith.index_cast %add3A_328 : i32 to index
      %get3A_330 = tpu.vector_load %arg6[%get3A_329] {strides = array<i32>} : memref<25600xi32, #tpu.memory_space<vmem>>, vector<16xi32>,
      %min3A_331 = arith.minsi %min3A_326, %get3A_330 : vector<16xi32>
      %add3A_332 = arith.constant 80 : i32
      %add3A_333 = arith.addi %mul3A_309, %add3A_332 : i32
      %get3A_334 = arith.index_cast %add3A_333 : i32 to index
      %get3A_335 = tpu.vector_load %arg6[%get3A_334] {strides = array<i32>} : memref<25600xi32, #tpu.memory_space<vmem>>, vector<16xi32>,
      %min3A_336 = arith.minsi %min3A_331, %get3A_335 : vector<16xi32>
      %add3A_337 = arith.constant 96 : i32
      %add3A_338 = arith.addi %mul3A_309, %add3A_337 : i32
      %get3A_339 = arith.index_cast %add3A_338 : i32 to index
      %get3A_340 = tpu.vector_load %arg6[%get3A_339] {strides = array<i32>} : memref<25600xi32, #tpu.memory_space<vmem>>, vector<16xi32>,
      %min3A_341 = arith.minsi %min3A_336, %get3A_340 : vector<16xi32>
      %add3A_342 = arith.constant 112 : i32
      %add3A_343 = arith.addi %mul3A_309, %add3A_342 : i32
      %get3A_344 = arith.index_cast %add3A_343 : i32 to index
      %get3A_345 = tpu.vector_load %arg6[%get3A_344] {strides = array<i32>} : memref<25600xi32, #tpu.memory_space<vmem>>, vector<16xi32>,
      %min3A_346 = arith.minsi %min3A_341, %get3A_345 : vector<16xi32>
      %add3A_347 = arith.constant 128 : i32
      %add3A_348 = arith.addi %mul3A_309, %add3A_347 : i32
      %get3A_349 = arith.index_cast %add3A_348 : i32 to index
      %get3A_350 = tpu.vector_load %arg6[%get3A_349] {strides = array<i32>} : memref<25600xi32, #tpu.memory_space<vmem>>, vector<16xi32>,
      %min3A_351 = arith.minsi %min3A_346, %get3A_350 : vector<16xi32>
      %add3A_352 = arith.constant 144 : i32
      %add3A_353 = arith.addi %mul3A_309, %add3A_352 : i32
      %get3A_354 = arith.index_cast %add3A_353 : i32 to index
      %get3A_355 = tpu.vector_load %arg6[%get3A_354] {strides = array<i32>} : memref<25600xi32, #tpu.memory_space<vmem>>, vector<16xi32>,
      %min3A_356 = arith.minsi %min3A_351, %get3A_355 : vector<16xi32>
      %add3A_357 = arith.constant 160 : i32
      %add3A_358 = arith.addi %mul3A_309, %add3A_357 : i32
      %get3A_359 = arith.index_cast %add3A_358 : i32 to index
      %get3A_360 = tpu.vector_load %arg6[%get3A_359] {strides = array<i32>} : memref<25600xi32, #tpu.memory_space<vmem>>, vector<16xi32>,
      %min3A_361 = arith.minsi %min3A_356, %get3A_360 : vector<16xi32>
      %add3A_362 = arith.constant 176 : i32
      %add3A_363 = arith.addi %mul3A_309, %add3A_362 : i32
      %get3A_364 = arith.index_cast %add3A_363 : i32 to index
      %get3A_365 = tpu.vector_load %arg6[%get3A_364] {strides = array<i32>} : memref<25600xi32, #tpu.memory_space<vmem>>, vector<16xi32>,
      %min3A_366 = arith.minsi %min3A_361, %get3A_365 : vector<16xi32>
      %add3A_367 = arith.constant 184 : i32
      %add3A_368 = arith.addi %mul3A_309, %add3A_367 : i32
      %get3A_369 = arith.index_cast %add3A_368 : i32 to index
      %get3A_370 = tpu.vector_load %arg6[%get3A_369] {strides = array<i32>} : memref<25600xi32, #tpu.memory_space<vmem>>, vector<16xi32>,
      %min3A_371 = arith.minsi %min3A_366, %get3A_370 : vector<16xi32>
      %reduce_min3A_372 = arith.constant true
      %reduce_min3A_373 = vector.broadcast %reduce_min3A_372 : i1 to vector<16xi1>
      %reduce_min3A_374 = arith.constant -2147483648 : i32
      %reduce_min3A_375 = vector.broadcast %reduce_min3A_374 : i32 to vector<16xi32>
      %reduce_min3A_376 = arith.xori %min3A_371, %reduce_min3A_375 : vector<16xi32>
      %reduce_min3A_377 = tpu.scan <min>, %reduce_min3A_376 masked %reduce_min3A_373 : vector<16xi32>, vector<16xi1> -> vector<16xi32>
      %reduce_min3A_378 = arith.xori %reduce_min3A_377, %reduce_min3A_375 : vector<16xi32>
      %reduce_min3A_379 = vector.extract %reduce_min3A_378[15] : i32 from vector<16xi32>
      %eq3A_380 = arith.constant 0 : i32
      %eq3A_381 = arith.cmpi eq, %reduce_min3A_379, %eq3A_380 : i32
      %dma_wait3A_382 = arith.constant 0 : i32
      %dma_wait3A_383 = arith.constant 0 : i32
      %dma_wait3A_384 = tpu.memref_slice %arg10[%dma_wait3A_382, %dma_wait3A_383] : memref<200x64xf32, #tpu.memory_space<vmem>> -> memref<128x64xf32, #tpu.memory_space<vmem>>
      %dma_wait3A_385 = arith.constant 0 : i32
      %dma_wait3A_386 = arith.constant 0 : i32
      %dma_wait3A_387 = tpu.memref_slice %arg3[%dma_wait3A_385, %dma_wait3A_386] : memref<1000000x64xf32, #tpu.memory_space<hbm>> -> memref<128x64xf32, #tpu.memory_space<hbm>>
      %dma_wait3A_388 = arith.constant 0 : i32
      %dma_wait3A_389 = arith.constant 0 : i32
      %dma_wait3A_390 = tpu.memref_slice %arg10[%dma_wait3A_388, %dma_wait3A_389] : memref<200x64xf32, #tpu.memory_space<vmem>> -> memref<128x64xf32, #tpu.memory_space<vmem>>
      %dma_wait3A_391 = arith.constant 0 : i32
      %dma_wait3A_392 = arith.constant 0 : i32
      %dma_wait3A_393 = tpu.memref_slice %arg3[%dma_wait3A_391, %dma_wait3A_392] : memref<1000000x64xf32, #tpu.memory_space<hbm>> -> memref<128x64xf32, #tpu.memory_space<hbm>>
      tpu.wait_dma2 semaphore(%arg14 : memref<!tpu.dma_semaphore, #tpu.memory_space<semaphore_mem>>) src(%dma_wait3A_393 : memref<128x64xf32, #tpu.memory_space<hbm>>) dst(%dma_wait3A_390 : memref<128x64xf32, #tpu.memory_space<vmem>>)
      %dma_wait3A_394 = arith.constant 128 : i32
      %dma_wait3A_395 = arith.constant 0 : i32
      %dma_wait3A_396 = tpu.memref_slice %arg10[%dma_wait3A_394, %dma_wait3A_395] : memref<200x64xf32, #tpu.memory_space<vmem>> -> memref<72x64xf32, #tpu.memory_space<vmem>>
      %dma_wait3A_397 = arith.constant 0 : i32
      %dma_wait3A_398 = arith.constant 0 : i32
      %dma_wait3A_399 = tpu.memref_slice %arg3[%dma_wait3A_397, %dma_wait3A_398] : memref<1000000x64xf32, #tpu.memory_space<hbm>> -> memref<72x64xf32, #tpu.memory_space<hbm>>
      %dma_wait3A_400 = arith.constant 128 : i32
      %dma_wait3A_401 = arith.constant 0 : i32
      %dma_wait3A_402 = tpu.memref_slice %arg10[%dma_wait3A_400, %dma_wait3A_401] : memref<200x64xf32, #tpu.memory_space<vmem>> -> memref<72x64xf32, #tpu.memory_space<vmem>>
      %dma_wait3A_403 = arith.constant 0 : i32
      %dma_wait3A_404 = arith.constant 0 : i32
      %dma_wait3A_405 = tpu.memref_slice %arg3[%dma_wait3A_403, %dma_wait3A_404] : memref<1000000x64xf32, #tpu.memory_space<hbm>> -> memref<72x64xf32, #tpu.memory_space<hbm>>
      tpu.wait_dma2 semaphore(%arg14 : memref<!tpu.dma_semaphore, #tpu.memory_space<semaphore_mem>>) src(%dma_wait3A_405 : memref<72x64xf32, #tpu.memory_space<hbm>>) dst(%dma_wait3A_402 : memref<72x64xf32, #tpu.memory_space<vmem>>)
      %scan3A_406 = arith.constant 0 : i32
      %scan3A_407 = arith.constant 200 : i32
      %scan3A_408 = arith.addi %scan3A_406, %scan3A_407 : i32
      %scan3A_409 = arith.constant 8 : i32
      scf.for %scan3A_539 = %scan3A_406 to %scan3A_408 step %scan3A_409  : i32 {
        %mul3A_540 = arith.constant 1 : i32
        %mul3A_541 = arith.muli %scan3A_539, %mul3A_540 : i32
        %add3A_542 = arith.constant 0 : i32
        %add3A_543 = arith.addi %add3A_542, %mul3A_541 : i32
        %add3A_544 = arith.constant 1 : i32
        %add3A_545 = arith.addi %add3A_543, %add3A_544 : i32
        %get3A_546 = arith.index_cast %add3A_545 : i32 to index
        %get3A_547 = arith.constant 0 : index
        %get3A_548 = tpu.vector_load %arg7[%get3A_546, %get3A_547] {strides = array<i32>} : memref<201x64xf32, #tpu.memory_space<vmem>>, vector<16xf32>,
        %swap3A = arith.index_cast %add3A_543 : i32 to index
        %swap3A_549 = arith.constant 0 : index
        %swap3A_550 = tpu.vector_load %arg10[%swap3A, %swap3A_549] {strides = array<i32>} : memref<200x64xf32, #tpu.memory_space<vmem>>, vector<16xf32>,
        tpu.vector_store %arg10[%swap3A, %swap3A_549], %get3A_548 {add = true, strides = array<i32>} : memref<200x64xf32, #tpu.memory_space<vmem>>, vector<16xf32>,
        %add3A_551 = arith.constant 1 : i32
        %add3A_552 = arith.addi %add3A_543, %add3A_551 : i32
        %get3A_553 = arith.index_cast %add3A_552 : i32 to index
        %get3A_554 = arith.constant 16 : index
        %get3A_555 = tpu.vector_load %arg7[%get3A_553, %get3A_554] {strides = array<i32>} : memref<201x64xf32, #tpu.memory_space<vmem>>, vector<16xf32>,
        %swap3A_556 = arith.index_cast %add3A_543 : i32 to index
        %swap3A_557 = arith.constant 16 : index
        %swap3A_558 = tpu.vector_load %arg10[%swap3A_556, %swap3A_557] {strides = array<i32>} : memref<200x64xf32, #tpu.memory_space<vmem>>, vector<16xf32>,
        tpu.vector_store %arg10[%swap3A_556, %swap3A_557], %get3A_555 {add = true, strides = array<i32>} : memref<200x64xf32, #tpu.memory_space<vmem>>, vector<16xf32>,
        %add3A_559 = arith.constant 1 : i32
        %add3A_560 = arith.addi %add3A_543, %add3A_559 : i32
        %get3A_561 = arith.index_cast %add3A_560 : i32 to index
        %get3A_562 = arith.constant 32 : index
        %get3A_563 = tpu.vector_load %arg7[%get3A_561, %get3A_562] {strides = array<i32>} : memref<201x64xf32, #tpu.memory_space<vmem>>, vector<16xf32>,
        %swap3A_564 = arith.index_cast %add3A_543 : i32 to index
        %swap3A_565 = arith.constant 32 : index
        %swap3A_566 = tpu.vector_load %arg10[%swap3A_564, %swap3A_565] {strides = array<i32>} : memref<200x64xf32, #tpu.memory_space<vmem>>, vector<16xf32>,
        tpu.vector_store %arg10[%swap3A_564, %swap3A_565], %get3A_563 {add = true, strides = array<i32>} : memref<200x64xf32, #tpu.memory_space<vmem>>, vector<16xf32>,
        %add3A_567 = arith.constant 1 : i32
        %add3A_568 = arith.addi %add3A_543, %add3A_567 : i32
        %get3A_569 = arith.index_cast %add3A_568 : i32 to index
        %get3A_570 = arith.constant 48 : index
        %get3A_571 = tpu.vector_load %arg7[%get3A_569, %get3A_570] {strides = array<i32>} : memref<201x64xf32, #tpu.memory_space<vmem>>, vector<16xf32>,
        %swap3A_572 = arith.index_cast %add3A_543 : i32 to index
        %swap3A_573 = arith.constant 48 : index
        %swap3A_574 = tpu.vector_load %arg10[%swap3A_572, %swap3A_573] {strides = array<i32>} : memref<200x64xf32, #tpu.memory_space<vmem>>, vector<16xf32>,
        tpu.vector_store %arg10[%swap3A_572, %swap3A_573], %get3A_571 {add = true, strides = array<i32>} : memref<200x64xf32, #tpu.memory_space<vmem>>, vector<16xf32>,
        %scan3A_575 = arith.constant 1 : i32
        %scan3A_576 = arith.addi %scan3A_539, %scan3A_575 : i32
        %mul3A_577 = arith.constant 1 : i32
        %mul3A_578 = arith.muli %scan3A_576, %mul3A_577 : i32
        %add3A_579 = arith.constant 0 : i32
        %add3A_580 = arith.addi %add3A_579, %mul3A_578 : i32
        %add3A_581 = arith.constant 1 : i32
        %add3A_582 = arith.addi %add3A_580, %add3A_581 : i32
        %get3A_583 = arith.index_cast %add3A_582 : i32 to index
        %get3A_584 = arith.constant 0 : index
        %get3A_585 = tpu.vector_load %arg7[%get3A_583, %get3A_584] {strides = array<i32>} : memref<201x64xf32, #tpu.memory_space<vmem>>, vector<16xf32>,
        %swap3A_586 = arith.index_cast %add3A_580 : i32 to index
        %swap3A_587 = arith.constant 0 : index
        %swap3A_588 = tpu.vector_load %arg10[%swap3A_586, %swap3A_587] {strides = array<i32>} : memref<200x64xf32, #tpu.memory_space<vmem>>, vector<16xf32>,
        tpu.vector_store %arg10[%swap3A_586, %swap3A_587], %get3A_585 {add = true, strides = array<i32>} : memref<200x64xf32, #tpu.memory_space<vmem>>, vector<16xf32>,
        %add3A_589 = arith.constant 1 : i32
        %add3A_590 = arith.addi %add3A_580, %add3A_589 : i32
        %get3A_591 = arith.index_cast %add3A_590 : i32 to index
        %get3A_592 = arith.constant 16 : index
        %get3A_593 = tpu.vector_load %arg7[%get3A_591, %get3A_592] {strides = array<i32>} : memref<201x64xf32, #tpu.memory_space<vmem>>, vector<16xf32>,
        %swap3A_594 = arith.index_cast %add3A_580 : i32 to index
        %swap3A_595 = arith.constant 16 : index
        %swap3A_596 = tpu.vector_load %arg10[%swap3A_594, %swap3A_595] {strides = array<i32>} : memref<200x64xf32, #tpu.memory_space<vmem>>, vector<16xf32>,
        tpu.vector_store %arg10[%swap3A_594, %swap3A_595], %get3A_593 {add = true, strides = array<i32>} : memref<200x64xf32, #tpu.memory_space<vmem>>, vector<16xf32>,
        %add3A_597 = arith.constant 1 : i32
        %add3A_598 = arith.addi %add3A_580, %add3A_597 : i32
        %get3A_599 = arith.index_cast %add3A_598 : i32 to index
        %get3A_600 = arith.constant 32 : index
        %get3A_601 = tpu.vector_load %arg7[%get3A_599, %get3A_600] {strides = array<i32>} : memref<201x64xf32, #tpu.memory_space<vmem>>, vector<16xf32>,
        %swap3A_602 = arith.index_cast %add3A_580 : i32 to index
        %swap3A_603 = arith.constant 32 : index
        %swap3A_604 = tpu.vector_load %arg10[%swap3A_602, %swap3A_603] {strides = array<i32>} : memref<200x64xf32, #tpu.memory_space<vmem>>, vector<16xf32>,
        tpu.vector_store %arg10[%swap3A_602, %swap3A_603], %get3A_601 {add = true, strides = array<i32>} : memref<200x64xf32, #tpu.memory_space<vmem>>, vector<16xf32>,
        %add3A_605 = arith.constant 1 : i32
        %add3A_606 = arith.addi %add3A_580, %add3A_605 : i32
        %get3A_607 = arith.index_cast %add3A_606 : i32 to index
        %get3A_608 = arith.constant 48 : index
        %get3A_609 = tpu.vector_load %arg7[%get3A_607, %get3A_608] {strides = array<i32>} : memref<201x64xf32, #tpu.memory_space<vmem>>, vector<16xf32>,
        %swap3A_610 = arith.index_cast %add3A_580 : i32 to index
        %swap3A_611 = arith.constant 48 : index
        %swap3A_612 = tpu.vector_load %arg10[%swap3A_610, %swap3A_611] {strides = array<i32>} : memref<200x64xf32, #tpu.memory_space<vmem>>, vector<16xf32>,
        tpu.vector_store %arg10[%swap3A_610, %swap3A_611], %get3A_609 {add = true, strides = array<i32>} : memref<200x64xf32, #tpu.memory_space<vmem>>, vector<16xf32>,
        %scan3A_613 = arith.constant 2 : i32
        %scan3A_614 = arith.addi %scan3A_539, %scan3A_613 : i32
        %mul3A_615 = arith.constant 1 : i32
        %mul3A_616 = arith.muli %scan3A_614, %mul3A_615 : i32
        %add3A_617 = arith.constant 0 : i32
        %add3A_618 = arith.addi %add3A_617, %mul3A_616 : i32
        %add3A_619 = arith.constant 1 : i32
        %add3A_620 = arith.addi %add3A_618, %add3A_619 : i32
        %get3A_621 = arith.index_cast %add3A_620 : i32 to index
        %get3A_622 = arith.constant 0 : index
        %get3A_623 = tpu.vector_load %arg7[%get3A_621, %get3A_622] {strides = array<i32>} : memref<201x64xf32, #tpu.memory_space<vmem>>, vector<16xf32>,
        %swap3A_624 = arith.index_cast %add3A_618 : i32 to index
        %swap3A_625 = arith.constant 0 : index
        %swap3A_626 = tpu.vector_load %arg10[%swap3A_624, %swap3A_625] {strides = array<i32>} : memref<200x64xf32, #tpu.memory_space<vmem>>, vector<16xf32>,
        tpu.vector_store %arg10[%swap3A_624, %swap3A_625], %get3A_623 {add = true, strides = array<i32>} : memref<200x64xf32, #tpu.memory_space<vmem>>, vector<16xf32>,
        %add3A_627 = arith.constant 1 : i32
        %add3A_628 = arith.addi %add3A_618, %add3A_627 : i32
        %get3A_629 = arith.index_cast %add3A_628 : i32 to index
        %get3A_630 = arith.constant 16 : index
        %get3A_631 = tpu.vector_load %arg7[%get3A_629, %get3A_630] {strides = array<i32>} : memref<201x64xf32, #tpu.memory_space<vmem>>, vector<16xf32>,
        %swap3A_632 = arith.index_cast %add3A_618 : i32 to index
        %swap3A_633 = arith.constant 16 : index
        %swap3A_634 = tpu.vector_load %arg10[%swap3A_632, %swap3A_633] {strides = array<i32>} : memref<200x64xf32, #tpu.memory_space<vmem>>, vector<16xf32>,
        tpu.vector_store %arg10[%swap3A_632, %swap3A_633], %get3A_631 {add = true, strides = array<i32>} : memref<200x64xf32, #tpu.memory_space<vmem>>, vector<16xf32>,
        %add3A_635 = arith.constant 1 : i32
        %add3A_636 = arith.addi %add3A_618, %add3A_635 : i32
        %get3A_637 = arith.index_cast %add3A_636 : i32 to index
        %get3A_638 = arith.constant 32 : index
        %get3A_639 = tpu.vector_load %arg7[%get3A_637, %get3A_638] {strides = array<i32>} : memref<201x64xf32, #tpu.memory_space<vmem>>, vector<16xf32>,
        %swap3A_640 = arith.index_cast %add3A_618 : i32 to index
        %swap3A_641 = arith.constant 32 : index
        %swap3A_642 = tpu.vector_load %arg10[%swap3A_640, %swap3A_641] {strides = array<i32>} : memref<200x64xf32, #tpu.memory_space<vmem>>, vector<16xf32>,
        tpu.vector_store %arg10[%swap3A_640, %swap3A_641], %get3A_639 {add = true, strides = array<i32>} : memref<200x64xf32, #tpu.memory_space<vmem>>, vector<16xf32>,
        %add3A_643 = arith.constant 1 : i32
        %add3A_644 = arith.addi %add3A_618, %add3A_643 : i32
        %get3A_645 = arith.index_cast %add3A_644 : i32 to index
        %get3A_646 = arith.constant 48 : index
        %get3A_647 = tpu.vector_load %arg7[%get3A_645, %get3A_646] {strides = array<i32>} : memref<201x64xf32, #tpu.memory_space<vmem>>, vector<16xf32>,
        %swap3A_648 = arith.index_cast %add3A_618 : i32 to index
        %swap3A_649 = arith.constant 48 : index
        %swap3A_650 = tpu.vector_load %arg10[%swap3A_648, %swap3A_649] {strides = array<i32>} : memref<200x64xf32, #tpu.memory_space<vmem>>, vector<16xf32>,
        tpu.vector_store %arg10[%swap3A_648, %swap3A_649], %get3A_647 {add = true, strides = array<i32>} : memref<200x64xf32, #tpu.memory_space<vmem>>, vector<16xf32>,
        %scan3A_651 = arith.constant 3 : i32
        %scan3A_652 = arith.addi %scan3A_539, %scan3A_651 : i32
        %mul3A_653 = arith.constant 1 : i32
        %mul3A_654 = arith.muli %scan3A_652, %mul3A_653 : i32
        %add3A_655 = arith.constant 0 : i32
        %add3A_656 = arith.addi %add3A_655, %mul3A_654 : i32
        %add3A_657 = arith.constant 1 : i32
        %add3A_658 = arith.addi %add3A_656, %add3A_657 : i32
        %get3A_659 = arith.index_cast %add3A_658 : i32 to index
        %get3A_660 = arith.constant 0 : index
        %get3A_661 = tpu.vector_load %arg7[%get3A_659, %get3A_660] {strides = array<i32>} : memref<201x64xf32, #tpu.memory_space<vmem>>, vector<16xf32>,
        %swap3A_662 = arith.index_cast %add3A_656 : i32 to index
        %swap3A_663 = arith.constant 0 : index
        %swap3A_664 = tpu.vector_load %arg10[%swap3A_662, %swap3A_663] {strides = array<i32>} : memref<200x64xf32, #tpu.memory_space<vmem>>, vector<16xf32>,
        tpu.vector_store %arg10[%swap3A_662, %swap3A_663], %get3A_661 {add = true, strides = array<i32>} : memref<200x64xf32, #tpu.memory_space<vmem>>, vector<16xf32>,
        %add3A_665 = arith.constant 1 : i32
        %add3A_666 = arith.addi %add3A_656, %add3A_665 : i32
        %get3A_667 = arith.index_cast %add3A_666 : i32 to index
        %get3A_668 = arith.constant 16 : index
        %get3A_669 = tpu.vector_load %arg7[%get3A_667, %get3A_668] {strides = array<i32>} : memref<201x64xf32, #tpu.memory_space<vmem>>, vector<16xf32>,
        %swap3A_670 = arith.index_cast %add3A_656 : i32 to index
        %swap3A_671 = arith.constant 16 : index
        %swap3A_672 = tpu.vector_load %arg10[%swap3A_670, %swap3A_671] {strides = array<i32>} : memref<200x64xf32, #tpu.memory_space<vmem>>, vector<16xf32>,
        tpu.vector_store %arg10[%swap3A_670, %swap3A_671], %get3A_669 {add = true, strides = array<i32>} : memref<200x64xf32, #tpu.memory_space<vmem>>, vector<16xf32>,
        %add3A_673 = arith.constant 1 : i32
        %add3A_674 = arith.addi %add3A_656, %add3A_673 : i32
        %get3A_675 = arith.index_cast %add3A_674 : i32 to index
        %get3A_676 = arith.constant 32 : index
        %get3A_677 = tpu.vector_load %arg7[%get3A_675, %get3A_676] {strides = array<i32>} : memref<201x64xf32, #tpu.memory_space<vmem>>, vector<16xf32>,
        %swap3A_678 = arith.index_cast %add3A_656 : i32 to index
        %swap3A_679 = arith.constant 32 : index
        %swap3A_680 = tpu.vector_load %arg10[%swap3A_678, %swap3A_679] {strides = array<i32>} : memref<200x64xf32, #tpu.memory_space<vmem>>, vector<16xf32>,
        tpu.vector_store %arg10[%swap3A_678, %swap3A_679], %get3A_677 {add = true, strides = array<i32>} : memref<200x64xf32, #tpu.memory_space<vmem>>, vector<16xf32>,
        %add3A_681 = arith.constant 1 : i32
        %add3A_682 = arith.addi %add3A_656, %add3A_681 : i32
        %get3A_683 = arith.index_cast %add3A_682 : i32 to index
        %get3A_684 = arith.constant 48 : index
        %get3A_685 = tpu.vector_load %arg7[%get3A_683, %get3A_684] {strides = array<i32>} : memref<201x64xf32, #tpu.memory_space<vmem>>, vector<16xf32>,
        %swap3A_686 = arith.index_cast %add3A_656 : i32 to index
        %swap3A_687 = arith.constant 48 : index
        %swap3A_688 = tpu.vector_load %arg10[%swap3A_686, %swap3A_687] {strides = array<i32>} : memref<200x64xf32, #tpu.memory_space<vmem>>, vector<16xf32>,
        tpu.vector_store %arg10[%swap3A_686, %swap3A_687], %get3A_685 {add = true, strides = array<i32>} : memref<200x64xf32, #tpu.memory_space<vmem>>, vector<16xf32>,
        %scan3A_689 = arith.constant 4 : i32
        %scan3A_690 = arith.addi %scan3A_539, %scan3A_689 : i32
        %mul3A_691 = arith.constant 1 : i32
        %mul3A_692 = arith.muli %scan3A_690, %mul3A_691 : i32
        %add3A_693 = arith.constant 0 : i32
        %add3A_694 = arith.addi %add3A_693, %mul3A_692 : i32
        %add3A_695 = arith.constant 1 : i32
        %add3A_696 = arith.addi %add3A_694, %add3A_695 : i32
        %get3A_697 = arith.index_cast %add3A_696 : i32 to index
        %get3A_698 = arith.constant 0 : index
        %get3A_699 = tpu.vector_load %arg7[%get3A_697, %get3A_698] {strides = array<i32>} : memref<201x64xf32, #tpu.memory_space<vmem>>, vector<16xf32>,
        %swap3A_700 = arith.index_cast %add3A_694 : i32 to index
        %swap3A_701 = arith.constant 0 : index
        %swap3A_702 = tpu.vector_load %arg10[%swap3A_700, %swap3A_701] {strides = array<i32>} : memref<200x64xf32, #tpu.memory_space<vmem>>, vector<16xf32>,
        tpu.vector_store %arg10[%swap3A_700, %swap3A_701], %get3A_699 {add = true, strides = array<i32>} : memref<200x64xf32, #tpu.memory_space<vmem>>, vector<16xf32>,
        %add3A_703 = arith.constant 1 : i32
        %add3A_704 = arith.addi %add3A_694, %add3A_703 : i32
        %get3A_705 = arith.index_cast %add3A_704 : i32 to index
        %get3A_706 = arith.constant 16 : index
        %get3A_707 = tpu.vector_load %arg7[%get3A_705, %get3A_706] {strides = array<i32>} : memref<201x64xf32, #tpu.memory_space<vmem>>, vector<16xf32>,
        %swap3A_708 = arith.index_cast %add3A_694 : i32 to index
        %swap3A_709 = arith.constant 16 : index
        %swap3A_710 = tpu.vector_load %arg10[%swap3A_708, %swap3A_709] {strides = array<i32>} : memref<200x64xf32, #tpu.memory_space<vmem>>, vector<16xf32>,
        tpu.vector_store %arg10[%swap3A_708, %swap3A_709], %get3A_707 {add = true, strides = array<i32>} : memref<200x64xf32, #tpu.memory_space<vmem>>, vector<16xf32>,
        %add3A_711 = arith.constant 1 : i32
        %add3A_712 = arith.addi %add3A_694, %add3A_711 : i32
        %get3A_713 = arith.index_cast %add3A_712 : i32 to index
        %get3A_714 = arith.constant 32 : index
        %get3A_715 = tpu.vector_load %arg7[%get3A_713, %get3A_714] {strides = array<i32>} : memref<201x64xf32, #tpu.memory_space<vmem>>, vector<16xf32>,
        %swap3A_716 = arith.index_cast %add3A_694 : i32 to index
        %swap3A_717 = arith.constant 32 : index
        %swap3A_718 = tpu.vector_load %arg10[%swap3A_716, %swap3A_717] {strides = array<i32>} : memref<200x64xf32, #tpu.memory_space<vmem>>, vector<16xf32>,
        tpu.vector_store %arg10[%swap3A_716, %swap3A_717], %get3A_715 {add = true, strides = array<i32>} : memref<200x64xf32, #tpu.memory_space<vmem>>, vector<16xf32>,
        %add3A_719 = arith.constant 1 : i32
        %add3A_720 = arith.addi %add3A_694, %add3A_719 : i32
        %get3A_721 = arith.index_cast %add3A_720 : i32 to index
        %get3A_722 = arith.constant 48 : index
        %get3A_723 = tpu.vector_load %arg7[%get3A_721, %get3A_722] {strides = array<i32>} : memref<201x64xf32, #tpu.memory_space<vmem>>, vector<16xf32>,
        %swap3A_724 = arith.index_cast %add3A_694 : i32 to index
        %swap3A_725 = arith.constant 48 : index
        %swap3A_726 = tpu.vector_load %arg10[%swap3A_724, %swap3A_725] {strides = array<i32>} : memref<200x64xf32, #tpu.memory_space<vmem>>, vector<16xf32>,
        tpu.vector_store %arg10[%swap3A_724, %swap3A_725], %get3A_723 {add = true, strides = array<i32>} : memref<200x64xf32, #tpu.memory_space<vmem>>, vector<16xf32>,
        %scan3A_727 = arith.constant 5 : i32
        %scan3A_728 = arith.addi %scan3A_539, %scan3A_727 : i32
        %mul3A_729 = arith.constant 1 : i32
        %mul3A_730 = arith.muli %scan3A_728, %mul3A_729 : i32
        %add3A_731 = arith.constant 0 : i32
        %add3A_732 = arith.addi %add3A_731, %mul3A_730 : i32
        %add3A_733 = arith.constant 1 : i32
        %add3A_734 = arith.addi %add3A_732, %add3A_733 : i32
        %get3A_735 = arith.index_cast %add3A_734 : i32 to index
        %get3A_736 = arith.constant 0 : index
        %get3A_737 = tpu.vector_load %arg7[%get3A_735, %get3A_736] {strides = array<i32>} : memref<201x64xf32, #tpu.memory_space<vmem>>, vector<16xf32>,
        %swap3A_738 = arith.index_cast %add3A_732 : i32 to index
        %swap3A_739 = arith.constant 0 : index
        %swap3A_740 = tpu.vector_load %arg10[%swap3A_738, %swap3A_739] {strides = array<i32>} : memref<200x64xf32, #tpu.memory_space<vmem>>, vector<16xf32>,
        tpu.vector_store %arg10[%swap3A_738, %swap3A_739], %get3A_737 {add = true, strides = array<i32>} : memref<200x64xf32, #tpu.memory_space<vmem>>, vector<16xf32>,
        %add3A_741 = arith.constant 1 : i32
        %add3A_742 = arith.addi %add3A_732, %add3A_741 : i32
        %get3A_743 = arith.index_cast %add3A_742 : i32 to index
        %get3A_744 = arith.constant 16 : index
        %get3A_745 = tpu.vector_load %arg7[%get3A_743, %get3A_744] {strides = array<i32>} : memref<201x64xf32, #tpu.memory_space<vmem>>, vector<16xf32>,
        %swap3A_746 = arith.index_cast %add3A_732 : i32 to index
        %swap3A_747 = arith.constant 16 : index
        %swap3A_748 = tpu.vector_load %arg10[%swap3A_746, %swap3A_747] {strides = array<i32>} : memref<200x64xf32, #tpu.memory_space<vmem>>, vector<16xf32>,
        tpu.vector_store %arg10[%swap3A_746, %swap3A_747], %get3A_745 {add = true, strides = array<i32>} : memref<200x64xf32, #tpu.memory_space<vmem>>, vector<16xf32>,
        %add3A_749 = arith.constant 1 : i32
        %add3A_750 = arith.addi %add3A_732, %add3A_749 : i32
        %get3A_751 = arith.index_cast %add3A_750 : i32 to index
        %get3A_752 = arith.constant 32 : index
        %get3A_753 = tpu.vector_load %arg7[%get3A_751, %get3A_752] {strides = array<i32>} : memref<201x64xf32, #tpu.memory_space<vmem>>, vector<16xf32>,
        %swap3A_754 = arith.index_cast %add3A_732 : i32 to index
        %swap3A_755 = arith.constant 32 : index
        %swap3A_756 = tpu.vector_load %arg10[%swap3A_754, %swap3A_755] {strides = array<i32>} : memref<200x64xf32, #tpu.memory_space<vmem>>, vector<16xf32>,
        tpu.vector_store %arg10[%swap3A_754, %swap3A_755], %get3A_753 {add = true, strides = array<i32>} : memref<200x64xf32, #tpu.memory_space<vmem>>, vector<16xf32>,
        %add3A_757 = arith.constant 1 : i32
        %add3A_758 = arith.addi %add3A_732, %add3A_757 : i32
        %get3A_759 = arith.index_cast %add3A_758 : i32 to index
        %get3A_760 = arith.constant 48 : index
        %get3A_761 = tpu.vector_load %arg7[%get3A_759, %get3A_760] {strides = array<i32>} : memref<201x64xf32, #tpu.memory_space<vmem>>, vector<16xf32>,
        %swap3A_762 = arith.index_cast %add3A_732 : i32 to index
        %swap3A_763 = arith.constant 48 : index
        %swap3A_764 = tpu.vector_load %arg10[%swap3A_762, %swap3A_763] {strides = array<i32>} : memref<200x64xf32, #tpu.memory_space<vmem>>, vector<16xf32>,
        tpu.vector_store %arg10[%swap3A_762, %swap3A_763], %get3A_761 {add = true, strides = array<i32>} : memref<200x64xf32, #tpu.memory_space<vmem>>, vector<16xf32>,
        %scan3A_765 = arith.constant 6 : i32
        %scan3A_766 = arith.addi %scan3A_539, %scan3A_765 : i32
        %mul3A_767 = arith.constant 1 : i32
        %mul3A_768 = arith.muli %scan3A_766, %mul3A_767 : i32
        %add3A_769 = arith.constant 0 : i32
        %add3A_770 = arith.addi %add3A_769, %mul3A_768 : i32
        %add3A_771 = arith.constant 1 : i32
        %add3A_772 = arith.addi %add3A_770, %add3A_771 : i32
        %get3A_773 = arith.index_cast %add3A_772 : i32 to index
        %get3A_774 = arith.constant 0 : index
        %get3A_775 = tpu.vector_load %arg7[%get3A_773, %get3A_774] {strides = array<i32>} : memref<201x64xf32, #tpu.memory_space<vmem>>, vector<16xf32>,
        %swap3A_776 = arith.index_cast %add3A_770 : i32 to index
        %swap3A_777 = arith.constant 0 : index
        %swap3A_778 = tpu.vector_load %arg10[%swap3A_776, %swap3A_777] {strides = array<i32>} : memref<200x64xf32, #tpu.memory_space<vmem>>, vector<16xf32>,
        tpu.vector_store %arg10[%swap3A_776, %swap3A_777], %get3A_775 {add = true, strides = array<i32>} : memref<200x64xf32, #tpu.memory_space<vmem>>, vector<16xf32>,
        %add3A_779 = arith.constant 1 : i32
        %add3A_780 = arith.addi %add3A_770, %add3A_779 : i32
        %get3A_781 = arith.index_cast %add3A_780 : i32 to index
        %get3A_782 = arith.constant 16 : index
        %get3A_783 = tpu.vector_load %arg7[%get3A_781, %get3A_782] {strides = array<i32>} : memref<201x64xf32, #tpu.memory_space<vmem>>, vector<16xf32>,
        %swap3A_784 = arith.index_cast %add3A_770 : i32 to index
        %swap3A_785 = arith.constant 16 : index
        %swap3A_786 = tpu.vector_load %arg10[%swap3A_784, %swap3A_785] {strides = array<i32>} : memref<200x64xf32, #tpu.memory_space<vmem>>, vector<16xf32>,
        tpu.vector_store %arg10[%swap3A_784, %swap3A_785], %get3A_783 {add = true, strides = array<i32>} : memref<200x64xf32, #tpu.memory_space<vmem>>, vector<16xf32>,
        %add3A_787 = arith.constant 1 : i32
        %add3A_788 = arith.addi %add3A_770, %add3A_787 : i32
        %get3A_789 = arith.index_cast %add3A_788 : i32 to index
        %get3A_790 = arith.constant 32 : index
        %get3A_791 = tpu.vector_load %arg7[%get3A_789, %get3A_790] {strides = array<i32>} : memref<201x64xf32, #tpu.memory_space<vmem>>, vector<16xf32>,
        %swap3A_792 = arith.index_cast %add3A_770 : i32 to index
        %swap3A_793 = arith.constant 32 : index
        %swap3A_794 = tpu.vector_load %arg10[%swap3A_792, %swap3A_793] {strides = array<i32>} : memref<200x64xf32, #tpu.memory_space<vmem>>, vector<16xf32>,
        tpu.vector_store %arg10[%swap3A_792, %swap3A_793], %get3A_791 {add = true, strides = array<i32>} : memref<200x64xf32, #tpu.memory_space<vmem>>, vector<16xf32>,
        %add3A_795 = arith.constant 1 : i32
        %add3A_796 = arith.addi %add3A_770, %add3A_795 : i32
        %get3A_797 = arith.index_cast %add3A_796 : i32 to index
        %get3A_798 = arith.constant 48 : index
        %get3A_799 = tpu.vector_load %arg7[%get3A_797, %get3A_798] {strides = array<i32>} : memref<201x64xf32, #tpu.memory_space<vmem>>, vector<16xf32>,
        %swap3A_800 = arith.index_cast %add3A_770 : i32 to index
        %swap3A_801 = arith.constant 48 : index
        %swap3A_802 = tpu.vector_load %arg10[%swap3A_800, %swap3A_801] {strides = array<i32>} : memref<200x64xf32, #tpu.memory_space<vmem>>, vector<16xf32>,
        tpu.vector_store %arg10[%swap3A_800, %swap3A_801], %get3A_799 {add = true, strides = array<i32>} : memref<200x64xf32, #tpu.memory_space<vmem>>, vector<16xf32>,
        %scan3A_803 = arith.constant 7 : i32
        %scan3A_804 = arith.addi %scan3A_539, %scan3A_803 : i32
        %mul3A_805 = arith.constant 1 : i32
        %mul3A_806 = arith.muli %scan3A_804, %mul3A_805 : i32
        %add3A_807 = arith.constant 0 : i32
        %add3A_808 = arith.addi %add3A_807, %mul3A_806 : i32
        %add3A_809 = arith.constant 1 : i32
        %add3A_810 = arith.addi %add3A_808, %add3A_809 : i32
        %get3A_811 = arith.index_cast %add3A_810 : i32 to index
        %get3A_812 = arith.constant 0 : index
        %get3A_813 = tpu.vector_load %arg7[%get3A_811, %get3A_812] {strides = array<i32>} : memref<201x64xf32, #tpu.memory_space<vmem>>, vector<16xf32>,
        %swap3A_814 = arith.index_cast %add3A_808 : i32 to index
        %swap3A_815 = arith.constant 0 : index
        %swap3A_816 = tpu.vector_load %arg10[%swap3A_814, %swap3A_815] {strides = array<i32>} : memref<200x64xf32, #tpu.memory_space<vmem>>, vector<16xf32>,
        tpu.vector_store %arg10[%swap3A_814, %swap3A_815], %get3A_813 {add = true, strides = array<i32>} : memref<200x64xf32, #tpu.memory_space<vmem>>, vector<16xf32>,
        %add3A_817 = arith.constant 1 : i32
        %add3A_818 = arith.addi %add3A_808, %add3A_817 : i32
        %get3A_819 = arith.index_cast %add3A_818 : i32 to index
        %get3A_820 = arith.constant 16 : index
        %get3A_821 = tpu.vector_load %arg7[%get3A_819, %get3A_820] {strides = array<i32>} : memref<201x64xf32, #tpu.memory_space<vmem>>, vector<16xf32>,
        %swap3A_822 = arith.index_cast %add3A_808 : i32 to index
        %swap3A_823 = arith.constant 16 : index
        %swap3A_824 = tpu.vector_load %arg10[%swap3A_822, %swap3A_823] {strides = array<i32>} : memref<200x64xf32, #tpu.memory_space<vmem>>, vector<16xf32>,
        tpu.vector_store %arg10[%swap3A_822, %swap3A_823], %get3A_821 {add = true, strides = array<i32>} : memref<200x64xf32, #tpu.memory_space<vmem>>, vector<16xf32>,
        %add3A_825 = arith.constant 1 : i32
        %add3A_826 = arith.addi %add3A_808, %add3A_825 : i32
        %get3A_827 = arith.index_cast %add3A_826 : i32 to index
        %get3A_828 = arith.constant 32 : index
        %get3A_829 = tpu.vector_load %arg7[%get3A_827, %get3A_828] {strides = array<i32>} : memref<201x64xf32, #tpu.memory_space<vmem>>, vector<16xf32>,
        %swap3A_830 = arith.index_cast %add3A_808 : i32 to index
        %swap3A_831 = arith.constant 32 : index
        %swap3A_832 = tpu.vector_load %arg10[%swap3A_830, %swap3A_831] {strides = array<i32>} : memref<200x64xf32, #tpu.memory_space<vmem>>, vector<16xf32>,
        tpu.vector_store %arg10[%swap3A_830, %swap3A_831], %get3A_829 {add = true, strides = array<i32>} : memref<200x64xf32, #tpu.memory_space<vmem>>, vector<16xf32>,
        %add3A_833 = arith.constant 1 : i32
        %add3A_834 = arith.addi %add3A_808, %add3A_833 : i32
        %get3A_835 = arith.index_cast %add3A_834 : i32 to index
        %get3A_836 = arith.constant 48 : index
        %get3A_837 = tpu.vector_load %arg7[%get3A_835, %get3A_836] {strides = array<i32>} : memref<201x64xf32, #tpu.memory_space<vmem>>, vector<16xf32>,
        %swap3A_838 = arith.index_cast %add3A_808 : i32 to index
        %swap3A_839 = arith.constant 48 : index
        %swap3A_840 = tpu.vector_load %arg10[%swap3A_838, %swap3A_839] {strides = array<i32>} : memref<200x64xf32, #tpu.memory_space<vmem>>, vector<16xf32>,
        tpu.vector_store %arg10[%swap3A_838, %swap3A_839], %get3A_837 {add = true, strides = array<i32>} : memref<200x64xf32, #tpu.memory_space<vmem>>, vector<16xf32>,
      }
      %scan3A_410 = arith.constant 200 : i32
      %convert_element_type3A_411 = arith.extui %eq3A_381 : i1 to i32
      %cond3A_412 = arith.constant 0 : i32
      %cond3A_413 = arith.cmpi ne, %convert_element_type3A_411, %cond3A_412 : i32
      scf.if %cond3A_413 {
        %scan3A_539 = arith.constant 0 : i32
        %scan3A_540 = arith.constant 200 : i32
        %scan3A_541 = arith.addi %scan3A_539, %scan3A_540 : i32
        %scan3A_542 = arith.constant 1 : i32
        scf.for %scan3A_544 = %scan3A_539 to %scan3A_541 step %scan3A_542  : i32 {
          %mul3A_545 = arith.constant 1 : i32
          %mul3A_546 = arith.muli %scan3A_544, %mul3A_545 : i32
          %add3A_547 = arith.constant 0 : i32
          %add3A_548 = arith.addi %add3A_547, %mul3A_546 : i32
          %add3A_549 = arith.addi %mul3A_309, %add3A_548 : i32
          %broadcast_in_dim3A = vector.broadcast %add3A_549 : i32 to vector<16xi32>
          %gather3A = tpu.vector_load_idx %arg6[%broadcast_in_dim3A] : memref<25600xi32, #tpu.memory_space<vmem>>[vector<16xi32>], vector<16xi32>,
          %eq3A_550 = arith.constant 0 : i32
          %eq3A_551 = vector.broadcast %eq3A_550 : i32 to vector<16xi32>
          %eq3A_552 = arith.cmpi eq, %gather3A, %eq3A_551 : vector<16xi32>
          %jit3A = arith.constant 1.000000e+00 : f32
          %jit3A_553 = arith.constant 0.000000e+00 : f32
          %broadcast_in_dim3A_554 = vector.broadcast %jit3A : f32 to vector<16xf32>
          %broadcast_in_dim3A_555 = vector.broadcast %jit3A_553 : f32 to vector<16xf32>
          %select_n3A = arith.select %eq3A_552, %broadcast_in_dim3A_554, %broadcast_in_dim3A_555 : vector<16xi1>, vector<16xf32>
          %get3A_556 = arith.constant 0 : i32
          %get3A_557 = arith.index_cast %get3A_556 : i32 to index
          %get3A_558 = arith.constant 0 : index
          %get3A_559 = tpu.vector_load %arg7[%get3A_557, %get3A_558] {strides = array<i32>} : memref<201x64xf32, #tpu.memory_space<vmem>>, vector<16xf32>,
          %add3A_560 = arith.constant 1 : i32
          %add3A_561 = arith.addi %add3A_548, %add3A_560 : i32
          %get3A_562 = arith.index_cast %add3A_561 : i32 to index
          %get3A_563 = arith.constant 0 : index
          %get3A_564 = tpu.vector_load %arg7[%get3A_562, %get3A_563] {strides = array<i32>} : memref<201x64xf32, #tpu.memory_space<vmem>>, vector<16xf32>,
          %sub3A = arith.subf %get3A_559, %get3A_564 : vector<16xf32>
          %mul3A_565 = arith.mulf %select_n3A, %sub3A : vector<16xf32>
          %swap3A = arith.index_cast %add3A_548 : i32 to index
          %swap3A_566 = arith.constant 0 : index
          %swap3A_567 = tpu.vector_load %arg10[%swap3A, %swap3A_566] {strides = array<i32>} : memref<200x64xf32, #tpu.memory_space<vmem>>, vector<16xf32>,
          tpu.vector_store %arg10[%swap3A, %swap3A_566], %mul3A_565 {add = true, strides = array<i32>} : memref<200x64xf32, #tpu.memory_space<vmem>>, vector<16xf32>,
          %get3A_568 = arith.constant 0 : i32
          %get3A_569 = arith.index_cast %get3A_568 : i32 to index
          %get3A_570 = arith.constant 16 : index
          %get3A_571 = tpu.vector_load %arg7[%get3A_569, %get3A_570] {strides = array<i32>} : memref<201x64xf32, #tpu.memory_space<vmem>>, vector<16xf32>,
          %add3A_572 = arith.constant 1 : i32
          %add3A_573 = arith.addi %add3A_548, %add3A_572 : i32
          %get3A_574 = arith.index_cast %add3A_573 : i32 to index
          %get3A_575 = arith.constant 16 : index
          %get3A_576 = tpu.vector_load %arg7[%get3A_574, %get3A_575] {strides = array<i32>} : memref<201x64xf32, #tpu.memory_space<vmem>>, vector<16xf32>,
          %sub3A_577 = arith.subf %get3A_571, %get3A_576 : vector<16xf32>
          %mul3A_578 = arith.mulf %select_n3A, %sub3A_577 : vector<16xf32>
          %swap3A_579 = arith.index_cast %add3A_548 : i32 to index
          %swap3A_580 = arith.constant 16 : index
          %swap3A_581 = tpu.vector_load %arg10[%swap3A_579, %swap3A_580] {strides = array<i32>} : memref<200x64xf32, #tpu.memory_space<vmem>>, vector<16xf32>,
          tpu.vector_store %arg10[%swap3A_579, %swap3A_580], %mul3A_578 {add = true, strides = array<i32>} : memref<200x64xf32, #tpu.memory_space<vmem>>, vector<16xf32>,
          %get3A_582 = arith.constant 0 : i32
          %get3A_583 = arith.index_cast %get3A_582 : i32 to index
          %get3A_584 = arith.constant 32 : index
          %get3A_585 = tpu.vector_load %arg7[%get3A_583, %get3A_584] {strides = array<i32>} : memref<201x64xf32, #tpu.memory_space<vmem>>, vector<16xf32>,
          %add3A_586 = arith.constant 1 : i32
          %add3A_587 = arith.addi %add3A_548, %add3A_586 : i32
          %get3A_588 = arith.index_cast %add3A_587 : i32 to index
          %get3A_589 = arith.constant 32 : index
          %get3A_590 = tpu.vector_load %arg7[%get3A_588, %get3A_589] {strides = array<i32>} : memref<201x64xf32, #tpu.memory_space<vmem>>, vector<16xf32>,
          %sub3A_591 = arith.subf %get3A_585, %get3A_590 : vector<16xf32>
          %mul3A_592 = arith.mulf %select_n3A, %sub3A_591 : vector<16xf32>
          %swap3A_593 = arith.index_cast %add3A_548 : i32 to index
          %swap3A_594 = arith.constant 32 : index
          %swap3A_595 = tpu.vector_load %arg10[%swap3A_593, %swap3A_594] {strides = array<i32>} : memref<200x64xf32, #tpu.memory_space<vmem>>, vector<16xf32>,
          tpu.vector_store %arg10[%swap3A_593, %swap3A_594], %mul3A_592 {add = true, strides = array<i32>} : memref<200x64xf32, #tpu.memory_space<vmem>>, vector<16xf32>,
          %get3A_596 = arith.constant 0 : i32
          %get3A_597 = arith.index_cast %get3A_596 : i32 to index
          %get3A_598 = arith.constant 48 : index
          %get3A_599 = tpu.vector_load %arg7[%get3A_597, %get3A_598] {strides = array<i32>} : memref<201x64xf32, #tpu.memory_space<vmem>>, vector<16xf32>,
          %add3A_600 = arith.constant 1 : i32
          %add3A_601 = arith.addi %add3A_548, %add3A_600 : i32
          %get3A_602 = arith.index_cast %add3A_601 : i32 to index
          %get3A_603 = arith.constant 48 : index
          %get3A_604 = tpu.vector_load %arg7[%get3A_602, %get3A_603] {strides = array<i32>} : memref<201x64xf32, #tpu.memory_space<vmem>>, vector<16xf32>,
          %sub3A_605 = arith.subf %get3A_599, %get3A_604 : vector<16xf32>
          %mul3A_606 = arith.mulf %select_n3A, %sub3A_605 : vector<16xf32>
          %swap3A_607 = arith.index_cast %add3A_548 : i32 to index
          %swap3A_608 = arith.constant 48 : index
          %swap3A_609 = tpu.vector_load %arg10[%swap3A_607, %swap3A_608] {strides = array<i32>} : memref<200x64xf32, #tpu.memory_space<vmem>>, vector<16xf32>,
          tpu.vector_store %arg10[%swap3A_607, %swap3A_608], %mul3A_606 {add = true, strides = array<i32>} : memref<200x64xf32, #tpu.memory_space<vmem>>, vector<16xf32>,
        }
        %scan3A_543 = arith.constant 200 : i32
      } else {
      }
      %add3A_414 = arith.addi %mul3A_2, %mul3A_309 : i32
      %dma_start3A_415 = arith.constant 0 : i32
      %dma_start3A_416 = tpu.memref_slice %arg5[%add3A_414, %dma_start3A_415] : memref<819200x64xf32, #tpu.memory_space<hbm>> -> memref<200x64xf32, #tpu.memory_space<hbm>>
      %dma_start3A_417 = arith.constant 0 : i32
      %dma_start3A_418 = tpu.memref_slice %arg5[%add3A_414, %dma_start3A_417] : memref<819200x64xf32, #tpu.memory_space<hbm>> -> memref<200x64xf32, #tpu.memory_space<hbm>>
      tpu.enqueue_dma source(%arg10 : memref<200x64xf32, #tpu.memory_space<vmem>>) target(%dma_start3A_418 : memref<200x64xf32, #tpu.memory_space<hbm>>) target_semaphore(%arg18 : memref<!tpu.dma_semaphore, #tpu.memory_space<semaphore_mem>>)
      %add3A_419 = arith.constant 3 : i32
      %add3A_420 = arith.addi %add3A_65, %add3A_419 : i32
      %add3A_421 = arith.constant 2 : i32
      %add3A_422 = arith.addi %add3A_420, %add3A_421 : i32
      %lt3A_423 = arith.constant 128 : i32
      %lt3A_424 = arith.cmpi slt, %add3A_422, %lt3A_423 : i32
      %convert_element_type3A_425 = arith.extui %lt3A_424 : i1 to i32
      %cond3A_426 = arith.constant 0 : i32
      %cond3A_427 = arith.cmpi ne, %convert_element_type3A_425, %cond3A_426 : i32
      scf.if %cond3A_427 {
        %add3A_539 = arith.constant 2 : i32
        %add3A_540 = arith.addi %add3A_420, %add3A_539 : i32
        %mul3A_541 = arith.constant 200 : i32
        %mul3A_542 = arith.muli %add3A_540, %mul3A_541 : i32
        %ge3A = arith.constant 4 : i32
        %ge3A_543 = arith.cmpi sge, %add3A_540, %ge3A : i32
        %convert_element_type3A_544 = arith.extui %ge3A_543 : i1 to i32
        %cond3A_545 = arith.constant 0 : i32
        %cond3A_546 = arith.cmpi ne, %convert_element_type3A_544, %cond3A_545 : i32
        scf.if %cond3A_546 {
          %dma_wait3A_563 = arith.constant 0 : i32
          %dma_wait3A_564 = arith.constant 0 : i32
          %dma_wait3A_565 = tpu.memref_slice %arg5[%dma_wait3A_563, %dma_wait3A_564] : memref<819200x64xf32, #tpu.memory_space<hbm>> -> memref<200x64xf32, #tpu.memory_space<hbm>>
          %dma_wait3A_566 = arith.constant 0 : i32
          %dma_wait3A_567 = arith.constant 0 : i32
          %dma_wait3A_568 = tpu.memref_slice %arg5[%dma_wait3A_566, %dma_wait3A_567] : memref<819200x64xf32, #tpu.memory_space<hbm>> -> memref<200x64xf32, #tpu.memory_space<hbm>>
          tpu.wait_dma2 semaphore(%arg17 : memref<!tpu.dma_semaphore, #tpu.memory_space<semaphore_mem>>) src(%arg9 : memref<200x64xf32, #tpu.memory_space<vmem>>) dst(%dma_wait3A_568 : memref<200x64xf32, #tpu.memory_space<hbm>>)
        } else {
        }
        %dma_start3A_547 = arith.constant 0 : i32
        %dma_start3A_548 = arith.constant 0 : i32
        %dma_start3A_549 = tpu.memref_slice %arg9[%dma_start3A_547, %dma_start3A_548] : memref<200x64xf32, #tpu.memory_space<vmem>> -> memref<128x64xf32, #tpu.memory_space<vmem>>
        %dma_start3A_550 = tpu.memref_slice %arg6[%mul3A_542] : memref<25600xi32, #tpu.memory_space<vmem>> -> memref<128xi32, #tpu.memory_space<vmem>>
        %dma_start3A_551 = arith.constant 0 : i32
        %dma_start3A_552 = arith.constant 0 : i32
        %dma_start3A_553 = tpu.memref_slice %arg3[%dma_start3A_551, %dma_start3A_552] : memref<1000000x64xf32, #tpu.memory_space<hbm>> -> memref<1000000x64xf32, #tpu.memory_space<hbm>>
        tpu.enqueue_indirect_dma source(%dma_start3A_553 : memref<1000000x64xf32, #tpu.memory_space<hbm>>) target(%dma_start3A_549 : memref<128x64xf32, #tpu.memory_space<vmem>>) offsets(%dma_start3A_550 : memref<128xi32, #tpu.memory_space<vmem>>) semaphore(%arg13 : memref<!tpu.dma_semaphore, #tpu.memory_space<semaphore_mem>>)
        %add3A_554 = arith.constant 128 : i32
        %add3A_555 = arith.addi %mul3A_542, %add3A_554 : i32
        %dma_start3A_556 = arith.constant 128 : i32
        %dma_start3A_557 = arith.constant 0 : i32
        %dma_start3A_558 = tpu.memref_slice %arg9[%dma_start3A_556, %dma_start3A_557] : memref<200x64xf32, #tpu.memory_space<vmem>> -> memref<72x64xf32, #tpu.memory_space<vmem>>
        %dma_start3A_559 = tpu.memref_slice %arg6[%add3A_555] : memref<25600xi32, #tpu.memory_space<vmem>> -> memref<72xi32, #tpu.memory_space<vmem>>
        %dma_start3A_560 = arith.constant 0 : i32
        %dma_start3A_561 = arith.constant 0 : i32
        %dma_start3A_562 = tpu.memref_slice %arg3[%dma_start3A_560, %dma_start3A_561] : memref<1000000x64xf32, #tpu.memory_space<hbm>> -> memref<1000000x64xf32, #tpu.memory_space<hbm>>
        tpu.enqueue_indirect_dma source(%dma_start3A_562 : memref<1000000x64xf32, #tpu.memory_space<hbm>>) target(%dma_start3A_558 : memref<72x64xf32, #tpu.memory_space<vmem>>) offsets(%dma_start3A_559 : memref<72xi32, #tpu.memory_space<vmem>>) semaphore(%arg13 : memref<!tpu.dma_semaphore, #tpu.memory_space<semaphore_mem>>)
      } else {
      }
      %mul3A_428 = arith.constant 200 : i32
      %mul3A_429 = arith.muli %add3A_420, %mul3A_428 : i32
      %get3A_430 = arith.index_cast %mul3A_429 : i32 to index
      %get3A_431 = tpu.vector_load %arg6[%get3A_430] {strides = array<i32>} : memref<25600xi32, #tpu.memory_space<vmem>>, vector<16xi32>,
      %add3A_432 = arith.constant 16 : i32
      %add3A_433 = arith.addi %mul3A_429, %add3A_432 : i32
      %get3A_434 = arith.index_cast %add3A_433 : i32 to index
      %get3A_435 = tpu.vector_load %arg6[%get3A_434] {strides = array<i32>} : memref<25600xi32, #tpu.memory_space<vmem>>, vector<16xi32>,
      %min3A_436 = arith.minsi %get3A_431, %get3A_435 : vector<16xi32>
      %add3A_437 = arith.constant 32 : i32
      %add3A_438 = arith.addi %mul3A_429, %add3A_437 : i32
      %get3A_439 = arith.index_cast %add3A_438 : i32 to index
      %get3A_440 = tpu.vector_load %arg6[%get3A_439] {strides = array<i32>} : memref<25600xi32, #tpu.memory_space<vmem>>, vector<16xi32>,
      %min3A_441 = arith.minsi %min3A_436, %get3A_440 : vector<16xi32>
      %add3A_442 = arith.constant 48 : i32
      %add3A_443 = arith.addi %mul3A_429, %add3A_442 : i32
      %get3A_444 = arith.index_cast %add3A_443 : i32 to index
      %get3A_445 = tpu.vector_load %arg6[%get3A_444] {strides = array<i32>} : memref<25600xi32, #tpu.memory_space<vmem>>, vector<16xi32>,
      %min3A_446 = arith.minsi %min3A_441, %get3A_445 : vector<16xi32>
      %add3A_447 = arith.constant 64 : i32
      %add3A_448 = arith.addi %mul3A_429, %add3A_447 : i32
      %get3A_449 = arith.index_cast %add3A_448 : i32 to index
      %get3A_450 = tpu.vector_load %arg6[%get3A_449] {strides = array<i32>} : memref<25600xi32, #tpu.memory_space<vmem>>, vector<16xi32>,
      %min3A_451 = arith.minsi %min3A_446, %get3A_450 : vector<16xi32>
      %add3A_452 = arith.constant 80 : i32
      %add3A_453 = arith.addi %mul3A_429, %add3A_452 : i32
      %get3A_454 = arith.index_cast %add3A_453 : i32 to index
      %get3A_455 = tpu.vector_load %arg6[%get3A_454] {strides = array<i32>} : memref<25600xi32, #tpu.memory_space<vmem>>, vector<16xi32>,
      %min3A_456 = arith.minsi %min3A_451, %get3A_455 : vector<16xi32>
      %add3A_457 = arith.constant 96 : i32
      %add3A_458 = arith.addi %mul3A_429, %add3A_457 : i32
      %get3A_459 = arith.index_cast %add3A_458 : i32 to index
      %get3A_460 = tpu.vector_load %arg6[%get3A_459] {strides = array<i32>} : memref<25600xi32, #tpu.memory_space<vmem>>, vector<16xi32>,
      %min3A_461 = arith.minsi %min3A_456, %get3A_460 : vector<16xi32>
      %add3A_462 = arith.constant 112 : i32
      %add3A_463 = arith.addi %mul3A_429, %add3A_462 : i32
      %get3A_464 = arith.index_cast %add3A_463 : i32 to index
      %get3A_465 = tpu.vector_load %arg6[%get3A_464] {strides = array<i32>} : memref<25600xi32, #tpu.memory_space<vmem>>, vector<16xi32>,
      %min3A_466 = arith.minsi %min3A_461, %get3A_465 : vector<16xi32>
      %add3A_467 = arith.constant 128 : i32
      %add3A_468 = arith.addi %mul3A_429, %add3A_467 : i32
      %get3A_469 = arith.index_cast %add3A_468 : i32 to index
      %get3A_470 = tpu.vector_load %arg6[%get3A_469] {strides = array<i32>} : memref<25600xi32, #tpu.memory_space<vmem>>, vector<16xi32>,
      %min3A_471 = arith.minsi %min3A_466, %get3A_470 : vector<16xi32>
      %add3A_472 = arith.constant 144 : i32
      %add3A_473 = arith.addi %mul3A_429, %add3A_472 : i32
      %get3A_474 = arith.index_cast %add3A_473 : i32 to index
      %get3A_475 = tpu.vector_load %arg6[%get3A_474] {strides = array<i32>} : memref<25600xi32, #tpu.memory_space<vmem>>, vector<16xi32>,
      %min3A_476 = arith.minsi %min3A_471, %get3A_475 : vector<16xi32>
      %add3A_477 = arith.constant 160 : i32
      %add3A_478 = arith.addi %mul3A_429, %add3A_477 : i32
      %get3A_479 = arith.index_cast %add3A_478 : i32 to index
      %get3A_480 = tpu.vector_load %arg6[%get3A_479] {strides = array<i32>} : memref<25600xi32, #tpu.memory_space<vmem>>, vector<16xi32>,
      %min3A_481 = arith.minsi %min3A_476, %get3A_480 : vector<16xi32>
      %add3A_482 = arith.constant 176 : i32
      %add3A_483 = arith.addi %mul3A_429, %add3A_482 : i32
      %get3A_484 = arith.index_cast %add3A_483 : i32 to index
      %get3A_485 = tpu.vector_load %arg6[%get3A_484] {strides = array<i32>} : memref<25600xi32, #tpu.memory_space<vmem>>, vector<16xi32>,
      %min3A_486 = arith.minsi %min3A_481, %get3A_485 : vector<16xi32>
      %add3A_487 = arith.constant 184 : i32
      %add3A_488 = arith.addi %mul3A_429, %add3A_487 : i32
      %get3A_489 = arith.index_cast %add3A_488 : i32 to index
      %get3A_490 = tpu.vector_load %arg6[%get3A_489] {strides = array<i32>} : memref<25600xi32, #tpu.memory_space<vmem>>, vector<16xi32>,
      %min3A_491 = arith.minsi %min3A_486, %get3A_490 : vector<16xi32>
      %reduce_min3A_492 = arith.constant true
      %reduce_min3A_493 = vector.broadcast %reduce_min3A_492 : i1 to vector<16xi1>
      %reduce_min3A_494 = arith.constant -2147483648 : i32
      %reduce_min3A_495 = vector.broadcast %reduce_min3A_494 : i32 to vector<16xi32>
      %reduce_min3A_496 = arith.xori %min3A_491, %reduce_min3A_495 : vector<16xi32>
      %reduce_min3A_497 = tpu.scan <min>, %reduce_min3A_496 masked %reduce_min3A_493 : vector<16xi32>, vector<16xi1> -> vector<16xi32>
      %reduce_min3A_498 = arith.xori %reduce_min3A_497, %reduce_min3A_495 : vector<16xi32>
      %reduce_min3A_499 = vector.extract %reduce_min3A_498[15] : i32 from vector<16xi32>
      %eq3A_500 = arith.constant 0 : i32
      %eq3A_501 = arith.cmpi eq, %reduce_min3A_499, %eq3A_500 : i32
      %dma_wait3A_502 = arith.constant 0 : i32
      %dma_wait3A_503 = arith.constant 0 : i32
      %dma_wait3A_504 = tpu.memref_slice %arg11[%dma_wait3A_502, %dma_wait3A_503] : memref<200x64xf32, #tpu.memory_space<vmem>> -> memref<128x64xf32, #tpu.memory_space<vmem>>
      %dma_wait3A_505 = arith.constant 0 : i32
      %dma_wait3A_506 = arith.constant 0 : i32
      %dma_wait3A_507 = tpu.memref_slice %arg3[%dma_wait3A_505, %dma_wait3A_506] : memref<1000000x64xf32, #tpu.memory_space<hbm>> -> memref<128x64xf32, #tpu.memory_space<hbm>>
      %dma_wait3A_508 = arith.constant 0 : i32
      %dma_wait3A_509 = arith.constant 0 : i32
      %dma_wait3A_510 = tpu.memref_slice %arg11[%dma_wait3A_508, %dma_wait3A_509] : memref<200x64xf32, #tpu.memory_space<vmem>> -> memref<128x64xf32, #tpu.memory_space<vmem>>
      %dma_wait3A_511 = arith.constant 0 : i32
      %dma_wait3A_512 = arith.constant 0 : i32
      %dma_wait3A_513 = tpu.memref_slice %arg3[%dma_wait3A_511, %dma_wait3A_512] : memref<1000000x64xf32, #tpu.memory_space<hbm>> -> memref<128x64xf32, #tpu.memory_space<hbm>>
      tpu.wait_dma2 semaphore(%arg15 : memref<!tpu.dma_semaphore, #tpu.memory_space<semaphore_mem>>) src(%dma_wait3A_513 : memref<128x64xf32, #tpu.memory_space<hbm>>) dst(%dma_wait3A_510 : memref<128x64xf32, #tpu.memory_space<vmem>>)
      %dma_wait3A_514 = arith.constant 128 : i32
      %dma_wait3A_515 = arith.constant 0 : i32
      %dma_wait3A_516 = tpu.memref_slice %arg11[%dma_wait3A_514, %dma_wait3A_515] : memref<200x64xf32, #tpu.memory_space<vmem>> -> memref<72x64xf32, #tpu.memory_space<vmem>>
      %dma_wait3A_517 = arith.constant 0 : i32
      %dma_wait3A_518 = arith.constant 0 : i32
      %dma_wait3A_519 = tpu.memref_slice %arg3[%dma_wait3A_517, %dma_wait3A_518] : memref<1000000x64xf32, #tpu.memory_space<hbm>> -> memref<72x64xf32, #tpu.memory_space<hbm>>
      %dma_wait3A_520 = arith.constant 128 : i32
      %dma_wait3A_521 = arith.constant 0 : i32
      %dma_wait3A_522 = tpu.memref_slice %arg11[%dma_wait3A_520, %dma_wait3A_521] : memref<200x64xf32, #tpu.memory_space<vmem>> -> memref<72x64xf32, #tpu.memory_space<vmem>>
      %dma_wait3A_523 = arith.constant 0 : i32
      %dma_wait3A_524 = arith.constant 0 : i32
      %dma_wait3A_525 = tpu.memref_slice %arg3[%dma_wait3A_523, %dma_wait3A_524] : memref<1000000x64xf32, #tpu.memory_space<hbm>> -> memref<72x64xf32, #tpu.memory_space<hbm>>
      tpu.wait_dma2 semaphore(%arg15 : memref<!tpu.dma_semaphore, #tpu.memory_space<semaphore_mem>>) src(%dma_wait3A_525 : memref<72x64xf32, #tpu.memory_space<hbm>>) dst(%dma_wait3A_522 : memref<72x64xf32, #tpu.memory_space<vmem>>)
      %scan3A_526 = arith.constant 0 : i32
      %scan3A_527 = arith.constant 200 : i32
      %scan3A_528 = arith.addi %scan3A_526, %scan3A_527 : i32
      %scan3A_529 = arith.constant 8 : i32
      scf.for %scan3A_539 = %scan3A_526 to %scan3A_528 step %scan3A_529  : i32 {
        %mul3A_540 = arith.constant 1 : i32
        %mul3A_541 = arith.muli %scan3A_539, %mul3A_540 : i32
        %add3A_542 = arith.constant 0 : i32
        %add3A_543 = arith.addi %add3A_542, %mul3A_541 : i32
        %add3A_544 = arith.constant 1 : i32
        %add3A_545 = arith.addi %add3A_543, %add3A_544 : i32
        %get3A_546 = arith.index_cast %add3A_545 : i32 to index
        %get3A_547 = arith.constant 0 : index
        %get3A_548 = tpu.vector_load %arg7[%get3A_546, %get3A_547] {strides = array<i32>} : memref<201x64xf32, #tpu.memory_space<vmem>>, vector<16xf32>,
        %swap3A = arith.index_cast %add3A_543 : i32 to index
        %swap3A_549 = arith.constant 0 : index
        %swap3A_550 = tpu.vector_load %arg11[%swap3A, %swap3A_549] {strides = array<i32>} : memref<200x64xf32, #tpu.memory_space<vmem>>, vector<16xf32>,
        tpu.vector_store %arg11[%swap3A, %swap3A_549], %get3A_548 {add = true, strides = array<i32>} : memref<200x64xf32, #tpu.memory_space<vmem>>, vector<16xf32>,
        %add3A_551 = arith.constant 1 : i32
        %add3A_552 = arith.addi %add3A_543, %add3A_551 : i32
        %get3A_553 = arith.index_cast %add3A_552 : i32 to index
        %get3A_554 = arith.constant 16 : index
        %get3A_555 = tpu.vector_load %arg7[%get3A_553, %get3A_554] {strides = array<i32>} : memref<201x64xf32, #tpu.memory_space<vmem>>, vector<16xf32>,
        %swap3A_556 = arith.index_cast %add3A_543 : i32 to index
        %swap3A_557 = arith.constant 16 : index
        %swap3A_558 = tpu.vector_load %arg11[%swap3A_556, %swap3A_557] {strides = array<i32>} : memref<200x64xf32, #tpu.memory_space<vmem>>, vector<16xf32>,
        tpu.vector_store %arg11[%swap3A_556, %swap3A_557], %get3A_555 {add = true, strides = array<i32>} : memref<200x64xf32, #tpu.memory_space<vmem>>, vector<16xf32>,
        %add3A_559 = arith.constant 1 : i32
        %add3A_560 = arith.addi %add3A_543, %add3A_559 : i32
        %get3A_561 = arith.index_cast %add3A_560 : i32 to index
        %get3A_562 = arith.constant 32 : index
        %get3A_563 = tpu.vector_load %arg7[%get3A_561, %get3A_562] {strides = array<i32>} : memref<201x64xf32, #tpu.memory_space<vmem>>, vector<16xf32>,
        %swap3A_564 = arith.index_cast %add3A_543 : i32 to index
        %swap3A_565 = arith.constant 32 : index
        %swap3A_566 = tpu.vector_load %arg11[%swap3A_564, %swap3A_565] {strides = array<i32>} : memref<200x64xf32, #tpu.memory_space<vmem>>, vector<16xf32>,
        tpu.vector_store %arg11[%swap3A_564, %swap3A_565], %get3A_563 {add = true, strides = array<i32>} : memref<200x64xf32, #tpu.memory_space<vmem>>, vector<16xf32>,
        %add3A_567 = arith.constant 1 : i32
        %add3A_568 = arith.addi %add3A_543, %add3A_567 : i32
        %get3A_569 = arith.index_cast %add3A_568 : i32 to index
        %get3A_570 = arith.constant 48 : index
        %get3A_571 = tpu.vector_load %arg7[%get3A_569, %get3A_570] {strides = array<i32>} : memref<201x64xf32, #tpu.memory_space<vmem>>, vector<16xf32>,
        %swap3A_572 = arith.index_cast %add3A_543 : i32 to index
        %swap3A_573 = arith.constant 48 : index
        %swap3A_574 = tpu.vector_load %arg11[%swap3A_572, %swap3A_573] {strides = array<i32>} : memref<200x64xf32, #tpu.memory_space<vmem>>, vector<16xf32>,
        tpu.vector_store %arg11[%swap3A_572, %swap3A_573], %get3A_571 {add = true, strides = array<i32>} : memref<200x64xf32, #tpu.memory_space<vmem>>, vector<16xf32>,
        %scan3A_575 = arith.constant 1 : i32
        %scan3A_576 = arith.addi %scan3A_539, %scan3A_575 : i32
        %mul3A_577 = arith.constant 1 : i32
        %mul3A_578 = arith.muli %scan3A_576, %mul3A_577 : i32
        %add3A_579 = arith.constant 0 : i32
        %add3A_580 = arith.addi %add3A_579, %mul3A_578 : i32
        %add3A_581 = arith.constant 1 : i32
        %add3A_582 = arith.addi %add3A_580, %add3A_581 : i32
        %get3A_583 = arith.index_cast %add3A_582 : i32 to index
        %get3A_584 = arith.constant 0 : index
        %get3A_585 = tpu.vector_load %arg7[%get3A_583, %get3A_584] {strides = array<i32>} : memref<201x64xf32, #tpu.memory_space<vmem>>, vector<16xf32>,
        %swap3A_586 = arith.index_cast %add3A_580 : i32 to index
        %swap3A_587 = arith.constant 0 : index
        %swap3A_588 = tpu.vector_load %arg11[%swap3A_586, %swap3A_587] {strides = array<i32>} : memref<200x64xf32, #tpu.memory_space<vmem>>, vector<16xf32>,
        tpu.vector_store %arg11[%swap3A_586, %swap3A_587], %get3A_585 {add = true, strides = array<i32>} : memref<200x64xf32, #tpu.memory_space<vmem>>, vector<16xf32>,
        %add3A_589 = arith.constant 1 : i32
        %add3A_590 = arith.addi %add3A_580, %add3A_589 : i32
        %get3A_591 = arith.index_cast %add3A_590 : i32 to index
        %get3A_592 = arith.constant 16 : index
        %get3A_593 = tpu.vector_load %arg7[%get3A_591, %get3A_592] {strides = array<i32>} : memref<201x64xf32, #tpu.memory_space<vmem>>, vector<16xf32>,
        %swap3A_594 = arith.index_cast %add3A_580 : i32 to index
        %swap3A_595 = arith.constant 16 : index
        %swap3A_596 = tpu.vector_load %arg11[%swap3A_594, %swap3A_595] {strides = array<i32>} : memref<200x64xf32, #tpu.memory_space<vmem>>, vector<16xf32>,
        tpu.vector_store %arg11[%swap3A_594, %swap3A_595], %get3A_593 {add = true, strides = array<i32>} : memref<200x64xf32, #tpu.memory_space<vmem>>, vector<16xf32>,
        %add3A_597 = arith.constant 1 : i32
        %add3A_598 = arith.addi %add3A_580, %add3A_597 : i32
        %get3A_599 = arith.index_cast %add3A_598 : i32 to index
        %get3A_600 = arith.constant 32 : index
        %get3A_601 = tpu.vector_load %arg7[%get3A_599, %get3A_600] {strides = array<i32>} : memref<201x64xf32, #tpu.memory_space<vmem>>, vector<16xf32>,
        %swap3A_602 = arith.index_cast %add3A_580 : i32 to index
        %swap3A_603 = arith.constant 32 : index
        %swap3A_604 = tpu.vector_load %arg11[%swap3A_602, %swap3A_603] {strides = array<i32>} : memref<200x64xf32, #tpu.memory_space<vmem>>, vector<16xf32>,
        tpu.vector_store %arg11[%swap3A_602, %swap3A_603], %get3A_601 {add = true, strides = array<i32>} : memref<200x64xf32, #tpu.memory_space<vmem>>, vector<16xf32>,
        %add3A_605 = arith.constant 1 : i32
        %add3A_606 = arith.addi %add3A_580, %add3A_605 : i32
        %get3A_607 = arith.index_cast %add3A_606 : i32 to index
        %get3A_608 = arith.constant 48 : index
        %get3A_609 = tpu.vector_load %arg7[%get3A_607, %get3A_608] {strides = array<i32>} : memref<201x64xf32, #tpu.memory_space<vmem>>, vector<16xf32>,
        %swap3A_610 = arith.index_cast %add3A_580 : i32 to index
        %swap3A_611 = arith.constant 48 : index
        %swap3A_612 = tpu.vector_load %arg11[%swap3A_610, %swap3A_611] {strides = array<i32>} : memref<200x64xf32, #tpu.memory_space<vmem>>, vector<16xf32>,
        tpu.vector_store %arg11[%swap3A_610, %swap3A_611], %get3A_609 {add = true, strides = array<i32>} : memref<200x64xf32, #tpu.memory_space<vmem>>, vector<16xf32>,
        %scan3A_613 = arith.constant 2 : i32
        %scan3A_614 = arith.addi %scan3A_539, %scan3A_613 : i32
        %mul3A_615 = arith.constant 1 : i32
        %mul3A_616 = arith.muli %scan3A_614, %mul3A_615 : i32
        %add3A_617 = arith.constant 0 : i32
        %add3A_618 = arith.addi %add3A_617, %mul3A_616 : i32
        %add3A_619 = arith.constant 1 : i32
        %add3A_620 = arith.addi %add3A_618, %add3A_619 : i32
        %get3A_621 = arith.index_cast %add3A_620 : i32 to index
        %get3A_622 = arith.constant 0 : index
        %get3A_623 = tpu.vector_load %arg7[%get3A_621, %get3A_622] {strides = array<i32>} : memref<201x64xf32, #tpu.memory_space<vmem>>, vector<16xf32>,
        %swap3A_624 = arith.index_cast %add3A_618 : i32 to index
        %swap3A_625 = arith.constant 0 : index
        %swap3A_626 = tpu.vector_load %arg11[%swap3A_624, %swap3A_625] {strides = array<i32>} : memref<200x64xf32, #tpu.memory_space<vmem>>, vector<16xf32>,
        tpu.vector_store %arg11[%swap3A_624, %swap3A_625], %get3A_623 {add = true, strides = array<i32>} : memref<200x64xf32, #tpu.memory_space<vmem>>, vector<16xf32>,
        %add3A_627 = arith.constant 1 : i32
        %add3A_628 = arith.addi %add3A_618, %add3A_627 : i32
        %get3A_629 = arith.index_cast %add3A_628 : i32 to index
        %get3A_630 = arith.constant 16 : index
        %get3A_631 = tpu.vector_load %arg7[%get3A_629, %get3A_630] {strides = array<i32>} : memref<201x64xf32, #tpu.memory_space<vmem>>, vector<16xf32>,
        %swap3A_632 = arith.index_cast %add3A_618 : i32 to index
        %swap3A_633 = arith.constant 16 : index
        %swap3A_634 = tpu.vector_load %arg11[%swap3A_632, %swap3A_633] {strides = array<i32>} : memref<200x64xf32, #tpu.memory_space<vmem>>, vector<16xf32>,
        tpu.vector_store %arg11[%swap3A_632, %swap3A_633], %get3A_631 {add = true, strides = array<i32>} : memref<200x64xf32, #tpu.memory_space<vmem>>, vector<16xf32>,
        %add3A_635 = arith.constant 1 : i32
        %add3A_636 = arith.addi %add3A_618, %add3A_635 : i32
        %get3A_637 = arith.index_cast %add3A_636 : i32 to index
        %get3A_638 = arith.constant 32 : index
        %get3A_639 = tpu.vector_load %arg7[%get3A_637, %get3A_638] {strides = array<i32>} : memref<201x64xf32, #tpu.memory_space<vmem>>, vector<16xf32>,
        %swap3A_640 = arith.index_cast %add3A_618 : i32 to index
        %swap3A_641 = arith.constant 32 : index
        %swap3A_642 = tpu.vector_load %arg11[%swap3A_640, %swap3A_641] {strides = array<i32>} : memref<200x64xf32, #tpu.memory_space<vmem>>, vector<16xf32>,
        tpu.vector_store %arg11[%swap3A_640, %swap3A_641], %get3A_639 {add = true, strides = array<i32>} : memref<200x64xf32, #tpu.memory_space<vmem>>, vector<16xf32>,
        %add3A_643 = arith.constant 1 : i32
        %add3A_644 = arith.addi %add3A_618, %add3A_643 : i32
        %get3A_645 = arith.index_cast %add3A_644 : i32 to index
        %get3A_646 = arith.constant 48 : index
        %get3A_647 = tpu.vector_load %arg7[%get3A_645, %get3A_646] {strides = array<i32>} : memref<201x64xf32, #tpu.memory_space<vmem>>, vector<16xf32>,
        %swap3A_648 = arith.index_cast %add3A_618 : i32 to index
        %swap3A_649 = arith.constant 48 : index
        %swap3A_650 = tpu.vector_load %arg11[%swap3A_648, %swap3A_649] {strides = array<i32>} : memref<200x64xf32, #tpu.memory_space<vmem>>, vector<16xf32>,
        tpu.vector_store %arg11[%swap3A_648, %swap3A_649], %get3A_647 {add = true, strides = array<i32>} : memref<200x64xf32, #tpu.memory_space<vmem>>, vector<16xf32>,
        %scan3A_651 = arith.constant 3 : i32
        %scan3A_652 = arith.addi %scan3A_539, %scan3A_651 : i32
        %mul3A_653 = arith.constant 1 : i32
        %mul3A_654 = arith.muli %scan3A_652, %mul3A_653 : i32
        %add3A_655 = arith.constant 0 : i32
        %add3A_656 = arith.addi %add3A_655, %mul3A_654 : i32
        %add3A_657 = arith.constant 1 : i32
        %add3A_658 = arith.addi %add3A_656, %add3A_657 : i32
        %get3A_659 = arith.index_cast %add3A_658 : i32 to index
        %get3A_660 = arith.constant 0 : index
        %get3A_661 = tpu.vector_load %arg7[%get3A_659, %get3A_660] {strides = array<i32>} : memref<201x64xf32, #tpu.memory_space<vmem>>, vector<16xf32>,
        %swap3A_662 = arith.index_cast %add3A_656 : i32 to index
        %swap3A_663 = arith.constant 0 : index
        %swap3A_664 = tpu.vector_load %arg11[%swap3A_662, %swap3A_663] {strides = array<i32>} : memref<200x64xf32, #tpu.memory_space<vmem>>, vector<16xf32>,
        tpu.vector_store %arg11[%swap3A_662, %swap3A_663], %get3A_661 {add = true, strides = array<i32>} : memref<200x64xf32, #tpu.memory_space<vmem>>, vector<16xf32>,
        %add3A_665 = arith.constant 1 : i32
        %add3A_666 = arith.addi %add3A_656, %add3A_665 : i32
        %get3A_667 = arith.index_cast %add3A_666 : i32 to index
        %get3A_668 = arith.constant 16 : index
        %get3A_669 = tpu.vector_load %arg7[%get3A_667, %get3A_668] {strides = array<i32>} : memref<201x64xf32, #tpu.memory_space<vmem>>, vector<16xf32>,
        %swap3A_670 = arith.index_cast %add3A_656 : i32 to index
        %swap3A_671 = arith.constant 16 : index
        %swap3A_672 = tpu.vector_load %arg11[%swap3A_670, %swap3A_671] {strides = array<i32>} : memref<200x64xf32, #tpu.memory_space<vmem>>, vector<16xf32>,
        tpu.vector_store %arg11[%swap3A_670, %swap3A_671], %get3A_669 {add = true, strides = array<i32>} : memref<200x64xf32, #tpu.memory_space<vmem>>, vector<16xf32>,
        %add3A_673 = arith.constant 1 : i32
        %add3A_674 = arith.addi %add3A_656, %add3A_673 : i32
        %get3A_675 = arith.index_cast %add3A_674 : i32 to index
        %get3A_676 = arith.constant 32 : index
        %get3A_677 = tpu.vector_load %arg7[%get3A_675, %get3A_676] {strides = array<i32>} : memref<201x64xf32, #tpu.memory_space<vmem>>, vector<16xf32>,
        %swap3A_678 = arith.index_cast %add3A_656 : i32 to index
        %swap3A_679 = arith.constant 32 : index
        %swap3A_680 = tpu.vector_load %arg11[%swap3A_678, %swap3A_679] {strides = array<i32>} : memref<200x64xf32, #tpu.memory_space<vmem>>, vector<16xf32>,
        tpu.vector_store %arg11[%swap3A_678, %swap3A_679], %get3A_677 {add = true, strides = array<i32>} : memref<200x64xf32, #tpu.memory_space<vmem>>, vector<16xf32>,
        %add3A_681 = arith.constant 1 : i32
        %add3A_682 = arith.addi %add3A_656, %add3A_681 : i32
        %get3A_683 = arith.index_cast %add3A_682 : i32 to index
        %get3A_684 = arith.constant 48 : index
        %get3A_685 = tpu.vector_load %arg7[%get3A_683, %get3A_684] {strides = array<i32>} : memref<201x64xf32, #tpu.memory_space<vmem>>, vector<16xf32>,
        %swap3A_686 = arith.index_cast %add3A_656 : i32 to index
        %swap3A_687 = arith.constant 48 : index
        %swap3A_688 = tpu.vector_load %arg11[%swap3A_686, %swap3A_687] {strides = array<i32>} : memref<200x64xf32, #tpu.memory_space<vmem>>, vector<16xf32>,
        tpu.vector_store %arg11[%swap3A_686, %swap3A_687], %get3A_685 {add = true, strides = array<i32>} : memref<200x64xf32, #tpu.memory_space<vmem>>, vector<16xf32>,
        %scan3A_689 = arith.constant 4 : i32
        %scan3A_690 = arith.addi %scan3A_539, %scan3A_689 : i32
        %mul3A_691 = arith.constant 1 : i32
        %mul3A_692 = arith.muli %scan3A_690, %mul3A_691 : i32
        %add3A_693 = arith.constant 0 : i32
        %add3A_694 = arith.addi %add3A_693, %mul3A_692 : i32
        %add3A_695 = arith.constant 1 : i32
        %add3A_696 = arith.addi %add3A_694, %add3A_695 : i32
        %get3A_697 = arith.index_cast %add3A_696 : i32 to index
        %get3A_698 = arith.constant 0 : index
        %get3A_699 = tpu.vector_load %arg7[%get3A_697, %get3A_698] {strides = array<i32>} : memref<201x64xf32, #tpu.memory_space<vmem>>, vector<16xf32>,
        %swap3A_700 = arith.index_cast %add3A_694 : i32 to index
        %swap3A_701 = arith.constant 0 : index
        %swap3A_702 = tpu.vector_load %arg11[%swap3A_700, %swap3A_701] {strides = array<i32>} : memref<200x64xf32, #tpu.memory_space<vmem>>, vector<16xf32>,
        tpu.vector_store %arg11[%swap3A_700, %swap3A_701], %get3A_699 {add = true, strides = array<i32>} : memref<200x64xf32, #tpu.memory_space<vmem>>, vector<16xf32>,
        %add3A_703 = arith.constant 1 : i32
        %add3A_704 = arith.addi %add3A_694, %add3A_703 : i32
        %get3A_705 = arith.index_cast %add3A_704 : i32 to index
        %get3A_706 = arith.constant 16 : index
        %get3A_707 = tpu.vector_load %arg7[%get3A_705, %get3A_706] {strides = array<i32>} : memref<201x64xf32, #tpu.memory_space<vmem>>, vector<16xf32>,
        %swap3A_708 = arith.index_cast %add3A_694 : i32 to index
        %swap3A_709 = arith.constant 16 : index
        %swap3A_710 = tpu.vector_load %arg11[%swap3A_708, %swap3A_709] {strides = array<i32>} : memref<200x64xf32, #tpu.memory_space<vmem>>, vector<16xf32>,
        tpu.vector_store %arg11[%swap3A_708, %swap3A_709], %get3A_707 {add = true, strides = array<i32>} : memref<200x64xf32, #tpu.memory_space<vmem>>, vector<16xf32>,
        %add3A_711 = arith.constant 1 : i32
        %add3A_712 = arith.addi %add3A_694, %add3A_711 : i32
        %get3A_713 = arith.index_cast %add3A_712 : i32 to index
        %get3A_714 = arith.constant 32 : index
        %get3A_715 = tpu.vector_load %arg7[%get3A_713, %get3A_714] {strides = array<i32>} : memref<201x64xf32, #tpu.memory_space<vmem>>, vector<16xf32>,
        %swap3A_716 = arith.index_cast %add3A_694 : i32 to index
        %swap3A_717 = arith.constant 32 : index
        %swap3A_718 = tpu.vector_load %arg11[%swap3A_716, %swap3A_717] {strides = array<i32>} : memref<200x64xf32, #tpu.memory_space<vmem>>, vector<16xf32>,
        tpu.vector_store %arg11[%swap3A_716, %swap3A_717], %get3A_715 {add = true, strides = array<i32>} : memref<200x64xf32, #tpu.memory_space<vmem>>, vector<16xf32>,
        %add3A_719 = arith.constant 1 : i32
        %add3A_720 = arith.addi %add3A_694, %add3A_719 : i32
        %get3A_721 = arith.index_cast %add3A_720 : i32 to index
        %get3A_722 = arith.constant 48 : index
        %get3A_723 = tpu.vector_load %arg7[%get3A_721, %get3A_722] {strides = array<i32>} : memref<201x64xf32, #tpu.memory_space<vmem>>, vector<16xf32>,
        %swap3A_724 = arith.index_cast %add3A_694 : i32 to index
        %swap3A_725 = arith.constant 48 : index
        %swap3A_726 = tpu.vector_load %arg11[%swap3A_724, %swap3A_725] {strides = array<i32>} : memref<200x64xf32, #tpu.memory_space<vmem>>, vector<16xf32>,
        tpu.vector_store %arg11[%swap3A_724, %swap3A_725], %get3A_723 {add = true, strides = array<i32>} : memref<200x64xf32, #tpu.memory_space<vmem>>, vector<16xf32>,
        %scan3A_727 = arith.constant 5 : i32
        %scan3A_728 = arith.addi %scan3A_539, %scan3A_727 : i32
        %mul3A_729 = arith.constant 1 : i32
        %mul3A_730 = arith.muli %scan3A_728, %mul3A_729 : i32
        %add3A_731 = arith.constant 0 : i32
        %add3A_732 = arith.addi %add3A_731, %mul3A_730 : i32
        %add3A_733 = arith.constant 1 : i32
        %add3A_734 = arith.addi %add3A_732, %add3A_733 : i32
        %get3A_735 = arith.index_cast %add3A_734 : i32 to index
        %get3A_736 = arith.constant 0 : index
        %get3A_737 = tpu.vector_load %arg7[%get3A_735, %get3A_736] {strides = array<i32>} : memref<201x64xf32, #tpu.memory_space<vmem>>, vector<16xf32>,
        %swap3A_738 = arith.index_cast %add3A_732 : i32 to index
        %swap3A_739 = arith.constant 0 : index
        %swap3A_740 = tpu.vector_load %arg11[%swap3A_738, %swap3A_739] {strides = array<i32>} : memref<200x64xf32, #tpu.memory_space<vmem>>, vector<16xf32>,
        tpu.vector_store %arg11[%swap3A_738, %swap3A_739], %get3A_737 {add = true, strides = array<i32>} : memref<200x64xf32, #tpu.memory_space<vmem>>, vector<16xf32>,
        %add3A_741 = arith.constant 1 : i32
        %add3A_742 = arith.addi %add3A_732, %add3A_741 : i32
        %get3A_743 = arith.index_cast %add3A_742 : i32 to index
        %get3A_744 = arith.constant 16 : index
        %get3A_745 = tpu.vector_load %arg7[%get3A_743, %get3A_744] {strides = array<i32>} : memref<201x64xf32, #tpu.memory_space<vmem>>, vector<16xf32>,
        %swap3A_746 = arith.index_cast %add3A_732 : i32 to index
        %swap3A_747 = arith.constant 16 : index
        %swap3A_748 = tpu.vector_load %arg11[%swap3A_746, %swap3A_747] {strides = array<i32>} : memref<200x64xf32, #tpu.memory_space<vmem>>, vector<16xf32>,
        tpu.vector_store %arg11[%swap3A_746, %swap3A_747], %get3A_745 {add = true, strides = array<i32>} : memref<200x64xf32, #tpu.memory_space<vmem>>, vector<16xf32>,
        %add3A_749 = arith.constant 1 : i32
        %add3A_750 = arith.addi %add3A_732, %add3A_749 : i32
        %get3A_751 = arith.index_cast %add3A_750 : i32 to index
        %get3A_752 = arith.constant 32 : index
        %get3A_753 = tpu.vector_load %arg7[%get3A_751, %get3A_752] {strides = array<i32>} : memref<201x64xf32, #tpu.memory_space<vmem>>, vector<16xf32>,
        %swap3A_754 = arith.index_cast %add3A_732 : i32 to index
        %swap3A_755 = arith.constant 32 : index
        %swap3A_756 = tpu.vector_load %arg11[%swap3A_754, %swap3A_755] {strides = array<i32>} : memref<200x64xf32, #tpu.memory_space<vmem>>, vector<16xf32>,
        tpu.vector_store %arg11[%swap3A_754, %swap3A_755], %get3A_753 {add = true, strides = array<i32>} : memref<200x64xf32, #tpu.memory_space<vmem>>, vector<16xf32>,
        %add3A_757 = arith.constant 1 : i32
        %add3A_758 = arith.addi %add3A_732, %add3A_757 : i32
        %get3A_759 = arith.index_cast %add3A_758 : i32 to index
        %get3A_760 = arith.constant 48 : index
        %get3A_761 = tpu.vector_load %arg7[%get3A_759, %get3A_760] {strides = array<i32>} : memref<201x64xf32, #tpu.memory_space<vmem>>, vector<16xf32>,
        %swap3A_762 = arith.index_cast %add3A_732 : i32 to index
        %swap3A_763 = arith.constant 48 : index
        %swap3A_764 = tpu.vector_load %arg11[%swap3A_762, %swap3A_763] {strides = array<i32>} : memref<200x64xf32, #tpu.memory_space<vmem>>, vector<16xf32>,
        tpu.vector_store %arg11[%swap3A_762, %swap3A_763], %get3A_761 {add = true, strides = array<i32>} : memref<200x64xf32, #tpu.memory_space<vmem>>, vector<16xf32>,
        %scan3A_765 = arith.constant 6 : i32
        %scan3A_766 = arith.addi %scan3A_539, %scan3A_765 : i32
        %mul3A_767 = arith.constant 1 : i32
        %mul3A_768 = arith.muli %scan3A_766, %mul3A_767 : i32
        %add3A_769 = arith.constant 0 : i32
        %add3A_770 = arith.addi %add3A_769, %mul3A_768 : i32
        %add3A_771 = arith.constant 1 : i32
        %add3A_772 = arith.addi %add3A_770, %add3A_771 : i32
        %get3A_773 = arith.index_cast %add3A_772 : i32 to index
        %get3A_774 = arith.constant 0 : index
        %get3A_775 = tpu.vector_load %arg7[%get3A_773, %get3A_774] {strides = array<i32>} : memref<201x64xf32, #tpu.memory_space<vmem>>, vector<16xf32>,
        %swap3A_776 = arith.index_cast %add3A_770 : i32 to index
        %swap3A_777 = arith.constant 0 : index
        %swap3A_778 = tpu.vector_load %arg11[%swap3A_776, %swap3A_777] {strides = array<i32>} : memref<200x64xf32, #tpu.memory_space<vmem>>, vector<16xf32>,
        tpu.vector_store %arg11[%swap3A_776, %swap3A_777], %get3A_775 {add = true, strides = array<i32>} : memref<200x64xf32, #tpu.memory_space<vmem>>, vector<16xf32>,
        %add3A_779 = arith.constant 1 : i32
        %add3A_780 = arith.addi %add3A_770, %add3A_779 : i32
        %get3A_781 = arith.index_cast %add3A_780 : i32 to index
        %get3A_782 = arith.constant 16 : index
        %get3A_783 = tpu.vector_load %arg7[%get3A_781, %get3A_782] {strides = array<i32>} : memref<201x64xf32, #tpu.memory_space<vmem>>, vector<16xf32>,
        %swap3A_784 = arith.index_cast %add3A_770 : i32 to index
        %swap3A_785 = arith.constant 16 : index
        %swap3A_786 = tpu.vector_load %arg11[%swap3A_784, %swap3A_785] {strides = array<i32>} : memref<200x64xf32, #tpu.memory_space<vmem>>, vector<16xf32>,
        tpu.vector_store %arg11[%swap3A_784, %swap3A_785], %get3A_783 {add = true, strides = array<i32>} : memref<200x64xf32, #tpu.memory_space<vmem>>, vector<16xf32>,
        %add3A_787 = arith.constant 1 : i32
        %add3A_788 = arith.addi %add3A_770, %add3A_787 : i32
        %get3A_789 = arith.index_cast %add3A_788 : i32 to index
        %get3A_790 = arith.constant 32 : index
        %get3A_791 = tpu.vector_load %arg7[%get3A_789, %get3A_790] {strides = array<i32>} : memref<201x64xf32, #tpu.memory_space<vmem>>, vector<16xf32>,
        %swap3A_792 = arith.index_cast %add3A_770 : i32 to index
        %swap3A_793 = arith.constant 32 : index
        %swap3A_794 = tpu.vector_load %arg11[%swap3A_792, %swap3A_793] {strides = array<i32>} : memref<200x64xf32, #tpu.memory_space<vmem>>, vector<16xf32>,
        tpu.vector_store %arg11[%swap3A_792, %swap3A_793], %get3A_791 {add = true, strides = array<i32>} : memref<200x64xf32, #tpu.memory_space<vmem>>, vector<16xf32>,
        %add3A_795 = arith.constant 1 : i32
        %add3A_796 = arith.addi %add3A_770, %add3A_795 : i32
        %get3A_797 = arith.index_cast %add3A_796 : i32 to index
        %get3A_798 = arith.constant 48 : index
        %get3A_799 = tpu.vector_load %arg7[%get3A_797, %get3A_798] {strides = array<i32>} : memref<201x64xf32, #tpu.memory_space<vmem>>, vector<16xf32>,
        %swap3A_800 = arith.index_cast %add3A_770 : i32 to index
        %swap3A_801 = arith.constant 48 : index
        %swap3A_802 = tpu.vector_load %arg11[%swap3A_800, %swap3A_801] {strides = array<i32>} : memref<200x64xf32, #tpu.memory_space<vmem>>, vector<16xf32>,
        tpu.vector_store %arg11[%swap3A_800, %swap3A_801], %get3A_799 {add = true, strides = array<i32>} : memref<200x64xf32, #tpu.memory_space<vmem>>, vector<16xf32>,
        %scan3A_803 = arith.constant 7 : i32
        %scan3A_804 = arith.addi %scan3A_539, %scan3A_803 : i32
        %mul3A_805 = arith.constant 1 : i32
        %mul3A_806 = arith.muli %scan3A_804, %mul3A_805 : i32
        %add3A_807 = arith.constant 0 : i32
        %add3A_808 = arith.addi %add3A_807, %mul3A_806 : i32
        %add3A_809 = arith.constant 1 : i32
        %add3A_810 = arith.addi %add3A_808, %add3A_809 : i32
        %get3A_811 = arith.index_cast %add3A_810 : i32 to index
        %get3A_812 = arith.constant 0 : index
        %get3A_813 = tpu.vector_load %arg7[%get3A_811, %get3A_812] {strides = array<i32>} : memref<201x64xf32, #tpu.memory_space<vmem>>, vector<16xf32>,
        %swap3A_814 = arith.index_cast %add3A_808 : i32 to index
        %swap3A_815 = arith.constant 0 : index
        %swap3A_816 = tpu.vector_load %arg11[%swap3A_814, %swap3A_815] {strides = array<i32>} : memref<200x64xf32, #tpu.memory_space<vmem>>, vector<16xf32>,
        tpu.vector_store %arg11[%swap3A_814, %swap3A_815], %get3A_813 {add = true, strides = array<i32>} : memref<200x64xf32, #tpu.memory_space<vmem>>, vector<16xf32>,
        %add3A_817 = arith.constant 1 : i32
        %add3A_818 = arith.addi %add3A_808, %add3A_817 : i32
        %get3A_819 = arith.index_cast %add3A_818 : i32 to index
        %get3A_820 = arith.constant 16 : index
        %get3A_821 = tpu.vector_load %arg7[%get3A_819, %get3A_820] {strides = array<i32>} : memref<201x64xf32, #tpu.memory_space<vmem>>, vector<16xf32>,
        %swap3A_822 = arith.index_cast %add3A_808 : i32 to index
        %swap3A_823 = arith.constant 16 : index
        %swap3A_824 = tpu.vector_load %arg11[%swap3A_822, %swap3A_823] {strides = array<i32>} : memref<200x64xf32, #tpu.memory_space<vmem>>, vector<16xf32>,
        tpu.vector_store %arg11[%swap3A_822, %swap3A_823], %get3A_821 {add = true, strides = array<i32>} : memref<200x64xf32, #tpu.memory_space<vmem>>, vector<16xf32>,
        %add3A_825 = arith.constant 1 : i32
        %add3A_826 = arith.addi %add3A_808, %add3A_825 : i32
        %get3A_827 = arith.index_cast %add3A_826 : i32 to index
        %get3A_828 = arith.constant 32 : index
        %get3A_829 = tpu.vector_load %arg7[%get3A_827, %get3A_828] {strides = array<i32>} : memref<201x64xf32, #tpu.memory_space<vmem>>, vector<16xf32>,
        %swap3A_830 = arith.index_cast %add3A_808 : i32 to index
        %swap3A_831 = arith.constant 32 : index
        %swap3A_832 = tpu.vector_load %arg11[%swap3A_830, %swap3A_831] {strides = array<i32>} : memref<200x64xf32, #tpu.memory_space<vmem>>, vector<16xf32>,
        tpu.vector_store %arg11[%swap3A_830, %swap3A_831], %get3A_829 {add = true, strides = array<i32>} : memref<200x64xf32, #tpu.memory_space<vmem>>, vector<16xf32>,
        %add3A_833 = arith.constant 1 : i32
        %add3A_834 = arith.addi %add3A_808, %add3A_833 : i32
        %get3A_835 = arith.index_cast %add3A_834 : i32 to index
        %get3A_836 = arith.constant 48 : index
        %get3A_837 = tpu.vector_load %arg7[%get3A_835, %get3A_836] {strides = array<i32>} : memref<201x64xf32, #tpu.memory_space<vmem>>, vector<16xf32>,
        %swap3A_838 = arith.index_cast %add3A_808 : i32 to index
        %swap3A_839 = arith.constant 48 : index
        %swap3A_840 = tpu.vector_load %arg11[%swap3A_838, %swap3A_839] {strides = array<i32>} : memref<200x64xf32, #tpu.memory_space<vmem>>, vector<16xf32>,
        tpu.vector_store %arg11[%swap3A_838, %swap3A_839], %get3A_837 {add = true, strides = array<i32>} : memref<200x64xf32, #tpu.memory_space<vmem>>, vector<16xf32>,
      }
      %scan3A_530 = arith.constant 200 : i32
      %convert_element_type3A_531 = arith.extui %eq3A_501 : i1 to i32
      %cond3A_532 = arith.constant 0 : i32
      %cond3A_533 = arith.cmpi ne, %convert_element_type3A_531, %cond3A_532 : i32
      scf.if %cond3A_533 {
        %scan3A_539 = arith.constant 0 : i32
        %scan3A_540 = arith.constant 200 : i32
        %scan3A_541 = arith.addi %scan3A_539, %scan3A_540 : i32
        %scan3A_542 = arith.constant 1 : i32
        scf.for %scan3A_544 = %scan3A_539 to %scan3A_541 step %scan3A_542  : i32 {
          %mul3A_545 = arith.constant 1 : i32
          %mul3A_546 = arith.muli %scan3A_544, %mul3A_545 : i32
          %add3A_547 = arith.constant 0 : i32
          %add3A_548 = arith.addi %add3A_547, %mul3A_546 : i32
          %add3A_549 = arith.addi %mul3A_429, %add3A_548 : i32
          %broadcast_in_dim3A = vector.broadcast %add3A_549 : i32 to vector<16xi32>
          %gather3A = tpu.vector_load_idx %arg6[%broadcast_in_dim3A] : memref<25600xi32, #tpu.memory_space<vmem>>[vector<16xi32>], vector<16xi32>,
          %eq3A_550 = arith.constant 0 : i32
          %eq3A_551 = vector.broadcast %eq3A_550 : i32 to vector<16xi32>
          %eq3A_552 = arith.cmpi eq, %gather3A, %eq3A_551 : vector<16xi32>
          %jit3A = arith.constant 1.000000e+00 : f32
          %jit3A_553 = arith.constant 0.000000e+00 : f32
          %broadcast_in_dim3A_554 = vector.broadcast %jit3A : f32 to vector<16xf32>
          %broadcast_in_dim3A_555 = vector.broadcast %jit3A_553 : f32 to vector<16xf32>
          %select_n3A = arith.select %eq3A_552, %broadcast_in_dim3A_554, %broadcast_in_dim3A_555 : vector<16xi1>, vector<16xf32>
          %get3A_556 = arith.constant 0 : i32
          %get3A_557 = arith.index_cast %get3A_556 : i32 to index
          %get3A_558 = arith.constant 0 : index
          %get3A_559 = tpu.vector_load %arg7[%get3A_557, %get3A_558] {strides = array<i32>} : memref<201x64xf32, #tpu.memory_space<vmem>>, vector<16xf32>,
          %add3A_560 = arith.constant 1 : i32
          %add3A_561 = arith.addi %add3A_548, %add3A_560 : i32
          %get3A_562 = arith.index_cast %add3A_561 : i32 to index
          %get3A_563 = arith.constant 0 : index
          %get3A_564 = tpu.vector_load %arg7[%get3A_562, %get3A_563] {strides = array<i32>} : memref<201x64xf32, #tpu.memory_space<vmem>>, vector<16xf32>,
          %sub3A = arith.subf %get3A_559, %get3A_564 : vector<16xf32>
          %mul3A_565 = arith.mulf %select_n3A, %sub3A : vector<16xf32>
          %swap3A = arith.index_cast %add3A_548 : i32 to index
          %swap3A_566 = arith.constant 0 : index
          %swap3A_567 = tpu.vector_load %arg11[%swap3A, %swap3A_566] {strides = array<i32>} : memref<200x64xf32, #tpu.memory_space<vmem>>, vector<16xf32>,
          tpu.vector_store %arg11[%swap3A, %swap3A_566], %mul3A_565 {add = true, strides = array<i32>} : memref<200x64xf32, #tpu.memory_space<vmem>>, vector<16xf32>,
          %get3A_568 = arith.constant 0 : i32
          %get3A_569 = arith.index_cast %get3A_568 : i32 to index
          %get3A_570 = arith.constant 16 : index
          %get3A_571 = tpu.vector_load %arg7[%get3A_569, %get3A_570] {strides = array<i32>} : memref<201x64xf32, #tpu.memory_space<vmem>>, vector<16xf32>,
          %add3A_572 = arith.constant 1 : i32
          %add3A_573 = arith.addi %add3A_548, %add3A_572 : i32
          %get3A_574 = arith.index_cast %add3A_573 : i32 to index
          %get3A_575 = arith.constant 16 : index
          %get3A_576 = tpu.vector_load %arg7[%get3A_574, %get3A_575] {strides = array<i32>} : memref<201x64xf32, #tpu.memory_space<vmem>>, vector<16xf32>,
          %sub3A_577 = arith.subf %get3A_571, %get3A_576 : vector<16xf32>
          %mul3A_578 = arith.mulf %select_n3A, %sub3A_577 : vector<16xf32>
          %swap3A_579 = arith.index_cast %add3A_548 : i32 to index
          %swap3A_580 = arith.constant 16 : index
          %swap3A_581 = tpu.vector_load %arg11[%swap3A_579, %swap3A_580] {strides = array<i32>} : memref<200x64xf32, #tpu.memory_space<vmem>>, vector<16xf32>,
          tpu.vector_store %arg11[%swap3A_579, %swap3A_580], %mul3A_578 {add = true, strides = array<i32>} : memref<200x64xf32, #tpu.memory_space<vmem>>, vector<16xf32>,
          %get3A_582 = arith.constant 0 : i32
          %get3A_583 = arith.index_cast %get3A_582 : i32 to index
          %get3A_584 = arith.constant 32 : index
          %get3A_585 = tpu.vector_load %arg7[%get3A_583, %get3A_584] {strides = array<i32>} : memref<201x64xf32, #tpu.memory_space<vmem>>, vector<16xf32>,
          %add3A_586 = arith.constant 1 : i32
          %add3A_587 = arith.addi %add3A_548, %add3A_586 : i32
          %get3A_588 = arith.index_cast %add3A_587 : i32 to index
          %get3A_589 = arith.constant 32 : index
          %get3A_590 = tpu.vector_load %arg7[%get3A_588, %get3A_589] {strides = array<i32>} : memref<201x64xf32, #tpu.memory_space<vmem>>, vector<16xf32>,
          %sub3A_591 = arith.subf %get3A_585, %get3A_590 : vector<16xf32>
          %mul3A_592 = arith.mulf %select_n3A, %sub3A_591 : vector<16xf32>
          %swap3A_593 = arith.index_cast %add3A_548 : i32 to index
          %swap3A_594 = arith.constant 32 : index
          %swap3A_595 = tpu.vector_load %arg11[%swap3A_593, %swap3A_594] {strides = array<i32>} : memref<200x64xf32, #tpu.memory_space<vmem>>, vector<16xf32>,
          tpu.vector_store %arg11[%swap3A_593, %swap3A_594], %mul3A_592 {add = true, strides = array<i32>} : memref<200x64xf32, #tpu.memory_space<vmem>>, vector<16xf32>,
          %get3A_596 = arith.constant 0 : i32
          %get3A_597 = arith.index_cast %get3A_596 : i32 to index
          %get3A_598 = arith.constant 48 : index
          %get3A_599 = tpu.vector_load %arg7[%get3A_597, %get3A_598] {strides = array<i32>} : memref<201x64xf32, #tpu.memory_space<vmem>>, vector<16xf32>,
          %add3A_600 = arith.constant 1 : i32
          %add3A_601 = arith.addi %add3A_548, %add3A_600 : i32
          %get3A_602 = arith.index_cast %add3A_601 : i32 to index
          %get3A_603 = arith.constant 48 : index
          %get3A_604 = tpu.vector_load %arg7[%get3A_602, %get3A_603] {strides = array<i32>} : memref<201x64xf32, #tpu.memory_space<vmem>>, vector<16xf32>,
          %sub3A_605 = arith.subf %get3A_599, %get3A_604 : vector<16xf32>
          %mul3A_606 = arith.mulf %select_n3A, %sub3A_605 : vector<16xf32>
          %swap3A_607 = arith.index_cast %add3A_548 : i32 to index
          %swap3A_608 = arith.constant 48 : index
          %swap3A_609 = tpu.vector_load %arg11[%swap3A_607, %swap3A_608] {strides = array<i32>} : memref<200x64xf32, #tpu.memory_space<vmem>>, vector<16xf32>,
          tpu.vector_store %arg11[%swap3A_607, %swap3A_608], %mul3A_606 {add = true, strides = array<i32>} : memref<200x64xf32, #tpu.memory_space<vmem>>, vector<16xf32>,
        }
        %scan3A_543 = arith.constant 200 : i32
      } else {
      }
      %add3A_534 = arith.addi %mul3A_2, %mul3A_429 : i32
      %dma_start3A_535 = arith.constant 0 : i32
      %dma_start3A_536 = tpu.memref_slice %arg5[%add3A_534, %dma_start3A_535] : memref<819200x64xf32, #tpu.memory_space<hbm>> -> memref<200x64xf32, #tpu.memory_space<hbm>>
      %dma_start3A_537 = arith.constant 0 : i32
      %dma_start3A_538 = tpu.memref_slice %arg5[%add3A_534, %dma_start3A_537] : memref<819200x64xf32, #tpu.memory_space<hbm>> -> memref<200x64xf32, #tpu.memory_space<hbm>>
      tpu.enqueue_dma source(%arg11 : memref<200x64xf32, #tpu.memory_space<vmem>>) target(%dma_start3A_538 : memref<200x64xf32, #tpu.memory_space<hbm>>) target_semaphore(%arg19 : memref<!tpu.dma_semaphore, #tpu.memory_space<semaphore_mem>>)
    }
    %scan3A_37 = arith.constant 32 : i32
    %dma_wait3A = arith.constant 0 : i32
    %dma_wait3A_38 = arith.constant 0 : i32
    %dma_wait3A_39 = tpu.memref_slice %arg5[%dma_wait3A, %dma_wait3A_38] : memref<819200x64xf32, #tpu.memory_space<hbm>> -> memref<200x64xf32, #tpu.memory_space<hbm>>
    %dma_wait3A_40 = arith.constant 0 : i32
    %dma_wait3A_41 = arith.constant 0 : i32
    %dma_wait3A_42 = tpu.memref_slice %arg5[%dma_wait3A_40, %dma_wait3A_41] : memref<819200x64xf32, #tpu.memory_space<hbm>> -> memref<200x64xf32, #tpu.memory_space<hbm>>
    tpu.wait_dma2 semaphore(%arg16 : memref<!tpu.dma_semaphore, #tpu.memory_space<semaphore_mem>>) src(%arg8 : memref<200x64xf32, #tpu.memory_space<vmem>>) dst(%dma_wait3A_42 : memref<200x64xf32, #tpu.memory_space<hbm>>)
    %dma_wait3A_43 = arith.constant 0 : i32
    %dma_wait3A_44 = arith.constant 0 : i32
    %dma_wait3A_45 = tpu.memref_slice %arg5[%dma_wait3A_43, %dma_wait3A_44] : memref<819200x64xf32, #tpu.memory_space<hbm>> -> memref<200x64xf32, #tpu.memory_space<hbm>>
    %dma_wait3A_46 = arith.constant 0 : i32
    %dma_wait3A_47 = arith.constant 0 : i32
    %dma_wait3A_48 = tpu.memref_slice %arg5[%dma_wait3A_46, %dma_wait3A_47] : memref<819200x64xf32, #tpu.memory_space<hbm>> -> memref<200x64xf32, #tpu.memory_space<hbm>>
    tpu.wait_dma2 semaphore(%arg17 : memref<!tpu.dma_semaphore, #tpu.memory_space<semaphore_mem>>) src(%arg9 : memref<200x64xf32, #tpu.memory_space<vmem>>) dst(%dma_wait3A_48 : memref<200x64xf32, #tpu.memory_space<hbm>>)
    %dma_wait3A_49 = arith.constant 0 : i32
    %dma_wait3A_50 = arith.constant 0 : i32
    %dma_wait3A_51 = tpu.memref_slice %arg5[%dma_wait3A_49, %dma_wait3A_50] : memref<819200x64xf32, #tpu.memory_space<hbm>> -> memref<200x64xf32, #tpu.memory_space<hbm>>
    %dma_wait3A_52 = arith.constant 0 : i32
    %dma_wait3A_53 = arith.constant 0 : i32
    %dma_wait3A_54 = tpu.memref_slice %arg5[%dma_wait3A_52, %dma_wait3A_53] : memref<819200x64xf32, #tpu.memory_space<hbm>> -> memref<200x64xf32, #tpu.memory_space<hbm>>
    tpu.wait_dma2 semaphore(%arg18 : memref<!tpu.dma_semaphore, #tpu.memory_space<semaphore_mem>>) src(%arg10 : memref<200x64xf32, #tpu.memory_space<vmem>>) dst(%dma_wait3A_54 : memref<200x64xf32, #tpu.memory_space<hbm>>)
    %dma_wait3A_55 = arith.constant 0 : i32
    %dma_wait3A_56 = arith.constant 0 : i32
    %dma_wait3A_57 = tpu.memref_slice %arg5[%dma_wait3A_55, %dma_wait3A_56] : memref<819200x64xf32, #tpu.memory_space<hbm>> -> memref<200x64xf32, #tpu.memory_space<hbm>>
    %dma_wait3A_58 = arith.constant 0 : i32
    %dma_wait3A_59 = arith.constant 0 : i32
    %dma_wait3A_60 = tpu.memref_slice %arg5[%dma_wait3A_58, %dma_wait3A_59] : memref<819200x64xf32, #tpu.memory_space<hbm>> -> memref<200x64xf32, #tpu.memory_space<hbm>>
    tpu.wait_dma2 semaphore(%arg19 : memref<!tpu.dma_semaphore, #tpu.memory_space<semaphore_mem>>) src(%arg11 : memref<200x64xf32, #tpu.memory_space<vmem>>) dst(%dma_wait3A_60 : memref<200x64xf32, #tpu.memory_space<hbm>>)
    return
  }
}

</mosaic_0001>

<sc_bundles>
// kernel: kernel.3.cloned.1.call-start
scs
__scs_entry_jumppad:
0x0: {  	(pc) =	sbr.rel $0x88, $3  }
0x1: {  	(tag) =	ssettag $0x0;
	lr =	simm.s32 $0x1  }
0x2: {  	[smem:$0x3F9E] =	sst lr;
	_ =	strace $0xD0000000  }
0x3: {  	_ = 	snop  }
0x4: {  	_ = 	snop  }
0x5: {  	_ = 	snop  }
0x6: {  	_ = 	snop  }
0x7: {  	_ = 	snop  }
__scs_overlays_trampoline_lowered:
0x8: {  	[smem:$0x3FAD] =	sst s0  }
0x9: {  	[smem:$0x3FAE] =	sst s1  }
0xa: {  	[smem:$0x3FAF] =	sst s2  }
0xb: {  	[smem:$0x3FB0] =	sst s3  }
0xc: {  	[smem:$0x3FB1] =	sst s4  }
0xd: {  	[smem:$0x3FB2] =	sst s5  }
0xe: {  	[smem:$0x3FB3] =	sst s6  }
0xf: {  	[smem:$0x3FB4] =	sst s7  }
0x10: {  	[smem:$0x3FB5] =	sst s8  }
0x11: {  	[smem:$0x3FB6] =	sst s9;
	s0 =	simm.s32 @!p0 $0x0  }
0x12: {  	s1 =	sld [smem:$0x3F9C];
	s0 =	simm.s32 @p0 $0x1  }
0x13: {  	[smem:$0x3FB7] =	sst s0;
	s0 =	simm.s32 @!p1 $0x0  }
0x14: {  	s2 =	sld [smem:$0x3F9B];
	s0 =	simm.s32 @p1 $0x1  }
0x15: {  	[smem:$0x3FB8] =	sst s0;
	s0 =	simm.s32 @!p2 $0x0  }
0x16: {  	s3 =	sld [smem:$0x3FDB];
	s0 =	simm.s32 @p2 $0x1  }
0x17: {  	s4 =	simm.s32 $0x1BF5;
	[smem:$0x3FBA] =	sst s0  }
0x18: {  	s0 =	sld [smem:$0x3F9D];
	_ =	swait.ge [sflag:s4], $0x0  }
0x19: {  	s7 =	sld [smem:$0x3F9E]  }
0x1a: {  	s8 =	sadd.s32 $0xFFFFE003, lr  }
0x1b: {  	s9 =	sadd.s32 $0xFFFFFEF7, lr;
	s5 =	simm.s32 $0xFFFFFFFF;
	p2 =	slt.u32 s8, $0xFFFFF086  }
0x1c: {  	p1 =	slt.u32 s9, $0xF7A;
	s5 =	simm.s32 @!p2 $0x0  }
0x1d: {  	s5 =	simm.s32 @p1 $0x1;
	p0 =	seq.s32 s7, s2  }
0x1e: {  	s7 =	smul.u32 @!p0 $0xF7A, s2;
	p2 =	seq.s32 @!p0 s5, $0x0  }
0x1f: {  	s9 =	smul.u32 $0xF7A, s1;
	s8 =	simm.s32 @!p0 $0x1BF5;
	p2 =	por !p2, p0  }
0x20: {  	[sflag:s8] =	ssyncset.s32 @!p0 $0xFFFFF086;
	s6 =	sadd.s32 @!p0 s3, s7;
	s7 =	simm.s32 @!p0 $0x108  }
0x21: {  	s3 =	sadd.s32 s3, s9;
	s6 =	sadd.s32 @!p0 $0x88, s6;
	s7 =	simm.s32 @p2 $0x1082  }
0x22: {  	[simem:s7], [sflag:s8] =	dma.local @!p0 [hbm:s6], $0xF7A  }
0x23: {  	s9 =	sor.u32 $0xD0000000, s2;
	s6 =	simm.s32 $0x108;
	_ =	swait.ge @!p0 [sflag:s8], $0x0  }
0x24: {  	s3 =	sadd.s32 $0x88, s3;
	s6 =	simm.s32 @!p1 $0x1082;
	[sflag:s4] =	ssyncset.s32 $0xFFFFF086  }
0x25: {  	[simem:s6], [sflag:s4] =	dma.local [hbm:s3], $0xF7A  }
0x26: {  	[smem:$0x3F9E] =	sst s1;
	(tag) =	ssettag s2;
	_ =	strace s9  }
0x27: {  	s1 =	sld [smem:$0x3FAE]  }
0x28: {  	s2 =	sld [smem:$0x3FAF]  }
0x29: {  	s4 =	sld [smem:$0x3FB1]  }
0x2a: {  	p0 =	seq.s32 s5, $0x0;
	s5 =	sld [smem:$0x3FB2]  }
0x2b: {  	s6 =	sld [smem:$0x3FB3]  }
0x2c: {  	s7 =	sld [smem:$0x3FB4]  }
0x2d: {  	s3 =	simm.s32 $0x108;
	s8 =	sld [smem:$0x3FB5]  }
0x2e: {  	s3 =	simm.s32 @!p0 $0x1082;
	s9 =	sld [smem:$0x3FB6]  }
0x2f: {  	lr =	sadd.s32 s0, s3;
	s0 =	sld [smem:$0x3FAD]  }
0x30: {  	s3 =	sld [smem:$0x3FB0]  }
0x31: {  	[smem:$0x3FB9] =	sst s10  }
0x32: {  	s10 =	sld [smem:$0x3FB7];
	_ =	sdelay $0x3  }
0x33: {  	p0 =	seq.s32 s10, $0x1;
	s10 =	sld [smem:$0x3FB9];
	_ =	sdelay $0x3  }
0x34: {  	[smem:$0x3FB9] =	sst s10  }
0x35: {  	s10 =	sld [smem:$0x3FB8];
	_ =	sdelay $0x3  }
0x36: {  	p1 =	seq.s32 s10, $0x1;
	s10 =	sld [smem:$0x3FB9];
	_ =	sdelay $0x3  }
0x37: {  	[smem:$0x3FB9] =	sst s10  }
0x38: {  	s10 =	sld [smem:$0x3FBA]  }
0x39: {  	_ = 	snop;
	(pc) =	sbr.ind lr, $3  }
0x3a: {  	_ = 	snop  }
0x3b: {  	_ = 	snop  }
0x3c: {  	p2 =	seq.s32 s10, $0x1;
	s10 =	sld [smem:$0x3FB9]  }
0x3d: {  	_ =	shalt  }
0x3e: {  	_ =	shalt  }
0x3f: {  	_ =	shalt  }
0x40: {  	_ =	shalt  }
0x41: {  	_ =	shalt  }
0x42: {  	_ =	shalt  }
0x43: {  	_ =	shalt  }
0x44: {  	_ =	shalt  }
0x45: {  	_ =	shalt  }
0x46: {  	_ =	shalt  }
0x47: {  	_ =	shalt  }
0x48: {  	_ =	shalt  }
0x49: {  	_ =	shalt  }
0x4a: {  	_ =	shalt  }
0x4b: {  	_ =	shalt  }
0x4c: {  	_ =	shalt  }
0x4d: {  	_ =	shalt  }
0x4e: {  	_ =	shalt  }
0x4f: {  	_ =	shalt  }
0x50: {  	_ =	shalt  }
0x51: {  	_ =	shalt  }
0x52: {  	_ =	shalt  }
0x53: {  	_ =	shalt  }
0x54: {  	_ =	shalt  }
0x55: {  	_ =	shalt  }
0x56: {  	_ =	shalt  }
0x57: {  	_ =	shalt  }
0x58: {  	_ =	shalt  }
0x59: {  	_ =	shalt  }
0x5a: {  	_ =	shalt  }
0x5b: {  	_ =	shalt  }
0x5c: {  	_ =	shalt  }
0x5d: {  	_ =	shalt  }
0x5e: {  	_ =	shalt  }
0x5f: {  	_ =	shalt  }
0x60: {  	_ =	shalt  }
0x61: {  	_ =	shalt  }
0x62: {  	_ =	shalt  }
0x63: {  	_ =	shalt  }
0x64: {  	_ =	shalt  }
0x65: {  	_ =	shalt  }
0x66: {  	_ =	shalt  }
0x67: {  	_ =	shalt  }
0x68: {  	_ =	shalt  }
0x69: {  	_ =	shalt  }
0x6a: {  	_ =	shalt  }
0x6b: {  	_ =	shalt  }
0x6c: {  	_ =	shalt  }
0x6d: {  	_ =	shalt  }
0x6e: {  	_ =	shalt  }
0x6f: {  	_ =	shalt  }
0x70: {  	_ =	shalt  }
0x71: {  	_ =	shalt  }
0x72: {  	_ =	shalt  }
0x73: {  	_ =	shalt  }
0x74: {  	_ =	shalt  }
0x75: {  	_ =	shalt  }
0x76: {  	_ =	shalt  }
0x77: {  	_ =	shalt  }
0x78: {  	_ =	shalt  }
0x79: {  	_ =	shalt  }
0x7a: {  	_ =	shalt  }
0x7b: {  	_ =	shalt  }
0x7c: {  	_ =	shalt  }
0x7d: {  	_ =	shalt  }
0x7e: {  	_ =	shalt  }
0x7f: {  	_ =	shalt  }
0x80: {  	_ =	shalt  }
0x81: {  	_ =	shalt  }
0x82: {  	_ =	shalt  }
0x83: {  	_ =	shalt  }
0x84: {  	_ =	shalt  }
0x85: {  	_ =	shalt  }
0x86: {  	_ =	shalt  }
0x87: {  	_ =	shalt  }
.Lfunc_end0:
.L_simem_size_0:
called_computation.1_lowered:
.L_overlay_start_0:
0x88: {  	s2 =	sld [smem:$0x3FD9]  }
0x89: {  	s3 =	sld [smem:$0x3FFE];
	_ =	sdelay $0x1  }
0x8a: {  	s1 =	srdreg.scid  }
0x8b: {  	s0 =	sand.u32 $0x1, s1  }
0x8c: {  	s17 =	sshll.u32 s0, $0xA;
	s2 =	sadd.s32 s3, s2  }
0x8d: {  	s2 =	sadd.s32 s2, s17  }
0x8e: {  	[smem:$0x3FC5] =	sst s2  }
0x8f: {  	_ = 	snop  }
0x90: {  	s2 =	sld [smem:$0x3FD0];
	(tm) =	ssettm $0x1  }
0x91: {  	s18 =	sld [smem:$0x3FFB];
	_ =	sdelay $0x3  }
0x92: {  	_ =	strace s18  }
0x93: {  	s3 =	sld [smem:$0x3FFC];
	_ =	sdelay $0x3  }
0x94: {  	_ =	strace s3  }
0x95: {  	s3 =	sld [smem:$0x3FFD];
	_ =	sdelay $0x3  }
0x96: {  	_ =	strace s3  }
0x97: {  	_ =	strace $0x8FFFFFFF  }
0x98: {  	s19 =	sld [smem:$0x3FDB];
	_ =	sdelay $0x1  }
0x99: {  	s4 =	simm.s32 $_scs_section_size  }
0x9a: {  	s5 =	simm.s32 $_size__tile_overlayer_lowered;
	s6 =	simm.s32 $_tile_overlayer_lowered  }
0x9b: {  	s22 =	simm.s32 $0x1BFF;
	s21 =	sshll.u32 s6, $0x1;
	s3 =	sadd.s32 s4, s19  }
0x9c: {  	s7 =	simm.s32 $0x0;
	s20 =	sshll.u32 s5, $0x1;
	s5 =	sadd.s32 s21, s3  }
0x9d: {  	[timem:s7], [sflag:s22] =	dma.local [hbm:s5], s20  }
0x9e: {  	_ =	swait.ge [sflag:s22], s20  }
0x9f: {  	s4 =	ssub.s32 $0x0, s20;
	[sflag:s22] =	ssyncset.done $0x0  }
0xa0: {  	[sflag:s22] =	ssyncadd.s32 s4;
	_ =	sdelay $0x1  }
0xa1: {  	s23 =	simm.s32 $0x1B8B  }
0xa2: {  	_ =	swait.ge [sflag:s23], $0x1  }
0xa3: {  	[sflag:s23] =	ssyncset.done $0x0  }
0xa4: {  	s25 =	simm.s32 $0x1B8E;
	s24 =	sld [smem:$0x3FFE];
	[sflag:s23] =	ssyncadd.s32 $0xFFFFFFFF  }
0xa5: {  	s26 =	simm.s32 $execute0_lowered;
	[smem:$0x3FD2] =	sst s25  }
0xa6: {  	s5 =	sshll.u32 s26, $0x1;
	_ =	strace $0x80000046;
	[dreg:$0x1] =	wrdreg $0xFFFFFFFF  }
0xa7: {  	s28 =	simm.s32 $_size_execute0_lowered;
	s3 =	sadd.s32 s3, s5;
	[dreg:$0x0] =	wrdreg $0x0  }
0xa8: {  	s5 =	sshll.u32 s28, $0x1;
	[dreg:$0x2] =	wrdreg s3  }
0xa9: {  	[dreg:$0x3] =	wrdreg s5  }
0xaa: {  	[dreg:$0x4] =	wrdreg $0xC0  }
0xab: {  	_ =	task [dreg:s7], $0x5FFFF  }
0xac: {  	[dreg:$0x1] =	wrdreg $0xFFFFFFFF  }
0xad: {  	[dreg:$0x0] =	wrdreg $0x60  }
0xae: {  	[dreg:$0x2] =	wrdreg s24  }
0xaf: {  	[dreg:$0x3] =	wrdreg s2  }
0xb0: {  	[dreg:$0x4] =	wrdreg $0x9  }
0xb1: {  	_ =	task.clear_ibuf [dreg:s7], $0x5FFFF;
	_ =	strace $0x90000046  }
0xb2: {  	s29 =	simm.s32 $0x9;
	_ =	strace $0x80000048  }
0xb3: {  	_ =	swait.ge [sflag:s29], $0x1  }
0xb4: {  	[sflag:s29] =	ssyncadd.s32 $0xFFFFFFFF  }
0xb5: {  	_ =	strace $0x90000048  }
0xb6: {  	_ =	sfence  }
0xb7: {  	s30 =	sld [smem:$0x0];
	_ =	sdelay $0x2  }
0xb8: {  	s31 =	sshll.u32 s1, $0xD;
	s1 =	sshrl.u32 s1, $0x2  }
0xb9: {  	s3 =	sand.u32 $0x4000, s31;
	s1 =	sadd.s32 s1, s30  }
0xba: {  	s0 =	sor.u32 s3, s0;
	s1 =	sshll.u32 s1, $0x11  }
0xbb: {  	s0 =	sor.u32 s1, s0  }
0xbc: {  	s0 =	sadd.s32 $0x8F2B, s0  }
0xbd: {  	[sflag:s0] =	ssyncadd.remote.s32 $0x1  }
0xbe: {  	_ =	sfence.sel $0xFFFF  }
0xbf: {  	[dreg:$0x0] =	wrdreg $0xFFFFFFFF;
	(pc) =	sbr.abs _section_cstart, $3  }
0xc0: {  	[dreg:$0x1] =	wrdreg $0xFFFFFFFF  }
0xc1: {  	_ =	task.clear_ibuf [dreg:s7], $0x2FFFF;
	_ =	strace $0x9FFFFFFF  }
0xc2: {  	(tm) =	ssettm $0x7FFFFFFF  }
0xc3: {  	_ =	shalt  }
tec
execute0_lowered:
.L_overlay_start_1:
0x0: {  	(tag) =	ssettag $0x1  }
0x1: {  	s0 =	srdreg.scid;
	s6 =	rddreg [dreg:$0x0]  }
0x2: {  	s1 =	stileid.u32;
	s2 =	rddreg [dreg:$0x1]  }
0x3: {  	s4 =	simm.s32 $0x0;
	s11 =	simm.s32 $0x80;
	s12 =	simm.s32 $0x9640  }
0x4: {  	s13 =	simm.s32 $0x48;
	s15 =	simm.s32 $0xC840;
	s18 =	simm.s32 $0xFA40  }
0x5: {  	s19 =	simm.s32 $0x11A40;
	s20 =	simm.s32 $0x1;
	s21 =	simm.s32 $0x12C40  }
0x6: {  	s22 =	simm.s32 $0x14C40;
	s0 =	sand.u32 $0x1, s0;
	s1 =	sshll.u32 s1, $0x1  }
0x7: {  	s23 =	simm.s32 $0x2;
	s1 =	sor.u32 s0, s1;
	s0 =	ssub.s32 $0x2, s0  }
0x8: {  	[smem:$0x7FF] =	sst s4;
	s3 =	smul.u32 $0x6400, s1;
	s7 =	sshrl.u32 s0, $0x1  }
.Ltmp0:
0x9: {  	s5 =	sadd.s32 $0xF43000, s6;
	s0 =	ssub.s32 s0, s7;
	(pc) =	sbr.rel .LBB2_1-.Ltmp0, $4  }
0xa: {  	_ =	strace $0x80000047;
	s1 =	sshrl.u32 s3, $0x3;
	s0 =	smax.u32 s0, $0x1  }
0xb: {  	s1 =	sadd.s32 s1, s6;
	s6 =	sadd.s32 $0x19C00, s6;
	[dreg:$0x5] =	wrdreg s0  }
0xc: {  	s24 =	simm.s32 $0x3;
	[dreg:$0x3] =	wrdreg s6;
	s1 =	sadd.s32 $0xC00, s1  }
0xd: {  	s25 =	simm.s32 $0x4;
	v0 =	vimm.f32 $0.0e+00;
	s31 =	simm.s32 $0x0;
	[dreg:$0x4] =	wrdreg s1  }
.LBB2_27:
0xe: {  	s0 =	simm.s32 $0x5  }
0xf: {  	_ =	swait.ge [sflag:s0], $0x3200  }
0x10: {  	[sflag:s0] =	ssyncset.done $0x0  }
0x11: {  	s28 =	simm.s32 $0x6;
	[sflag:s0] =	ssyncadd.s32 $0xFFFFCE00  }
0x12: {  	_ =	swait.ge [sflag:s28], $0x3200  }
0x13: {  	[sflag:s28] =	ssyncset.done $0x0  }
0x14: {  	s29 =	simm.s32 $0x7;
	[sflag:s28] =	ssyncadd.s32 $0xFFFFCE00  }
0x15: {  	_ =	swait.ge [sflag:s29], $0x3200  }
0x16: {  	[sflag:s29] =	ssyncset.done $0x0  }
0x17: {  	s1 =	simm.s32 $0x8;
	[sflag:s29] =	ssyncadd.s32 $0xFFFFCE00  }
0x18: {  	_ =	swait.ge [sflag:s1], $0x3200  }
0x19: {  	s31 =	sadd.s32 $0x1, s31;
	s30 =	rddreg [dreg:$0x5]  }
0x1a: {  	p0 =	sne.s32 s31, s30  }
.Ltmp1:
0x1b: {  	_ = 	snop;
	(pc) =	sbr.rel @!p0 .LBB2_28-.Ltmp1, $3  }
0x1c: {  	_ =	sdelay $0x1  }
0x1d: {  	[sflag:s1] =	ssyncset.done $0x0  }
0x1e: {  	[sflag:s1] =	ssyncadd.s32 $0xFFFFCE00  }
.LBB2_1:
0x1f: {  	s0 =	rddreg [dreg:$0x4];
	s1 =	simm.s32 $0x9  }
0x20: {  	[tilespmem:s4], [sflag:$0x9] =	stream.linear.gather [hbm4b:s0+s4], $0x6400, $0x38;
	[tilespmem:$0x15E40] =	vst v63  }
0x21: {  	_ =	swait.ge [sflag:s1], $0x6400  }
0x22: {  	[sflag:s1] =	ssyncset.done $0x0  }
0x23: {  	s6 =	simm.s32 $0x6400;
	s26 =	rddreg [dreg:$0x3];
	[sflag:s1] =	ssyncadd.s32 $0xFFFF9C00  }
0x24: {  	[tilespmem:s6], [sflag:$0x9] =	stream.linear.gather [hbm4b:s26+s4], $0x3240, $0x38;
	[tilespmem:$0x15E40] =	vst v63  }
0x25: {  	_ =	swait.ge [sflag:s1], $0x3240  }
0x26: {  	[sflag:s1] =	ssyncset.done $0x0  }
0x27: {  	[sflag:s1] =	ssyncadd.s32 $0xFFFFCDC0  }
0x28: {  	[tilespmem:s12], [sflag:$0x1] =	stream.indirect.gather [hbm4b:s5+s11], $0x40, s4, s11, $0xb8;
	[tilespmem:$0x15E40] =	vst v63  }
0x29: {  	s28 =	simm.s32 $0xB640  }
0x2a: {  	[tilespmem:s28], [sflag:$0x1] =	stream.indirect.gather [hbm4b:s5+s13], $0x40, s11, s13, $0xb8;
	[tilespmem:$0x15E40] =	vst v63  }
.Ltmp2:
0x2b: {  	s29 =	simm.s32 $0x148;
	(pc) =	sbr.rel .LBB2_2-.Ltmp2, $4  }
0x2c: {  	s30 =	simm.s32 $0xE840;
	s10 =	simm.s32 $0x258;
	s1 =	simm.s32 $0xC8  }
0x2d: {  	[tilespmem:s15], [sflag:$0x2] =	stream.indirect.gather [hbm4b:s5+s11], $0x40, s1, s11, $0xb8;
	[tilespmem:$0x15E40] =	vst v63  }
0x2e: {  	s14 =	simm.s32 $0x0;
	s16 =	simm.s32 $0x0;
	s0 =	simm.s32 $0x190  }
0x2f: {  	[tilespmem:s30], [sflag:$0x2] =	stream.indirect.gather [hbm4b:s5+s13], $0x40, s29, s13, $0xb8;
	[tilespmem:$0x15E40] =	vst v63  }
.LBB2_26:
0x30: {  	s16 =	sadd.s32 $0x1, s16  }
0x31: {  	p0 =	sne.s32 s16, $0x20  }
.Ltmp3:
0x32: {  	s6 =	sadd.s32 s3, s6;
	(pc) =	sbr.rel @!p0 .LBB2_27-.Ltmp3, $4  }
0x33: {  	s6 =	sshll.u32 s6, $0x3  }
0x34: {  	s14 =	sadd.s32 $0x320, s14;
	s1 =	sadd.s32 $0x320, s1;
	s6 =	sand.u32 $0x1FFFFFC0, s6  }
0x35: {  	s0 =	sadd.s32 $0x320, s0;
	s10 =	sadd.s32 $0x320, s10;
	s6 =	sadd.s32 s2, s6  }
0x36: {  	[hbm4b:s6+s4] =	stream.linear.scatter [tilespmem:s21], [sflag:$0x8], $0x3200, $0x38;
	[tilespmem:$0x15E40] =	vst v63  }
.LBB2_2:
0x37: {  	p0 =	seq.s32 s16, $0x0  }
0x38: {  	s6 =	simm.s32 @!p0 $0x7  }
0x39: {  	s17 =	smul.u32 $0x320, s16;
	_ =	swait.ge @!p0 [sflag:s6], $0x3200  }
0x3a: {  	[sflag:s6] =	ssyncset.done @!p0 $0x0  }
0x3b: {  	s7 =	sadd.s32 $0x190, s17;
	[sflag:s6] =	ssyncadd.s32 @!p0 $0xFFFFCE00  }
0x3c: {  	[tilespmem:s18], [sflag:$0x3] =	stream.indirect.gather [hbm4b:s5+s11], $0x40, s7, s11, $0xb8;
	[tilespmem:$0x15E40] =	vst v63  }
0x3d: {  	s30 =	sadd.s32 $0x80, s7  }
0x3e: {  	[tilespmem:s19], [sflag:$0x3] =	stream.indirect.gather [hbm4b:s5+s13], $0x40, s30, s13, $0xb8;
	[tilespmem:$0x15E40] =	vst v63  }
0x3f: {  	v11 =	vld [tilespmem:s17+$0x0]  }
0x40: {  	v13 =	vld [tilespmem:s17+$0x10]  }
0x41: {  	v12 =	vld [tilespmem:s17+$0x20]  }
0x42: {  	v10 =	vld [tilespmem:s17+$0x30]  }
0x43: {  	v9 =	vld [tilespmem:s17+$0x40]  }
0x44: {  	v8 =	vld [tilespmem:s17+$0x50]  }
0x45: {  	v7 =	vld [tilespmem:s17+$0x60]  }
0x46: {  	v6 =	vld [tilespmem:s17+$0x70]  }
0x47: {  	v5 =	vld [tilespmem:s17+$0x80]  }
0x48: {  	v4 =	vld [tilespmem:s17+$0x90]  }
0x49: {  	v3 =	vld [tilespmem:s17+$0xA0]  }
0x4a: {  	v2 =	vld [tilespmem:s17+$0xB0]  }
0x4b: {  	v1 =	vld [tilespmem:s17+$0xB8];
	_ =	swait.ge [sflag:s20], $0x2000  }
0x4c: {  	[sflag:s20] =	ssyncset.done $0x0  }
0x4d: {  	[sflag:s20] =	ssyncadd.s32 $0xFFFFE000  }
0x4e: {  	_ =	swait.ge [sflag:s20], $0x1200  }
0x4f: {  	[sflag:s20] =	ssyncset.done $0x0  }
0x50: {  	s6 =	simm.s32 $0x0;
	[sflag:s20] =	ssyncadd.s32 $0xFFFFEE00  }
0x51: {  	v14 =	vld [tilespmem:s6+$0x6630]  }
0x52: {  	v15 =	vld [tilespmem:s6+$0x6440]  }
0x53: {  	v16 =	vld [tilespmem:s6+$0x6450]  }
0x54: {  	v17 =	vld [tilespmem:s6+$0x6460]  }
0x55: {  	v18 =	vld [tilespmem:s6+$0x6470]  }
0x56: {  	v19 =	vld [tilespmem:s6+$0x6480]  }
0x57: {  	v20 =	vld [tilespmem:s6+$0x6490]  }
0x58: {  	v21 =	vld [tilespmem:s6+$0x64A0]  }
0x59: {  	v22 =	vld [tilespmem:s6+$0x64B0]  }
0x5a: {  	v23 =	vld [tilespmem:s6+$0x64C0]  }
0x5b: {  	v24 =	vld [tilespmem:s6+$0x64D0]  }
0x5c: {  	v25 =	vld [tilespmem:s6+$0x64E0]  }
0x5d: {  	v26 =	vld [tilespmem:s6+$0x64F0]  }
0x5e: {  	v27 =	vld [tilespmem:s6+$0x6500]  }
0x5f: {  	v28 =	vld [tilespmem:s6+$0x6510]  }
0x60: {  	v29 =	vld [tilespmem:s6+$0x6520]  }
0x61: {  	v30 =	vld [tilespmem:s6+$0x6530]  }
0x62: {  	v31 =	vld [tilespmem:s6+$0x6540]  }
0x63: {  	v32 =	vld [tilespmem:s6+$0x6550]  }
0x64: {  	v33 =	vld [tilespmem:s6+$0x6560]  }
0x65: {  	v34 =	vld [tilespmem:s6+$0x6570]  }
0x66: {  	v35 =	vld [tilespmem:s6+$0x6580]  }
0x67: {  	v36 =	vld [tilespmem:s6+$0x6590]  }
0x68: {  	v37 =	vld [tilespmem:s6+$0x65A0]  }
0x69: {  	v38 =	vld [tilespmem:s6+$0x65B0]  }
0x6a: {  	v39 =	vld [tilespmem:s6+$0x65C0]  }
0x6b: {  	v40 =	vld [tilespmem:s6+$0x65D0]  }
0x6c: {  	v41 =	vld [tilespmem:s6+$0x65E0]  }
0x6d: {  	v42 =	vld [tilespmem:s6+$0x65F0]  }
0x6e: {  	v43 =	vld [tilespmem:s6+$0x6600]  }
0x6f: {  	v44 =	vld [tilespmem:s6+$0x6610]  }
0x70: {  	[tilespmem:s6+$0x9830] =	vst.add.f32.msk $0xffff, v14  }
0x71: {  	v14 =	vld [tilespmem:s6+$0x6620]  }
0x72: {  	[tilespmem:s6+$0x9640] =	vst.add.f32.msk $0xffff, v15  }
0x73: {  	[tilespmem:s6+$0x9650] =	vst.add.f32.msk $0xffff, v16  }
0x74: {  	[tilespmem:s6+$0x9660] =	vst.add.f32.msk $0xffff, v17  }
0x75: {  	[tilespmem:s6+$0x9670] =	vst.add.f32.msk $0xffff, v18  }
0x76: {  	[tilespmem:s6+$0x9680] =	vst.add.f32.msk $0xffff, v19  }
0x77: {  	[tilespmem:s6+$0x9690] =	vst.add.f32.msk $0xffff, v20  }
0x78: {  	[tilespmem:s6+$0x96A0] =	vst.add.f32.msk $0xffff, v21  }
0x79: {  	[tilespmem:s6+$0x96B0] =	vst.add.f32.msk $0xffff, v22  }
0x7a: {  	[tilespmem:s6+$0x96C0] =	vst.add.f32.msk $0xffff, v23  }
0x7b: {  	[tilespmem:s6+$0x96D0] =	vst.add.f32.msk $0xffff, v24  }
0x7c: {  	[tilespmem:s6+$0x96E0] =	vst.add.f32.msk $0xffff, v25  }
0x7d: {  	[tilespmem:s6+$0x96F0] =	vst.add.f32.msk $0xffff, v26  }
0x7e: {  	[tilespmem:s6+$0x9700] =	vst.add.f32.msk $0xffff, v27  }
0x7f: {  	[tilespmem:s6+$0x9710] =	vst.add.f32.msk $0xffff, v28  }
0x80: {  	[tilespmem:s6+$0x9720] =	vst.add.f32.msk $0xffff, v29  }
0x81: {  	[tilespmem:s6+$0x9730] =	vst.add.f32.msk $0xffff, v30  }
0x82: {  	[tilespmem:s6+$0x9740] =	vst.add.f32.msk $0xffff, v31  }
0x83: {  	[tilespmem:s6+$0x9750] =	vst.add.f32.msk $0xffff, v32  }
0x84: {  	[tilespmem:s6+$0x9760] =	vst.add.f32.msk $0xffff, v33  }
0x85: {  	[tilespmem:s6+$0x9770] =	vst.add.f32.msk $0xffff, v34  }
0x86: {  	[tilespmem:s6+$0x9780] =	vst.add.f32.msk $0xffff, v35  }
0x87: {  	[tilespmem:s6+$0x9790] =	vst.add.f32.msk $0xffff, v36  }
0x88: {  	[tilespmem:s6+$0x97A0] =	vst.add.f32.msk $0xffff, v37  }
0x89: {  	[tilespmem:s6+$0x97B0] =	vst.add.f32.msk $0xffff, v38  }
0x8a: {  	[tilespmem:s6+$0x97C0] =	vst.add.f32.msk $0xffff, v39  }
0x8b: {  	[tilespmem:s6+$0x97D0] =	vst.add.f32.msk $0xffff, v40  }
0x8c: {  	[tilespmem:s6+$0x97E0] =	vst.add.f32.msk $0xffff, v41  }
0x8d: {  	[tilespmem:s6+$0x97F0] =	vst.add.f32.msk $0xffff, v42  }
0x8e: {  	[tilespmem:s6+$0x9800] =	vst.add.f32.msk $0xffff, v43  }
0x8f: {  	s8 =	simm.s32 $0x0;
	s26 =	simm.s32 $0x800;
	[tilespmem:s6+$0x9810] =	vst.add.f32.msk $0xffff, v44  }
.LBB2_3:
0x90: {  	s8 =	sadd.s32 $0x8, s8;
	[tilespmem:s6+$0x9820] =	vst.add.f32.msk $0xffff, v14;
	s6 =	sshra.s32 s26, $0x2  }
0x91: {  	v14 =	vld [tilespmem:s6+$0x6630];
	p1 =	slt.u32 s8, $0xC0  }
0x92: {  	v15 =	vld [tilespmem:s6+$0x6440]  }
0x93: {  	v16 =	vld [tilespmem:s6+$0x6450]  }
0x94: {  	v17 =	vld [tilespmem:s6+$0x6460]  }
0x95: {  	v18 =	vld [tilespmem:s6+$0x6470]  }
0x96: {  	[tilespmem:s6+$0x9830] =	vst.add.f32.msk $0xffff, v14  }
0x97: {  	v19 =	vld [tilespmem:s6+$0x6480]  }
0x98: {  	v20 =	vld [tilespmem:s6+$0x6490]  }
0x99: {  	v21 =	vld [tilespmem:s6+$0x64A0]  }
0x9a: {  	v22 =	vld [tilespmem:s6+$0x64B0]  }
0x9b: {  	v23 =	vld [tilespmem:s6+$0x64C0]  }
0x9c: {  	v24 =	vld [tilespmem:s6+$0x64D0]  }
0x9d: {  	v25 =	vld [tilespmem:s6+$0x64E0]  }
0x9e: {  	v26 =	vld [tilespmem:s6+$0x64F0]  }
0x9f: {  	v27 =	vld [tilespmem:s6+$0x6500]  }
0xa0: {  	v28 =	vld [tilespmem:s6+$0x6510]  }
0xa1: {  	v29 =	vld [tilespmem:s6+$0x6520]  }
0xa2: {  	v30 =	vld [tilespmem:s6+$0x6530]  }
0xa3: {  	v31 =	vld [tilespmem:s6+$0x6540]  }
0xa4: {  	v32 =	vld [tilespmem:s6+$0x6550]  }
0xa5: {  	v33 =	vld [tilespmem:s6+$0x6560]  }
0xa6: {  	v34 =	vld [tilespmem:s6+$0x6570]  }
0xa7: {  	v35 =	vld [tilespmem:s6+$0x6580]  }
0xa8: {  	v36 =	vld [tilespmem:s6+$0x6590]  }
0xa9: {  	v37 =	vld [tilespmem:s6+$0x65A0]  }
0xaa: {  	v38 =	vld [tilespmem:s6+$0x65B0]  }
0xab: {  	v39 =	vld [tilespmem:s6+$0x65C0]  }
0xac: {  	v40 =	vld [tilespmem:s6+$0x65D0]  }
0xad: {  	v41 =	vld [tilespmem:s6+$0x65E0]  }
0xae: {  	v42 =	vld [tilespmem:s6+$0x65F0]  }
0xaf: {  	v43 =	vld [tilespmem:s6+$0x6600]  }
0xb0: {  	v44 =	vld [tilespmem:s6+$0x6610]  }
0xb1: {  	v14 =	vld [tilespmem:s6+$0x6620]  }
0xb2: {  	[tilespmem:s6+$0x9640] =	vst.add.f32.msk $0xffff, v15  }
0xb3: {  	[tilespmem:s6+$0x9650] =	vst.add.f32.msk $0xffff, v16  }
0xb4: {  	[tilespmem:s6+$0x9660] =	vst.add.f32.msk $0xffff, v17  }
0xb5: {  	[tilespmem:s6+$0x9670] =	vst.add.f32.msk $0xffff, v18  }
0xb6: {  	[tilespmem:s6+$0x9680] =	vst.add.f32.msk $0xffff, v19  }
0xb7: {  	[tilespmem:s6+$0x9690] =	vst.add.f32.msk $0xffff, v20  }
0xb8: {  	[tilespmem:s6+$0x96A0] =	vst.add.f32.msk $0xffff, v21  }
0xb9: {  	[tilespmem:s6+$0x96B0] =	vst.add.f32.msk $0xffff, v22  }
0xba: {  	[tilespmem:s6+$0x96C0] =	vst.add.f32.msk $0xffff, v23  }
0xbb: {  	[tilespmem:s6+$0x96D0] =	vst.add.f32.msk $0xffff, v24  }
0xbc: {  	[tilespmem:s6+$0x96E0] =	vst.add.f32.msk $0xffff, v25  }
0xbd: {  	[tilespmem:s6+$0x96F0] =	vst.add.f32.msk $0xffff, v26  }
0xbe: {  	[tilespmem:s6+$0x9700] =	vst.add.f32.msk $0xffff, v27  }
0xbf: {  	[tilespmem:s6+$0x9710] =	vst.add.f32.msk $0xffff, v28  }
0xc0: {  	[tilespmem:s6+$0x9720] =	vst.add.f32.msk $0xffff, v29  }
0xc1: {  	[tilespmem:s6+$0x9730] =	vst.add.f32.msk $0xffff, v30  }
0xc2: {  	[tilespmem:s6+$0x9740] =	vst.add.f32.msk $0xffff, v31  }
0xc3: {  	[tilespmem:s6+$0x9750] =	vst.add.f32.msk $0xffff, v32  }
0xc4: {  	[tilespmem:s6+$0x9760] =	vst.add.f32.msk $0xffff, v33  }
0xc5: {  	[tilespmem:s6+$0x9770] =	vst.add.f32.msk $0xffff, v34  }
0xc6: {  	[tilespmem:s6+$0x9780] =	vst.add.f32.msk $0xffff, v35  }
0xc7: {  	[tilespmem:s6+$0x9790] =	vst.add.f32.msk $0xffff, v36  }
0xc8: {  	[tilespmem:s6+$0x97A0] =	vst.add.f32.msk $0xffff, v37  }
0xc9: {  	[tilespmem:s6+$0x97B0] =	vst.add.f32.msk $0xffff, v38  }
0xca: {  	[tilespmem:s6+$0x97C0] =	vst.add.f32.msk $0xffff, v39  }
.Ltmp4:
0xcb: {  	[tilespmem:s6+$0x97D0] =	vst.add.f32.msk $0xffff, v40;
	(pc) =	sbr.rel @p1 .LBB2_3-.Ltmp4, $4  }
0xcc: {  	[tilespmem:s6+$0x97E0] =	vst.add.f32.msk $0xffff, v41  }
0xcd: {  	[tilespmem:s6+$0x97F0] =	vst.add.f32.msk $0xffff, v42  }
0xce: {  	[tilespmem:s6+$0x9800] =	vst.add.f32.msk $0xffff, v43  }
0xcf: {  	s26 =	sadd.s32 $0x800, s26;
	[tilespmem:s6+$0x9810] =	vst.add.f32.msk $0xffff, v44  }
0xd0: {  	vm0 =	vlt.s32 v11, v13  }
0xd1: {  	v11 =	vsel vm0, v11, v13  }
0xd2: {  	vm0 =	vlt.s32 v11, v12  }
0xd3: {  	v11 =	vsel vm0, v11, v12  }
0xd4: {  	vm0 =	vlt.s32 v11, v10  }
0xd5: {  	v10 =	vsel vm0, v11, v10  }
0xd6: {  	vm0 =	vlt.s32 v10, v9  }
0xd7: {  	v9 =	vsel vm0, v10, v9  }
0xd8: {  	vm0 =	vlt.s32 v9, v8  }
0xd9: {  	v8 =	vsel vm0, v9, v8  }
0xda: {  	vm0 =	vlt.s32 v8, v7  }
0xdb: {  	v7 =	vsel vm0, v8, v7  }
0xdc: {  	vm0 =	vlt.s32 v7, v6  }
0xdd: {  	v6 =	vsel vm0, v7, v6  }
0xde: {  	vm0 =	vlt.s32 v6, v5  }
0xdf: {  	v5 =	vsel vm0, v6, v5  }
0xe0: {  	vm0 =	vlt.s32 v5, v4  }
0xe1: {  	v4 =	vsel vm0, v5, v4  }
0xe2: {  	vm0 =	vlt.s32 v4, v3  }
0xe3: {  	v3 =	vsel vm0, v4, v3  }
0xe4: {  	vm0 =	vlt.s32 v3, v2  }
0xe5: {  	v2 =	vsel vm0, v3, v2  }
0xe6: {  	vm0 =	vlt.s32 v2, v1  }
0xe7: {  	v1 =	vsel vm0, v2, v1  }
0xe8: {  	v1 =	vxor.u32 $0x80000000, v1  }
0xe9: {  	(xrf0) =	vmin.scan.msk.u32 $0xffff, v1;
	_ =	sdelay $0x5  }
0xea: {  	v1, _, _ =	vpop (xrf0)  }
0xeb: {  	(v2sf) =	vpush v1, $0xF;
	_ =	sdelay $0xe  }
0xec: {  	s8 =	spop (v2sf)  }
0xed: {  	p1 =	sne.s32 s8, $0x80000000  }
.Ltmp5:
0xee: {  	_ = 	snop;
	(pc) =	sbr.rel @p1 .LBB2_8-.Ltmp5, $2  }
0xef: {  	_ =	sdelay $0x2  }
0xf0: {  	[tilespmem:s6+$0x9820] =	vst.add.f32.msk $0xffff, v14  }
0xf1: {  	v1 =	vmov s14;
	_ =	sdelay $0x2  }
0xf2: {  	s6 =	simm.s32 $0x0;
	v3 =	vld [tilespmem:$0x6400]  }
0xf3: {  	v2 =	vld [tilespmem:s6+$0x6440]  }
0xf4: {  	v1 =	vld.idx.msk [tilespmem:v1+s4+$0x0], $0xffff;
	_ =	sdelay $0x4  }
0xf5: {  	v2 =	vsub.f32 v3, v2;
	vm0 =	veq.s32 v1, $0x0  }
0xf6: {  	v1 =	vsel vm0, $0x3F800000, v0  }
0xf7: {  	v2 =	vmul.f32 v2, v1  }
0xf8: {  	v3 =	vld [tilespmem:s6+$0x6450]  }
0xf9: {  	[tilespmem:s6+$0x9640] =	vst.add.f32.msk $0xffff, v2  }
0xfa: {  	v2 =	vld [tilespmem:$0x6410];
	_ =	sdelay $0x4  }
0xfb: {  	v2 =	vsub.f32 v2, v3;
	_ =	sdelay $0x1  }
0xfc: {  	v2 =	vmul.f32 v2, v1  }
0xfd: {  	v3 =	vld [tilespmem:s6+$0x6460]  }
0xfe: {  	[tilespmem:s6+$0x9650] =	vst.add.f32.msk $0xffff, v2  }
0xff: {  	v2 =	vld [tilespmem:$0x6420];
	_ =	sdelay $0x4  }
0x100: {  	v2 =	vsub.f32 v2, v3;
	_ =	sdelay $0x1  }
0x101: {  	v2 =	vmul.f32 v2, v1  }
0x102: {  	v3 =	vld [tilespmem:s6+$0x6470]  }
0x103: {  	[tilespmem:s6+$0x9660] =	vst.add.f32.msk $0xffff, v2  }
0x104: {  	v4 =	vld [tilespmem:$0x6430];
	_ =	sdelay $0x3  }
0x105: {  	s8 =	sadd.s32 $0x1, s14  }
0x106: {  	s26 =	simm.s32 $0x100;
	s28 =	simm.s32 $0x200;
	v2 =	vmov s8;
	v3 =	vsub.f32 v4, v3  }
.LBB2_6:
0x107: {  	p1 =	sne.s32 s28, $0xC700  }
0x108: {  	s29 =	sshra.s32 s26, $0x2;
	s26 =	smov.u32 s28;
	v1 =	vmul.f32 v3, v1  }
0x109: {  	v3 =	vld [tilespmem:s29+$0x6440]  }
0x10a: {  	[tilespmem:s6+$0x9670] =	vst.add.f32.msk $0xffff, v1;
	s6 =	smov.u32 s29  }
0x10b: {  	v1 =	vld.idx.msk [tilespmem:v2+s4+$0x0], $0xffff  }
0x10c: {  	v2 =	vld [tilespmem:$0x6400];
	_ =	sdelay $0x4  }
0x10d: {  	vm0 =	veq.s32 v1, $0x0;
	v2 =	vsub.f32 v2, v3  }
0x10e: {  	v1 =	vsel vm0, $0x3F800000, v0  }
0x10f: {  	v2 =	vmul.f32 v2, v1  }
0x110: {  	v3 =	vld [tilespmem:s6+$0x6450]  }
0x111: {  	[tilespmem:s6+$0x9640] =	vst.add.f32.msk $0xffff, v2  }
0x112: {  	v2 =	vld [tilespmem:$0x6410];
	_ =	sdelay $0x4  }
0x113: {  	v2 =	vsub.f32 v2, v3;
	_ =	sdelay $0x1  }
0x114: {  	v2 =	vmul.f32 v2, v1  }
0x115: {  	v3 =	vld [tilespmem:s6+$0x6460]  }
0x116: {  	[tilespmem:s6+$0x9650] =	vst.add.f32.msk $0xffff, v2  }
0x117: {  	v2 =	vld [tilespmem:$0x6420];
	_ =	sdelay $0x4  }
0x118: {  	v2 =	vsub.f32 v2, v3;
	_ =	sdelay $0x1  }
0x119: {  	v2 =	vmul.f32 v2, v1  }
0x11a: {  	v3 =	vld [tilespmem:s6+$0x6470]  }
0x11b: {  	[tilespmem:s6+$0x9660] =	vst.add.f32.msk $0xffff, v2  }
0x11c: {  	v4 =	vld [tilespmem:$0x6430]  }
.Ltmp6:
0x11d: {  	(pc) =	sbr.rel @p1 .LBB2_6-.Ltmp6, $3  }
0x11e: {  	_ =	sdelay $0x1  }
0x11f: {  	s8 =	sadd.s32 $0x1, s8  }
0x120: {  	s28 =	sadd.s32 $0x100, s28;
	v2 =	vmov s8;
	v3 =	vsub.f32 v4, v3  }
0x121: {  	_ = 	snop  }
0x122: {  	s8 =	sshra.s32 s26, $0x2;
	v1 =	vmul.f32 v3, v1  }
0x123: {  	v3 =	vld [tilespmem:s8+$0x6440]  }
0x124: {  	[tilespmem:s6+$0x9670] =	vst.add.f32.msk $0xffff, v1  }
0x125: {  	v1 =	vld.idx.msk [tilespmem:v2+s4+$0x0], $0xffff  }
0x126: {  	v2 =	vld [tilespmem:$0x6400];
	_ =	sdelay $0x4  }
0x127: {  	vm0 =	veq.s32 v1, $0x0;
	v1 =	vsub.f32 v2, v3  }
0x128: {  	v2 =	vsel vm0, $0x3F800000, v0  }
0x129: {  	v1 =	vmul.f32 v1, v2  }
0x12a: {  	v3 =	vld [tilespmem:s8+$0x6450]  }
0x12b: {  	[tilespmem:s8+$0x9640] =	vst.add.f32.msk $0xffff, v1  }
0x12c: {  	v1 =	vld [tilespmem:$0x6410];
	_ =	sdelay $0x4  }
0x12d: {  	v1 =	vsub.f32 v1, v3;
	_ =	sdelay $0x1  }
0x12e: {  	v1 =	vmul.f32 v1, v2  }
0x12f: {  	v3 =	vld [tilespmem:s8+$0x6460]  }
0x130: {  	[tilespmem:s8+$0x9650] =	vst.add.f32.msk $0xffff, v1  }
0x131: {  	v1 =	vld [tilespmem:$0x6420];
	_ =	sdelay $0x4  }
0x132: {  	v1 =	vsub.f32 v1, v3;
	_ =	sdelay $0x1  }
0x133: {  	v1 =	vmul.f32 v1, v2  }
0x134: {  	v3 =	vld [tilespmem:s8+$0x6470]  }
0x135: {  	[tilespmem:s8+$0x9660] =	vst.add.f32.msk $0xffff, v1  }
0x136: {  	v1 =	vld [tilespmem:$0x6430];
	_ =	sdelay $0x4  }
0x137: {  	v1 =	vsub.f32 v1, v3;
	_ =	sdelay $0x1  }
0x138: {  	v1 =	vmul.f32 v1, v2;
	_ =	sdelay $0x1  }
0x139: {  	[tilespmem:s8+$0x9670] =	vst.add.f32.msk $0xffff, v1  }
.LBB2_8:
0x13a: {  	s6 =	sadd.s32 s3, s17  }
0x13b: {  	s6 =	sshll.u32 s6, $0x3  }
0x13c: {  	s8 =	simm.s32 @!p0 $0x8;
	s6 =	sadd.s32 s2, s6  }
0x13d: {  	[hbm4b:s6+s4] =	stream.linear.scatter [tilespmem:s12], [sflag:$0x5], $0x3200, $0x38;
	[tilespmem:$0x15E40] =	vst v63  }
0x13e: {  	_ =	swait.ge @!p0 [sflag:s8], $0x3200  }
0x13f: {  	[sflag:s8] =	ssyncset.done @!p0 $0x0  }
0x140: {  	s6 =	sadd.s32 $0x258, s17;
	[sflag:s8] =	ssyncadd.s32 @!p0 $0xFFFFCE00  }
0x141: {  	[tilespmem:s21], [sflag:$0x4] =	stream.indirect.gather [hbm4b:s5+s11], $0x40, s6, s11, $0xb8;
	[tilespmem:$0x15E40] =	vst v63  }
0x142: {  	s30 =	sadd.s32 $0x80, s6  }
0x143: {  	[tilespmem:s22], [sflag:$0x4] =	stream.indirect.gather [hbm4b:s5+s13], $0x40, s30, s13, $0xb8;
	[tilespmem:$0x15E40] =	vst v63  }
0x144: {  	v11 =	vld [tilespmem:s17+$0xC8]  }
0x145: {  	v13 =	vld [tilespmem:s17+$0xD8]  }
0x146: {  	v12 =	vld [tilespmem:s17+$0xE8]  }
0x147: {  	v10 =	vld [tilespmem:s17+$0xF8]  }
0x148: {  	v9 =	vld [tilespmem:s17+$0x108]  }
0x149: {  	v8 =	vld [tilespmem:s17+$0x118]  }
0x14a: {  	v7 =	vld [tilespmem:s17+$0x128]  }
0x14b: {  	v6 =	vld [tilespmem:s17+$0x138]  }
0x14c: {  	v5 =	vld [tilespmem:s17+$0x148]  }
0x14d: {  	v4 =	vld [tilespmem:s17+$0x158]  }
0x14e: {  	v3 =	vld [tilespmem:s17+$0x168]  }
0x14f: {  	v2 =	vld [tilespmem:s17+$0x178]  }
0x150: {  	v1 =	vld [tilespmem:s17+$0x180];
	_ =	swait.ge [sflag:s23], $0x2000  }
0x151: {  	[sflag:s23] =	ssyncset.done $0x0  }
0x152: {  	[sflag:s23] =	ssyncadd.s32 $0xFFFFE000  }
0x153: {  	_ =	swait.ge [sflag:s23], $0x1200  }
0x154: {  	[sflag:s23] =	ssyncset.done $0x0  }
0x155: {  	s26 =	simm.s32 $0x0;
	[sflag:s23] =	ssyncadd.s32 $0xFFFFEE00  }
0x156: {  	v14 =	vld [tilespmem:s26+$0x6630]  }
0x157: {  	v15 =	vld [tilespmem:s26+$0x6440]  }
0x158: {  	v16 =	vld [tilespmem:s26+$0x6450]  }
0x159: {  	v17 =	vld [tilespmem:s26+$0x6460]  }
0x15a: {  	v18 =	vld [tilespmem:s26+$0x6470]  }
0x15b: {  	v19 =	vld [tilespmem:s26+$0x6480]  }
0x15c: {  	v20 =	vld [tilespmem:s26+$0x6490]  }
0x15d: {  	v21 =	vld [tilespmem:s26+$0x64A0]  }
0x15e: {  	v22 =	vld [tilespmem:s26+$0x64B0]  }
0x15f: {  	v23 =	vld [tilespmem:s26+$0x64C0]  }
0x160: {  	v24 =	vld [tilespmem:s26+$0x64D0]  }
0x161: {  	v25 =	vld [tilespmem:s26+$0x64E0]  }
0x162: {  	v26 =	vld [tilespmem:s26+$0x64F0]  }
0x163: {  	v27 =	vld [tilespmem:s26+$0x6500]  }
0x164: {  	v28 =	vld [tilespmem:s26+$0x6510]  }
0x165: {  	v29 =	vld [tilespmem:s26+$0x6520]  }
0x166: {  	v30 =	vld [tilespmem:s26+$0x6530]  }
0x167: {  	v31 =	vld [tilespmem:s26+$0x6540]  }
0x168: {  	v32 =	vld [tilespmem:s26+$0x6550]  }
0x169: {  	v33 =	vld [tilespmem:s26+$0x6560]  }
0x16a: {  	v34 =	vld [tilespmem:s26+$0x6570]  }
0x16b: {  	v35 =	vld [tilespmem:s26+$0x6580]  }
0x16c: {  	v36 =	vld [tilespmem:s26+$0x6590]  }
0x16d: {  	v37 =	vld [tilespmem:s26+$0x65A0]  }
0x16e: {  	v38 =	vld [tilespmem:s26+$0x65B0]  }
0x16f: {  	v39 =	vld [tilespmem:s26+$0x65C0]  }
0x170: {  	v40 =	vld [tilespmem:s26+$0x65D0]  }
0x171: {  	v41 =	vld [tilespmem:s26+$0x65E0]  }
0x172: {  	v42 =	vld [tilespmem:s26+$0x65F0]  }
0x173: {  	v43 =	vld [tilespmem:s26+$0x6600]  }
0x174: {  	v44 =	vld [tilespmem:s26+$0x6610]  }
0x175: {  	[tilespmem:s26+$0xCA30] =	vst.add.f32.msk $0xffff, v14  }
0x176: {  	v14 =	vld [tilespmem:s26+$0x6620]  }
0x177: {  	[tilespmem:s26+$0xC840] =	vst.add.f32.msk $0xffff, v15  }
0x178: {  	[tilespmem:s26+$0xC850] =	vst.add.f32.msk $0xffff, v16  }
0x179: {  	[tilespmem:s26+$0xC860] =	vst.add.f32.msk $0xffff, v17  }
0x17a: {  	[tilespmem:s26+$0xC870] =	vst.add.f32.msk $0xffff, v18  }
0x17b: {  	[tilespmem:s26+$0xC880] =	vst.add.f32.msk $0xffff, v19  }
0x17c: {  	[tilespmem:s26+$0xC890] =	vst.add.f32.msk $0xffff, v20  }
0x17d: {  	[tilespmem:s26+$0xC8A0] =	vst.add.f32.msk $0xffff, v21  }
0x17e: {  	[tilespmem:s26+$0xC8B0] =	vst.add.f32.msk $0xffff, v22  }
0x17f: {  	[tilespmem:s26+$0xC8C0] =	vst.add.f32.msk $0xffff, v23  }
0x180: {  	[tilespmem:s26+$0xC8D0] =	vst.add.f32.msk $0xffff, v24  }
0x181: {  	[tilespmem:s26+$0xC8E0] =	vst.add.f32.msk $0xffff, v25  }
0x182: {  	[tilespmem:s26+$0xC8F0] =	vst.add.f32.msk $0xffff, v26  }
0x183: {  	[tilespmem:s26+$0xC900] =	vst.add.f32.msk $0xffff, v27  }
0x184: {  	[tilespmem:s26+$0xC910] =	vst.add.f32.msk $0xffff, v28  }
0x185: {  	[tilespmem:s26+$0xC920] =	vst.add.f32.msk $0xffff, v29  }
0x186: {  	[tilespmem:s26+$0xC930] =	vst.add.f32.msk $0xffff, v30  }
0x187: {  	[tilespmem:s26+$0xC940] =	vst.add.f32.msk $0xffff, v31  }
0x188: {  	[tilespmem:s26+$0xC950] =	vst.add.f32.msk $0xffff, v32  }
0x189: {  	[tilespmem:s26+$0xC960] =	vst.add.f32.msk $0xffff, v33  }
0x18a: {  	[tilespmem:s26+$0xC970] =	vst.add.f32.msk $0xffff, v34  }
0x18b: {  	[tilespmem:s26+$0xC980] =	vst.add.f32.msk $0xffff, v35  }
0x18c: {  	[tilespmem:s26+$0xC990] =	vst.add.f32.msk $0xffff, v36  }
0x18d: {  	[tilespmem:s26+$0xC9A0] =	vst.add.f32.msk $0xffff, v37  }
0x18e: {  	[tilespmem:s26+$0xC9B0] =	vst.add.f32.msk $0xffff, v38  }
0x18f: {  	[tilespmem:s26+$0xC9C0] =	vst.add.f32.msk $0xffff, v39  }
0x190: {  	[tilespmem:s26+$0xC9D0] =	vst.add.f32.msk $0xffff, v40  }
0x191: {  	[tilespmem:s26+$0xC9E0] =	vst.add.f32.msk $0xffff, v41  }
0x192: {  	[tilespmem:s26+$0xC9F0] =	vst.add.f32.msk $0xffff, v42  }
0x193: {  	[tilespmem:s26+$0xCA00] =	vst.add.f32.msk $0xffff, v43  }
0x194: {  	s28 =	simm.s32 $0x0;
	s29 =	simm.s32 $0x800;
	s8 =	sadd.s32 $0xC8, s17;
	[tilespmem:s26+$0xCA10] =	vst.add.f32.msk $0xffff, v44  }
.LBB2_9:
0x195: {  	s28 =	sadd.s32 $0x8, s28;
	[tilespmem:s26+$0xCA20] =	vst.add.f32.msk $0xffff, v14;
	s26 =	sshra.s32 s29, $0x2  }
0x196: {  	v14 =	vld [tilespmem:s26+$0x6630];
	p0 =	slt.u32 s28, $0xC0  }
0x197: {  	v15 =	vld [tilespmem:s26+$0x6440]  }
0x198: {  	v16 =	vld [tilespmem:s26+$0x6450]  }
0x199: {  	v17 =	vld [tilespmem:s26+$0x6460]  }
0x19a: {  	v18 =	vld [tilespmem:s26+$0x6470]  }
0x19b: {  	[tilespmem:s26+$0xCA30] =	vst.add.f32.msk $0xffff, v14  }
0x19c: {  	v19 =	vld [tilespmem:s26+$0x6480]  }
0x19d: {  	v20 =	vld [tilespmem:s26+$0x6490]  }
0x19e: {  	v21 =	vld [tilespmem:s26+$0x64A0]  }
0x19f: {  	v22 =	vld [tilespmem:s26+$0x64B0]  }
0x1a0: {  	v23 =	vld [tilespmem:s26+$0x64C0]  }
0x1a1: {  	v24 =	vld [tilespmem:s26+$0x64D0]  }
0x1a2: {  	v25 =	vld [tilespmem:s26+$0x64E0]  }
0x1a3: {  	v26 =	vld [tilespmem:s26+$0x64F0]  }
0x1a4: {  	v27 =	vld [tilespmem:s26+$0x6500]  }
0x1a5: {  	v28 =	vld [tilespmem:s26+$0x6510]  }
0x1a6: {  	v29 =	vld [tilespmem:s26+$0x6520]  }
0x1a7: {  	v30 =	vld [tilespmem:s26+$0x6530]  }
0x1a8: {  	v31 =	vld [tilespmem:s26+$0x6540]  }
0x1a9: {  	v32 =	vld [tilespmem:s26+$0x6550]  }
0x1aa: {  	v33 =	vld [tilespmem:s26+$0x6560]  }
0x1ab: {  	v34 =	vld [tilespmem:s26+$0x6570]  }
0x1ac: {  	v35 =	vld [tilespmem:s26+$0x6580]  }
0x1ad: {  	v36 =	vld [tilespmem:s26+$0x6590]  }
0x1ae: {  	v37 =	vld [tilespmem:s26+$0x65A0]  }
0x1af: {  	v38 =	vld [tilespmem:s26+$0x65B0]  }
0x1b0: {  	v39 =	vld [tilespmem:s26+$0x65C0]  }
0x1b1: {  	v40 =	vld [tilespmem:s26+$0x65D0]  }
0x1b2: {  	v41 =	vld [tilespmem:s26+$0x65E0]  }
0x1b3: {  	v42 =	vld [tilespmem:s26+$0x65F0]  }
0x1b4: {  	v43 =	vld [tilespmem:s26+$0x6600]  }
0x1b5: {  	v44 =	vld [tilespmem:s26+$0x6610]  }
0x1b6: {  	v14 =	vld [tilespmem:s26+$0x6620]  }
0x1b7: {  	[tilespmem:s26+$0xC840] =	vst.add.f32.msk $0xffff, v15  }
0x1b8: {  	[tilespmem:s26+$0xC850] =	vst.add.f32.msk $0xffff, v16  }
0x1b9: {  	[tilespmem:s26+$0xC860] =	vst.add.f32.msk $0xffff, v17  }
0x1ba: {  	[tilespmem:s26+$0xC870] =	vst.add.f32.msk $0xffff, v18  }
0x1bb: {  	[tilespmem:s26+$0xC880] =	vst.add.f32.msk $0xffff, v19  }
0x1bc: {  	[tilespmem:s26+$0xC890] =	vst.add.f32.msk $0xffff, v20  }
0x1bd: {  	[tilespmem:s26+$0xC8A0] =	vst.add.f32.msk $0xffff, v21  }
0x1be: {  	[tilespmem:s26+$0xC8B0] =	vst.add.f32.msk $0xffff, v22  }
0x1bf: {  	[tilespmem:s26+$0xC8C0] =	vst.add.f32.msk $0xffff, v23  }
0x1c0: {  	[tilespmem:s26+$0xC8D0] =	vst.add.f32.msk $0xffff, v24  }
0x1c1: {  	[tilespmem:s26+$0xC8E0] =	vst.add.f32.msk $0xffff, v25  }
0x1c2: {  	[tilespmem:s26+$0xC8F0] =	vst.add.f32.msk $0xffff, v26  }
0x1c3: {  	[tilespmem:s26+$0xC900] =	vst.add.f32.msk $0xffff, v27  }
0x1c4: {  	[tilespmem:s26+$0xC910] =	vst.add.f32.msk $0xffff, v28  }
0x1c5: {  	[tilespmem:s26+$0xC920] =	vst.add.f32.msk $0xffff, v29  }
0x1c6: {  	[tilespmem:s26+$0xC930] =	vst.add.f32.msk $0xffff, v30  }
0x1c7: {  	[tilespmem:s26+$0xC940] =	vst.add.f32.msk $0xffff, v31  }
0x1c8: {  	[tilespmem:s26+$0xC950] =	vst.add.f32.msk $0xffff, v32  }
0x1c9: {  	[tilespmem:s26+$0xC960] =	vst.add.f32.msk $0xffff, v33  }
0x1ca: {  	[tilespmem:s26+$0xC970] =	vst.add.f32.msk $0xffff, v34  }
0x1cb: {  	[tilespmem:s26+$0xC980] =	vst.add.f32.msk $0xffff, v35  }
0x1cc: {  	[tilespmem:s26+$0xC990] =	vst.add.f32.msk $0xffff, v36  }
0x1cd: {  	[tilespmem:s26+$0xC9A0] =	vst.add.f32.msk $0xffff, v37  }
0x1ce: {  	[tilespmem:s26+$0xC9B0] =	vst.add.f32.msk $0xffff, v38  }
0x1cf: {  	[tilespmem:s26+$0xC9C0] =	vst.add.f32.msk $0xffff, v39  }
.Ltmp7:
0x1d0: {  	[tilespmem:s26+$0xC9D0] =	vst.add.f32.msk $0xffff, v40;
	(pc) =	sbr.rel @p0 .LBB2_9-.Ltmp7, $4  }
0x1d1: {  	[tilespmem:s26+$0xC9E0] =	vst.add.f32.msk $0xffff, v41  }
0x1d2: {  	[tilespmem:s26+$0xC9F0] =	vst.add.f32.msk $0xffff, v42  }
0x1d3: {  	[tilespmem:s26+$0xCA00] =	vst.add.f32.msk $0xffff, v43  }
0x1d4: {  	s29 =	sadd.s32 $0x800, s29;
	[tilespmem:s26+$0xCA10] =	vst.add.f32.msk $0xffff, v44  }
0x1d5: {  	vm0 =	vlt.s32 v11, v13  }
0x1d6: {  	v11 =	vsel vm0, v11, v13  }
0x1d7: {  	vm0 =	vlt.s32 v11, v12  }
0x1d8: {  	v11 =	vsel vm0, v11, v12  }
0x1d9: {  	vm0 =	vlt.s32 v11, v10  }
0x1da: {  	v10 =	vsel vm0, v11, v10  }
0x1db: {  	vm0 =	vlt.s32 v10, v9  }
0x1dc: {  	v9 =	vsel vm0, v10, v9  }
0x1dd: {  	vm0 =	vlt.s32 v9, v8  }
0x1de: {  	v8 =	vsel vm0, v9, v8  }
0x1df: {  	vm0 =	vlt.s32 v8, v7  }
0x1e0: {  	v7 =	vsel vm0, v8, v7  }
0x1e1: {  	vm0 =	vlt.s32 v7, v6  }
0x1e2: {  	v6 =	vsel vm0, v7, v6  }
0x1e3: {  	vm0 =	vlt.s32 v6, v5  }
0x1e4: {  	v5 =	vsel vm0, v6, v5  }
0x1e5: {  	vm0 =	vlt.s32 v5, v4  }
0x1e6: {  	v4 =	vsel vm0, v5, v4  }
0x1e7: {  	vm0 =	vlt.s32 v4, v3  }
0x1e8: {  	v3 =	vsel vm0, v4, v3  }
0x1e9: {  	vm0 =	vlt.s32 v3, v2  }
0x1ea: {  	v2 =	vsel vm0, v3, v2  }
0x1eb: {  	vm0 =	vlt.s32 v2, v1  }
0x1ec: {  	v1 =	vsel vm0, v2, v1  }
0x1ed: {  	v1 =	vxor.u32 $0x80000000, v1  }
0x1ee: {  	(xrf0) =	vmin.scan.msk.u32 $0xffff, v1;
	_ =	sdelay $0x5  }
0x1ef: {  	v1, _, _ =	vpop (xrf0)  }
0x1f0: {  	(v2sf) =	vpush v1, $0xF;
	_ =	sdelay $0xe  }
0x1f1: {  	s28 =	spop (v2sf)  }
0x1f2: {  	p0 =	sne.s32 s28, $0x80000000  }
.Ltmp8:
0x1f3: {  	_ = 	snop;
	(pc) =	sbr.rel @p0 .LBB2_14-.Ltmp8, $2  }
0x1f4: {  	_ =	sdelay $0x2  }
0x1f5: {  	[tilespmem:s26+$0xCA20] =	vst.add.f32.msk $0xffff, v14  }
0x1f6: {  	v1 =	vmov s1;
	_ =	sdelay $0x2  }
0x1f7: {  	s26 =	simm.s32 $0x0;
	v3 =	vld [tilespmem:$0x6400]  }
0x1f8: {  	v2 =	vld [tilespmem:s26+$0x6440]  }
0x1f9: {  	v1 =	vld.idx.msk [tilespmem:v1+s4+$0x0], $0xffff;
	_ =	sdelay $0x4  }
0x1fa: {  	v2 =	vsub.f32 v3, v2;
	vm0 =	veq.s32 v1, $0x0  }
0x1fb: {  	v1 =	vsel vm0, $0x3F800000, v0  }
0x1fc: {  	v2 =	vmul.f32 v2, v1  }
0x1fd: {  	v3 =	vld [tilespmem:s26+$0x6450]  }
0x1fe: {  	[tilespmem:s26+$0xC840] =	vst.add.f32.msk $0xffff, v2  }
0x1ff: {  	v2 =	vld [tilespmem:$0x6410];
	_ =	sdelay $0x4  }
0x200: {  	v2 =	vsub.f32 v2, v3;
	_ =	sdelay $0x1  }
0x201: {  	v2 =	vmul.f32 v2, v1  }
0x202: {  	v3 =	vld [tilespmem:s26+$0x6460]  }
0x203: {  	[tilespmem:s26+$0xC850] =	vst.add.f32.msk $0xffff, v2  }
0x204: {  	v2 =	vld [tilespmem:$0x6420];
	_ =	sdelay $0x4  }
0x205: {  	v2 =	vsub.f32 v2, v3;
	_ =	sdelay $0x1  }
0x206: {  	v2 =	vmul.f32 v2, v1  }
0x207: {  	v3 =	vld [tilespmem:s26+$0x6470]  }
0x208: {  	[tilespmem:s26+$0xC860] =	vst.add.f32.msk $0xffff, v2  }
0x209: {  	v4 =	vld [tilespmem:$0x6430];
	_ =	sdelay $0x3  }
0x20a: {  	s28 =	sadd.s32 $0x1, s1  }
0x20b: {  	s29 =	simm.s32 $0x100;
	s30 =	simm.s32 $0x200;
	v2 =	vmov s28;
	v3 =	vsub.f32 v4, v3  }
.LBB2_12:
0x20c: {  	p0 =	sne.s32 s30, $0xC700  }
0x20d: {  	s9 =	sshra.s32 s29, $0x2;
	s29 =	smov.u32 s30;
	v1 =	vmul.f32 v3, v1  }
0x20e: {  	v3 =	vld [tilespmem:s9+$0x6440]  }
0x20f: {  	[tilespmem:s26+$0xC870] =	vst.add.f32.msk $0xffff, v1;
	s26 =	smov.u32 s9  }
0x210: {  	v1 =	vld.idx.msk [tilespmem:v2+s4+$0x0], $0xffff  }
0x211: {  	v2 =	vld [tilespmem:$0x6400];
	_ =	sdelay $0x4  }
0x212: {  	vm0 =	veq.s32 v1, $0x0;
	v2 =	vsub.f32 v2, v3  }
0x213: {  	v1 =	vsel vm0, $0x3F800000, v0  }
0x214: {  	v2 =	vmul.f32 v2, v1  }
0x215: {  	v3 =	vld [tilespmem:s26+$0x6450]  }
0x216: {  	[tilespmem:s26+$0xC840] =	vst.add.f32.msk $0xffff, v2  }
0x217: {  	v2 =	vld [tilespmem:$0x6410];
	_ =	sdelay $0x4  }
0x218: {  	v2 =	vsub.f32 v2, v3;
	_ =	sdelay $0x1  }
0x219: {  	v2 =	vmul.f32 v2, v1  }
0x21a: {  	v3 =	vld [tilespmem:s26+$0x6460]  }
0x21b: {  	[tilespmem:s26+$0xC850] =	vst.add.f32.msk $0xffff, v2  }
0x21c: {  	v2 =	vld [tilespmem:$0x6420];
	_ =	sdelay $0x4  }
0x21d: {  	v2 =	vsub.f32 v2, v3;
	_ =	sdelay $0x1  }
0x21e: {  	v2 =	vmul.f32 v2, v1  }
0x21f: {  	v3 =	vld [tilespmem:s26+$0x6470]  }
0x220: {  	[tilespmem:s26+$0xC860] =	vst.add.f32.msk $0xffff, v2  }
0x221: {  	v4 =	vld [tilespmem:$0x6430]  }
.Ltmp9:
0x222: {  	(pc) =	sbr.rel @p0 .LBB2_12-.Ltmp9, $3  }
0x223: {  	_ =	sdelay $0x1  }
0x224: {  	s28 =	sadd.s32 $0x1, s28  }
0x225: {  	s30 =	sadd.s32 $0x100, s30;
	v2 =	vmov s28;
	v3 =	vsub.f32 v4, v3  }
0x226: {  	_ = 	snop  }
0x227: {  	s9 =	sshra.s32 s29, $0x2;
	v1 =	vmul.f32 v3, v1  }
0x228: {  	v3 =	vld [tilespmem:s9+$0x6440]  }
0x229: {  	[tilespmem:s26+$0xC870] =	vst.add.f32.msk $0xffff, v1  }
0x22a: {  	v1 =	vld.idx.msk [tilespmem:v2+s4+$0x0], $0xffff  }
0x22b: {  	v2 =	vld [tilespmem:$0x6400];
	_ =	sdelay $0x4  }
0x22c: {  	vm0 =	veq.s32 v1, $0x0;
	v1 =	vsub.f32 v2, v3  }
0x22d: {  	v2 =	vsel vm0, $0x3F800000, v0  }
0x22e: {  	v1 =	vmul.f32 v1, v2  }
0x22f: {  	v3 =	vld [tilespmem:s9+$0x6450]  }
0x230: {  	[tilespmem:s9+$0xC840] =	vst.add.f32.msk $0xffff, v1  }
0x231: {  	v1 =	vld [tilespmem:$0x6410];
	_ =	sdelay $0x4  }
0x232: {  	v1 =	vsub.f32 v1, v3;
	_ =	sdelay $0x1  }
0x233: {  	v1 =	vmul.f32 v1, v2  }
0x234: {  	v3 =	vld [tilespmem:s9+$0x6460]  }
0x235: {  	[tilespmem:s9+$0xC850] =	vst.add.f32.msk $0xffff, v1  }
0x236: {  	v1 =	vld [tilespmem:$0x6420];
	_ =	sdelay $0x4  }
0x237: {  	v1 =	vsub.f32 v1, v3;
	_ =	sdelay $0x1  }
0x238: {  	v1 =	vmul.f32 v1, v2  }
0x239: {  	v3 =	vld [tilespmem:s9+$0x6470]  }
0x23a: {  	[tilespmem:s9+$0xC860] =	vst.add.f32.msk $0xffff, v1  }
0x23b: {  	v1 =	vld [tilespmem:$0x6430];
	_ =	sdelay $0x4  }
0x23c: {  	v1 =	vsub.f32 v1, v3;
	_ =	sdelay $0x1  }
0x23d: {  	v1 =	vmul.f32 v1, v2;
	_ =	sdelay $0x1  }
0x23e: {  	[tilespmem:s9+$0xC870] =	vst.add.f32.msk $0xffff, v1  }
.LBB2_14:
0x23f: {  	s8 =	sadd.s32 s3, s8  }
0x240: {  	s8 =	sshll.u32 s8, $0x3  }
0x241: {  	s8 =	sand.u32 $0x1FFFFF40, s8  }
0x242: {  	p0 =	seq.s32 s16, $0x1F;
	s8 =	sadd.s32 s2, s8  }
0x243: {  	[hbm4b:s8+s4] =	stream.linear.scatter [tilespmem:s15], [sflag:$0x6], $0x3200, $0x38;
	[tilespmem:$0x15E40] =	vst v63  }
0x244: {  	s8 =	simm.s32 @!p0 $0x5  }
0x245: {  	_ =	swait.ge @!p0 [sflag:s8], $0x3200  }
0x246: {  	s9 =	simm.s32 @!p0 $0x80;
	[sflag:s8] =	ssyncset.done @!p0 $0x0  }
0x247: {  	s26 =	simm.s32 @!p0 $0x9640;
	[sflag:s8] =	ssyncadd.s32 @!p0 $0xFFFFCE00;
	s8 =	sadd.s32 @!p0 $0x320, s17  }
0x248: {  	[tilespmem:s26], [sflag:$0x1] =	stream.indirect.gather @!p0 [hbm4b:s5+s9], $0x40, s8, s9, $0xb8;
	[tilespmem:$0x15E40] =	vst v63  }
0x249: {  	s8 =	sadd.s32 @!p0 $0x3A0, s17;
	s9 =	simm.s32 @!p0 $0x48;
	s26 =	simm.s32 @!p0 $0xB640  }
0x24a: {  	[tilespmem:s26], [sflag:$0x1] =	stream.indirect.gather @!p0 [hbm4b:s5+s9], $0x40, s8, s9, $0xb8;
	[tilespmem:$0x15E40] =	vst v63  }
0x24b: {  	v11 =	vld [tilespmem:s17+$0x190]  }
0x24c: {  	v13 =	vld [tilespmem:s7+$0x10]  }
0x24d: {  	v12 =	vld [tilespmem:s7+$0x20]  }
0x24e: {  	v10 =	vld [tilespmem:s7+$0x30]  }
0x24f: {  	v9 =	vld [tilespmem:s7+$0x40]  }
0x250: {  	v8 =	vld [tilespmem:s7+$0x50]  }
0x251: {  	v7 =	vld [tilespmem:s7+$0x60]  }
0x252: {  	v6 =	vld [tilespmem:s7+$0x70]  }
0x253: {  	v5 =	vld [tilespmem:s7+$0x80]  }
0x254: {  	v4 =	vld [tilespmem:s7+$0x90]  }
0x255: {  	v3 =	vld [tilespmem:s7+$0xA0]  }
0x256: {  	v2 =	vld [tilespmem:s7+$0xB0]  }
0x257: {  	v1 =	vld [tilespmem:s7+$0xB8];
	_ =	swait.ge [sflag:s24], $0x2000  }
0x258: {  	[sflag:s24] =	ssyncset.done $0x0  }
0x259: {  	[sflag:s24] =	ssyncadd.s32 $0xFFFFE000  }
0x25a: {  	_ =	swait.ge [sflag:s24], $0x1200  }
0x25b: {  	[sflag:s24] =	ssyncset.done $0x0  }
0x25c: {  	s8 =	simm.s32 $0x0;
	[sflag:s24] =	ssyncadd.s32 $0xFFFFEE00  }
0x25d: {  	v14 =	vld [tilespmem:s8+$0x6630]  }
0x25e: {  	v15 =	vld [tilespmem:s8+$0x6440]  }
0x25f: {  	v16 =	vld [tilespmem:s8+$0x6450]  }
0x260: {  	v17 =	vld [tilespmem:s8+$0x6460]  }
0x261: {  	v18 =	vld [tilespmem:s8+$0x6470]  }
0x262: {  	v19 =	vld [tilespmem:s8+$0x6480]  }
0x263: {  	v20 =	vld [tilespmem:s8+$0x6490]  }
0x264: {  	v21 =	vld [tilespmem:s8+$0x64A0]  }
0x265: {  	v22 =	vld [tilespmem:s8+$0x64B0]  }
0x266: {  	v23 =	vld [tilespmem:s8+$0x64C0]  }
0x267: {  	v24 =	vld [tilespmem:s8+$0x64D0]  }
0x268: {  	v25 =	vld [tilespmem:s8+$0x64E0]  }
0x269: {  	v26 =	vld [tilespmem:s8+$0x64F0]  }
0x26a: {  	v27 =	vld [tilespmem:s8+$0x6500]  }
0x26b: {  	v28 =	vld [tilespmem:s8+$0x6510]  }
0x26c: {  	v29 =	vld [tilespmem:s8+$0x6520]  }
0x26d: {  	v30 =	vld [tilespmem:s8+$0x6530]  }
0x26e: {  	v31 =	vld [tilespmem:s8+$0x6540]  }
0x26f: {  	v32 =	vld [tilespmem:s8+$0x6550]  }
0x270: {  	v33 =	vld [tilespmem:s8+$0x6560]  }
0x271: {  	v34 =	vld [tilespmem:s8+$0x6570]  }
0x272: {  	v35 =	vld [tilespmem:s8+$0x6580]  }
0x273: {  	v36 =	vld [tilespmem:s8+$0x6590]  }
0x274: {  	v37 =	vld [tilespmem:s8+$0x65A0]  }
0x275: {  	v38 =	vld [tilespmem:s8+$0x65B0]  }
0x276: {  	v39 =	vld [tilespmem:s8+$0x65C0]  }
0x277: {  	v40 =	vld [tilespmem:s8+$0x65D0]  }
0x278: {  	v41 =	vld [tilespmem:s8+$0x65E0]  }
0x279: {  	v42 =	vld [tilespmem:s8+$0x65F0]  }
0x27a: {  	v43 =	vld [tilespmem:s8+$0x6600]  }
0x27b: {  	v44 =	vld [tilespmem:s8+$0x6610]  }
0x27c: {  	[tilespmem:s8+$0xFC30] =	vst.add.f32.msk $0xffff, v14  }
0x27d: {  	v14 =	vld [tilespmem:s8+$0x6620]  }
0x27e: {  	[tilespmem:s8+$0xFA40] =	vst.add.f32.msk $0xffff, v15  }
0x27f: {  	[tilespmem:s8+$0xFA50] =	vst.add.f32.msk $0xffff, v16  }
0x280: {  	[tilespmem:s8+$0xFA60] =	vst.add.f32.msk $0xffff, v17  }
0x281: {  	[tilespmem:s8+$0xFA70] =	vst.add.f32.msk $0xffff, v18  }
0x282: {  	[tilespmem:s8+$0xFA80] =	vst.add.f32.msk $0xffff, v19  }
0x283: {  	[tilespmem:s8+$0xFA90] =	vst.add.f32.msk $0xffff, v20  }
0x284: {  	[tilespmem:s8+$0xFAA0] =	vst.add.f32.msk $0xffff, v21  }
0x285: {  	[tilespmem:s8+$0xFAB0] =	vst.add.f32.msk $0xffff, v22  }
0x286: {  	[tilespmem:s8+$0xFAC0] =	vst.add.f32.msk $0xffff, v23  }
0x287: {  	[tilespmem:s8+$0xFAD0] =	vst.add.f32.msk $0xffff, v24  }
0x288: {  	[tilespmem:s8+$0xFAE0] =	vst.add.f32.msk $0xffff, v25  }
0x289: {  	[tilespmem:s8+$0xFAF0] =	vst.add.f32.msk $0xffff, v26  }
0x28a: {  	[tilespmem:s8+$0xFB00] =	vst.add.f32.msk $0xffff, v27  }
0x28b: {  	[tilespmem:s8+$0xFB10] =	vst.add.f32.msk $0xffff, v28  }
0x28c: {  	[tilespmem:s8+$0xFB20] =	vst.add.f32.msk $0xffff, v29  }
0x28d: {  	[tilespmem:s8+$0xFB30] =	vst.add.f32.msk $0xffff, v30  }
0x28e: {  	[tilespmem:s8+$0xFB40] =	vst.add.f32.msk $0xffff, v31  }
0x28f: {  	[tilespmem:s8+$0xFB50] =	vst.add.f32.msk $0xffff, v32  }
0x290: {  	[tilespmem:s8+$0xFB60] =	vst.add.f32.msk $0xffff, v33  }
0x291: {  	[tilespmem:s8+$0xFB70] =	vst.add.f32.msk $0xffff, v34  }
0x292: {  	[tilespmem:s8+$0xFB80] =	vst.add.f32.msk $0xffff, v35  }
0x293: {  	[tilespmem:s8+$0xFB90] =	vst.add.f32.msk $0xffff, v36  }
0x294: {  	[tilespmem:s8+$0xFBA0] =	vst.add.f32.msk $0xffff, v37  }
0x295: {  	[tilespmem:s8+$0xFBB0] =	vst.add.f32.msk $0xffff, v38  }
0x296: {  	[tilespmem:s8+$0xFBC0] =	vst.add.f32.msk $0xffff, v39  }
0x297: {  	[tilespmem:s8+$0xFBD0] =	vst.add.f32.msk $0xffff, v40  }
0x298: {  	[tilespmem:s8+$0xFBE0] =	vst.add.f32.msk $0xffff, v41  }
0x299: {  	[tilespmem:s8+$0xFBF0] =	vst.add.f32.msk $0xffff, v42  }
0x29a: {  	[tilespmem:s8+$0xFC00] =	vst.add.f32.msk $0xffff, v43  }
0x29b: {  	s28 =	simm.s32 $0x800;
	s26 =	simm.s32 $0x0;
	[tilespmem:s8+$0xFC10] =	vst.add.f32.msk $0xffff, v44  }
.LBB2_15:
0x29c: {  	s26 =	sadd.s32 $0x8, s26;
	[tilespmem:s8+$0xFC20] =	vst.add.f32.msk $0xffff, v14;
	s8 =	sshra.s32 s28, $0x2  }
0x29d: {  	v14 =	vld [tilespmem:s8+$0x6630];
	p1 =	slt.u32 s26, $0xC0  }
0x29e: {  	v15 =	vld [tilespmem:s8+$0x6440]  }
0x29f: {  	v16 =	vld [tilespmem:s8+$0x6450]  }
0x2a0: {  	v17 =	vld [tilespmem:s8+$0x6460]  }
0x2a1: {  	v18 =	vld [tilespmem:s8+$0x6470]  }
0x2a2: {  	[tilespmem:s8+$0xFC30] =	vst.add.f32.msk $0xffff, v14  }
0x2a3: {  	v19 =	vld [tilespmem:s8+$0x6480]  }
0x2a4: {  	v20 =	vld [tilespmem:s8+$0x6490]  }
0x2a5: {  	v21 =	vld [tilespmem:s8+$0x64A0]  }
0x2a6: {  	v22 =	vld [tilespmem:s8+$0x64B0]  }
0x2a7: {  	v23 =	vld [tilespmem:s8+$0x64C0]  }
0x2a8: {  	v24 =	vld [tilespmem:s8+$0x64D0]  }
0x2a9: {  	v25 =	vld [tilespmem:s8+$0x64E0]  }
0x2aa: {  	v26 =	vld [tilespmem:s8+$0x64F0]  }
0x2ab: {  	v27 =	vld [tilespmem:s8+$0x6500]  }
0x2ac: {  	v28 =	vld [tilespmem:s8+$0x6510]  }
0x2ad: {  	v29 =	vld [tilespmem:s8+$0x6520]  }
0x2ae: {  	v30 =	vld [tilespmem:s8+$0x6530]  }
0x2af: {  	v31 =	vld [tilespmem:s8+$0x6540]  }
0x2b0: {  	v32 =	vld [tilespmem:s8+$0x6550]  }
0x2b1: {  	v33 =	vld [tilespmem:s8+$0x6560]  }
0x2b2: {  	v34 =	vld [tilespmem:s8+$0x6570]  }
0x2b3: {  	v35 =	vld [tilespmem:s8+$0x6580]  }
0x2b4: {  	v36 =	vld [tilespmem:s8+$0x6590]  }
0x2b5: {  	v37 =	vld [tilespmem:s8+$0x65A0]  }
0x2b6: {  	v38 =	vld [tilespmem:s8+$0x65B0]  }
0x2b7: {  	v39 =	vld [tilespmem:s8+$0x65C0]  }
0x2b8: {  	v40 =	vld [tilespmem:s8+$0x65D0]  }
0x2b9: {  	v41 =	vld [tilespmem:s8+$0x65E0]  }
0x2ba: {  	v42 =	vld [tilespmem:s8+$0x65F0]  }
0x2bb: {  	v43 =	vld [tilespmem:s8+$0x6600]  }
0x2bc: {  	v44 =	vld [tilespmem:s8+$0x6610]  }
0x2bd: {  	v14 =	vld [tilespmem:s8+$0x6620]  }
0x2be: {  	[tilespmem:s8+$0xFA40] =	vst.add.f32.msk $0xffff, v15  }
0x2bf: {  	[tilespmem:s8+$0xFA50] =	vst.add.f32.msk $0xffff, v16  }
0x2c0: {  	[tilespmem:s8+$0xFA60] =	vst.add.f32.msk $0xffff, v17  }
0x2c1: {  	[tilespmem:s8+$0xFA70] =	vst.add.f32.msk $0xffff, v18  }
0x2c2: {  	[tilespmem:s8+$0xFA80] =	vst.add.f32.msk $0xffff, v19  }
0x2c3: {  	[tilespmem:s8+$0xFA90] =	vst.add.f32.msk $0xffff, v20  }
0x2c4: {  	[tilespmem:s8+$0xFAA0] =	vst.add.f32.msk $0xffff, v21  }
0x2c5: {  	[tilespmem:s8+$0xFAB0] =	vst.add.f32.msk $0xffff, v22  }
0x2c6: {  	[tilespmem:s8+$0xFAC0] =	vst.add.f32.msk $0xffff, v23  }
0x2c7: {  	[tilespmem:s8+$0xFAD0] =	vst.add.f32.msk $0xffff, v24  }
0x2c8: {  	[tilespmem:s8+$0xFAE0] =	vst.add.f32.msk $0xffff, v25  }
0x2c9: {  	[tilespmem:s8+$0xFAF0] =	vst.add.f32.msk $0xffff, v26  }
0x2ca: {  	[tilespmem:s8+$0xFB00] =	vst.add.f32.msk $0xffff, v27  }
0x2cb: {  	[tilespmem:s8+$0xFB10] =	vst.add.f32.msk $0xffff, v28  }
0x2cc: {  	[tilespmem:s8+$0xFB20] =	vst.add.f32.msk $0xffff, v29  }
0x2cd: {  	[tilespmem:s8+$0xFB30] =	vst.add.f32.msk $0xffff, v30  }
0x2ce: {  	[tilespmem:s8+$0xFB40] =	vst.add.f32.msk $0xffff, v31  }
0x2cf: {  	[tilespmem:s8+$0xFB50] =	vst.add.f32.msk $0xffff, v32  }
0x2d0: {  	[tilespmem:s8+$0xFB60] =	vst.add.f32.msk $0xffff, v33  }
0x2d1: {  	[tilespmem:s8+$0xFB70] =	vst.add.f32.msk $0xffff, v34  }
0x2d2: {  	[tilespmem:s8+$0xFB80] =	vst.add.f32.msk $0xffff, v35  }
0x2d3: {  	[tilespmem:s8+$0xFB90] =	vst.add.f32.msk $0xffff, v36  }
0x2d4: {  	[tilespmem:s8+$0xFBA0] =	vst.add.f32.msk $0xffff, v37  }
0x2d5: {  	[tilespmem:s8+$0xFBB0] =	vst.add.f32.msk $0xffff, v38  }
0x2d6: {  	[tilespmem:s8+$0xFBC0] =	vst.add.f32.msk $0xffff, v39  }
.Ltmp10:
0x2d7: {  	[tilespmem:s8+$0xFBD0] =	vst.add.f32.msk $0xffff, v40;
	(pc) =	sbr.rel @p1 .LBB2_15-.Ltmp10, $4  }
0x2d8: {  	[tilespmem:s8+$0xFBE0] =	vst.add.f32.msk $0xffff, v41  }
0x2d9: {  	[tilespmem:s8+$0xFBF0] =	vst.add.f32.msk $0xffff, v42  }
0x2da: {  	[tilespmem:s8+$0xFC00] =	vst.add.f32.msk $0xffff, v43  }
0x2db: {  	s28 =	sadd.s32 $0x800, s28;
	[tilespmem:s8+$0xFC10] =	vst.add.f32.msk $0xffff, v44  }
0x2dc: {  	vm0 =	vlt.s32 v11, v13  }
0x2dd: {  	v11 =	vsel vm0, v11, v13  }
0x2de: {  	vm0 =	vlt.s32 v11, v12  }
0x2df: {  	v11 =	vsel vm0, v11, v12  }
0x2e0: {  	vm0 =	vlt.s32 v11, v10  }
0x2e1: {  	v10 =	vsel vm0, v11, v10  }
0x2e2: {  	vm0 =	vlt.s32 v10, v9  }
0x2e3: {  	v9 =	vsel vm0, v10, v9  }
0x2e4: {  	vm0 =	vlt.s32 v9, v8  }
0x2e5: {  	v8 =	vsel vm0, v9, v8  }
0x2e6: {  	vm0 =	vlt.s32 v8, v7  }
0x2e7: {  	v7 =	vsel vm0, v8, v7  }
0x2e8: {  	vm0 =	vlt.s32 v7, v6  }
0x2e9: {  	v6 =	vsel vm0, v7, v6  }
0x2ea: {  	vm0 =	vlt.s32 v6, v5  }
0x2eb: {  	v5 =	vsel vm0, v6, v5  }
0x2ec: {  	vm0 =	vlt.s32 v5, v4  }
0x2ed: {  	v4 =	vsel vm0, v5, v4  }
0x2ee: {  	vm0 =	vlt.s32 v4, v3  }
0x2ef: {  	v3 =	vsel vm0, v4, v3  }
0x2f0: {  	vm0 =	vlt.s32 v3, v2  }
0x2f1: {  	v2 =	vsel vm0, v3, v2  }
0x2f2: {  	vm0 =	vlt.s32 v2, v1  }
0x2f3: {  	v1 =	vsel vm0, v2, v1  }
0x2f4: {  	v1 =	vxor.u32 $0x80000000, v1  }
0x2f5: {  	(xrf0) =	vmin.scan.msk.u32 $0xffff, v1;
	_ =	sdelay $0x5  }
0x2f6: {  	v1, _, _ =	vpop (xrf0)  }
0x2f7: {  	(v2sf) =	vpush v1, $0xF;
	_ =	sdelay $0xe  }
0x2f8: {  	s9 =	spop (v2sf)  }
0x2f9: {  	p1 =	sne.s32 s9, $0x80000000  }
.Ltmp11:
0x2fa: {  	_ = 	snop;
	(pc) =	sbr.rel @p1 .LBB2_20-.Ltmp11, $2  }
0x2fb: {  	_ =	sdelay $0x2  }
0x2fc: {  	[tilespmem:s8+$0xFC20] =	vst.add.f32.msk $0xffff, v14  }
0x2fd: {  	v1 =	vmov s0;
	_ =	sdelay $0x2  }
0x2fe: {  	s8 =	simm.s32 $0x0;
	v3 =	vld [tilespmem:$0x6400]  }
0x2ff: {  	v2 =	vld [tilespmem:s8+$0x6440]  }
0x300: {  	v1 =	vld.idx.msk [tilespmem:v1+s4+$0x0], $0xffff;
	_ =	sdelay $0x4  }
0x301: {  	v2 =	vsub.f32 v3, v2;
	vm0 =	veq.s32 v1, $0x0  }
0x302: {  	v1 =	vsel vm0, $0x3F800000, v0  }
0x303: {  	v2 =	vmul.f32 v2, v1  }
0x304: {  	v3 =	vld [tilespmem:s8+$0x6450]  }
0x305: {  	[tilespmem:s8+$0xFA40] =	vst.add.f32.msk $0xffff, v2  }
0x306: {  	v2 =	vld [tilespmem:$0x6410];
	_ =	sdelay $0x4  }
0x307: {  	v2 =	vsub.f32 v2, v3;
	_ =	sdelay $0x1  }
0x308: {  	v2 =	vmul.f32 v2, v1  }
0x309: {  	v3 =	vld [tilespmem:s8+$0x6460]  }
0x30a: {  	[tilespmem:s8+$0xFA50] =	vst.add.f32.msk $0xffff, v2  }
0x30b: {  	v2 =	vld [tilespmem:$0x6420];
	_ =	sdelay $0x4  }
0x30c: {  	v2 =	vsub.f32 v2, v3;
	_ =	sdelay $0x1  }
0x30d: {  	v2 =	vmul.f32 v2, v1  }
0x30e: {  	v3 =	vld [tilespmem:s8+$0x6470]  }
0x30f: {  	[tilespmem:s8+$0xFA60] =	vst.add.f32.msk $0xffff, v2  }
0x310: {  	v4 =	vld [tilespmem:$0x6430];
	_ =	sdelay $0x3  }
0x311: {  	s26 =	sadd.s32 $0x1, s0  }
0x312: {  	s28 =	simm.s32 $0x100;
	s29 =	simm.s32 $0x200;
	v2 =	vmov s26;
	v3 =	vsub.f32 v4, v3  }
.LBB2_18:
0x313: {  	p1 =	sne.s32 s29, $0xC700  }
0x314: {  	s9 =	sshra.s32 s28, $0x2;
	s28 =	smov.u32 s29;
	v1 =	vmul.f32 v3, v1  }
0x315: {  	v3 =	vld [tilespmem:s9+$0x6440]  }
0x316: {  	[tilespmem:s8+$0xFA70] =	vst.add.f32.msk $0xffff, v1;
	s8 =	smov.u32 s9  }
0x317: {  	v1 =	vld.idx.msk [tilespmem:v2+s4+$0x0], $0xffff  }
0x318: {  	v2 =	vld [tilespmem:$0x6400];
	_ =	sdelay $0x4  }
0x319: {  	vm0 =	veq.s32 v1, $0x0;
	v2 =	vsub.f32 v2, v3  }
0x31a: {  	v1 =	vsel vm0, $0x3F800000, v0  }
0x31b: {  	v2 =	vmul.f32 v2, v1  }
0x31c: {  	v3 =	vld [tilespmem:s8+$0x6450]  }
0x31d: {  	[tilespmem:s8+$0xFA40] =	vst.add.f32.msk $0xffff, v2  }
0x31e: {  	v2 =	vld [tilespmem:$0x6410];
	_ =	sdelay $0x4  }
0x31f: {  	v2 =	vsub.f32 v2, v3;
	_ =	sdelay $0x1  }
0x320: {  	v2 =	vmul.f32 v2, v1  }
0x321: {  	v3 =	vld [tilespmem:s8+$0x6460]  }
0x322: {  	[tilespmem:s8+$0xFA50] =	vst.add.f32.msk $0xffff, v2  }
0x323: {  	v2 =	vld [tilespmem:$0x6420];
	_ =	sdelay $0x4  }
0x324: {  	v2 =	vsub.f32 v2, v3;
	_ =	sdelay $0x1  }
0x325: {  	v2 =	vmul.f32 v2, v1  }
0x326: {  	v3 =	vld [tilespmem:s8+$0x6470]  }
0x327: {  	[tilespmem:s8+$0xFA60] =	vst.add.f32.msk $0xffff, v2  }
0x328: {  	v4 =	vld [tilespmem:$0x6430]  }
.Ltmp12:
0x329: {  	(pc) =	sbr.rel @p1 .LBB2_18-.Ltmp12, $3  }
0x32a: {  	_ =	sdelay $0x1  }
0x32b: {  	s26 =	sadd.s32 $0x1, s26  }
0x32c: {  	s29 =	sadd.s32 $0x100, s29;
	v2 =	vmov s26;
	v3 =	vsub.f32 v4, v3  }
0x32d: {  	_ = 	snop  }
0x32e: {  	s9 =	sshra.s32 s28, $0x2;
	v1 =	vmul.f32 v3, v1  }
0x32f: {  	v3 =	vld [tilespmem:s9+$0x6440]  }
0x330: {  	[tilespmem:s8+$0xFA70] =	vst.add.f32.msk $0xffff, v1  }
0x331: {  	v1 =	vld.idx.msk [tilespmem:v2+s4+$0x0], $0xffff  }
0x332: {  	v2 =	vld [tilespmem:$0x6400];
	_ =	sdelay $0x4  }
0x333: {  	vm0 =	veq.s32 v1, $0x0;
	v1 =	vsub.f32 v2, v3  }
0x334: {  	v2 =	vsel vm0, $0x3F800000, v0  }
0x335: {  	v1 =	vmul.f32 v1, v2  }
0x336: {  	v3 =	vld [tilespmem:s9+$0x6450]  }
0x337: {  	[tilespmem:s9+$0xFA40] =	vst.add.f32.msk $0xffff, v1  }
0x338: {  	v1 =	vld [tilespmem:$0x6410];
	_ =	sdelay $0x4  }
0x339: {  	v1 =	vsub.f32 v1, v3;
	_ =	sdelay $0x1  }
0x33a: {  	v1 =	vmul.f32 v1, v2  }
0x33b: {  	v3 =	vld [tilespmem:s9+$0x6460]  }
0x33c: {  	[tilespmem:s9+$0xFA50] =	vst.add.f32.msk $0xffff, v1  }
0x33d: {  	v1 =	vld [tilespmem:$0x6420];
	_ =	sdelay $0x4  }
0x33e: {  	v1 =	vsub.f32 v1, v3;
	_ =	sdelay $0x1  }
0x33f: {  	v1 =	vmul.f32 v1, v2  }
0x340: {  	v3 =	vld [tilespmem:s9+$0x6470]  }
0x341: {  	[tilespmem:s9+$0xFA60] =	vst.add.f32.msk $0xffff, v1  }
0x342: {  	v1 =	vld [tilespmem:$0x6430];
	_ =	sdelay $0x4  }
0x343: {  	v1 =	vsub.f32 v1, v3;
	_ =	sdelay $0x1  }
0x344: {  	v1 =	vmul.f32 v1, v2;
	_ =	sdelay $0x1  }
0x345: {  	[tilespmem:s9+$0xFA70] =	vst.add.f32.msk $0xffff, v1  }
.LBB2_20:
0x346: {  	s7 =	sadd.s32 s3, s7  }
0x347: {  	s7 =	sshll.u32 s7, $0x3  }
0x348: {  	s7 =	sand.u32 $0x1FFFFF80, s7  }
0x349: {  	s7 =	sadd.s32 s2, s7  }
0x34a: {  	[hbm4b:s7+s4] =	stream.linear.scatter [tilespmem:s18], [sflag:$0x7], $0x3200, $0x38;
	[tilespmem:$0x15E40] =	vst v63  }
0x34b: {  	s7 =	simm.s32 @!p0 $0x6  }
0x34c: {  	_ =	swait.ge @!p0 [sflag:s7], $0x3200  }
0x34d: {  	s8 =	simm.s32 @!p0 $0x80;
	[sflag:s7] =	ssyncset.done @!p0 $0x0  }
0x34e: {  	s9 =	simm.s32 @!p0 $0xC840;
	[sflag:s7] =	ssyncadd.s32 @!p0 $0xFFFFCE00;
	s7 =	sadd.s32 @!p0 $0x3E8, s17  }
0x34f: {  	[tilespmem:s9], [sflag:$0x2] =	stream.indirect.gather @!p0 [hbm4b:s5+s8], $0x40, s7, s8, $0xb8;
	[tilespmem:$0x15E40] =	vst v63  }
0x350: {  	s7 =	sadd.s32 @!p0 $0x468, s17;
	s8 =	simm.s32 @!p0 $0x48;
	s9 =	simm.s32 @!p0 $0xE840  }
0x351: {  	[tilespmem:s9], [sflag:$0x2] =	stream.indirect.gather @!p0 [hbm4b:s5+s8], $0x40, s7, s8, $0xb8;
	[tilespmem:$0x15E40] =	vst v63  }
0x352: {  	v11 =	vld [tilespmem:s17+$0x258]  }
0x353: {  	v13 =	vld [tilespmem:s6+$0x10]  }
0x354: {  	v12 =	vld [tilespmem:s6+$0x20]  }
0x355: {  	v10 =	vld [tilespmem:s6+$0x30]  }
0x356: {  	v9 =	vld [tilespmem:s6+$0x40]  }
0x357: {  	v8 =	vld [tilespmem:s6+$0x50]  }
0x358: {  	v7 =	vld [tilespmem:s6+$0x60]  }
0x359: {  	v6 =	vld [tilespmem:s6+$0x70]  }
0x35a: {  	v5 =	vld [tilespmem:s6+$0x80]  }
0x35b: {  	v4 =	vld [tilespmem:s6+$0x90]  }
0x35c: {  	v3 =	vld [tilespmem:s6+$0xA0]  }
0x35d: {  	v2 =	vld [tilespmem:s6+$0xB0]  }
0x35e: {  	v1 =	vld [tilespmem:s6+$0xB8];
	_ =	swait.ge [sflag:s25], $0x2000  }
0x35f: {  	[sflag:s25] =	ssyncset.done $0x0  }
0x360: {  	[sflag:s25] =	ssyncadd.s32 $0xFFFFE000  }
0x361: {  	_ =	swait.ge [sflag:s25], $0x1200  }
0x362: {  	[sflag:s25] =	ssyncset.done $0x0  }
0x363: {  	s7 =	simm.s32 $0x0;
	[sflag:s25] =	ssyncadd.s32 $0xFFFFEE00  }
0x364: {  	v14 =	vld [tilespmem:s7+$0x6630]  }
0x365: {  	v15 =	vld [tilespmem:s7+$0x6440]  }
0x366: {  	v16 =	vld [tilespmem:s7+$0x6450]  }
0x367: {  	v17 =	vld [tilespmem:s7+$0x6460]  }
0x368: {  	v18 =	vld [tilespmem:s7+$0x6470]  }
0x369: {  	v19 =	vld [tilespmem:s7+$0x6480]  }
0x36a: {  	v20 =	vld [tilespmem:s7+$0x6490]  }
0x36b: {  	v21 =	vld [tilespmem:s7+$0x64A0]  }
0x36c: {  	v22 =	vld [tilespmem:s7+$0x64B0]  }
0x36d: {  	v23 =	vld [tilespmem:s7+$0x64C0]  }
0x36e: {  	v24 =	vld [tilespmem:s7+$0x64D0]  }
0x36f: {  	v25 =	vld [tilespmem:s7+$0x64E0]  }
0x370: {  	v26 =	vld [tilespmem:s7+$0x64F0]  }
0x371: {  	v27 =	vld [tilespmem:s7+$0x6500]  }
0x372: {  	v28 =	vld [tilespmem:s7+$0x6510]  }
0x373: {  	v29 =	vld [tilespmem:s7+$0x6520]  }
0x374: {  	v30 =	vld [tilespmem:s7+$0x6530]  }
0x375: {  	v31 =	vld [tilespmem:s7+$0x6540]  }
0x376: {  	v32 =	vld [tilespmem:s7+$0x6550]  }
0x377: {  	v33 =	vld [tilespmem:s7+$0x6560]  }
0x378: {  	v34 =	vld [tilespmem:s7+$0x6570]  }
0x379: {  	v35 =	vld [tilespmem:s7+$0x6580]  }
0x37a: {  	v36 =	vld [tilespmem:s7+$0x6590]  }
0x37b: {  	v37 =	vld [tilespmem:s7+$0x65A0]  }
0x37c: {  	v38 =	vld [tilespmem:s7+$0x65B0]  }
0x37d: {  	v39 =	vld [tilespmem:s7+$0x65C0]  }
0x37e: {  	v40 =	vld [tilespmem:s7+$0x65D0]  }
0x37f: {  	v41 =	vld [tilespmem:s7+$0x65E0]  }
0x380: {  	v42 =	vld [tilespmem:s7+$0x65F0]  }
0x381: {  	v43 =	vld [tilespmem:s7+$0x6600]  }
0x382: {  	v44 =	vld [tilespmem:s7+$0x6610]  }
0x383: {  	[tilespmem:s7+$0x12E30] =	vst.add.f32.msk $0xffff, v14  }
0x384: {  	v14 =	vld [tilespmem:s7+$0x6620]  }
0x385: {  	[tilespmem:s7+$0x12C40] =	vst.add.f32.msk $0xffff, v15  }
0x386: {  	[tilespmem:s7+$0x12C50] =	vst.add.f32.msk $0xffff, v16  }
0x387: {  	[tilespmem:s7+$0x12C60] =	vst.add.f32.msk $0xffff, v17  }
0x388: {  	[tilespmem:s7+$0x12C70] =	vst.add.f32.msk $0xffff, v18  }
0x389: {  	[tilespmem:s7+$0x12C80] =	vst.add.f32.msk $0xffff, v19  }
0x38a: {  	[tilespmem:s7+$0x12C90] =	vst.add.f32.msk $0xffff, v20  }
0x38b: {  	[tilespmem:s7+$0x12CA0] =	vst.add.f32.msk $0xffff, v21  }
0x38c: {  	[tilespmem:s7+$0x12CB0] =	vst.add.f32.msk $0xffff, v22  }
0x38d: {  	[tilespmem:s7+$0x12CC0] =	vst.add.f32.msk $0xffff, v23  }
0x38e: {  	[tilespmem:s7+$0x12CD0] =	vst.add.f32.msk $0xffff, v24  }
0x38f: {  	[tilespmem:s7+$0x12CE0] =	vst.add.f32.msk $0xffff, v25  }
0x390: {  	[tilespmem:s7+$0x12CF0] =	vst.add.f32.msk $0xffff, v26  }
0x391: {  	[tilespmem:s7+$0x12D00] =	vst.add.f32.msk $0xffff, v27  }
0x392: {  	[tilespmem:s7+$0x12D10] =	vst.add.f32.msk $0xffff, v28  }
0x393: {  	[tilespmem:s7+$0x12D20] =	vst.add.f32.msk $0xffff, v29  }
0x394: {  	[tilespmem:s7+$0x12D30] =	vst.add.f32.msk $0xffff, v30  }
0x395: {  	[tilespmem:s7+$0x12D40] =	vst.add.f32.msk $0xffff, v31  }
0x396: {  	[tilespmem:s7+$0x12D50] =	vst.add.f32.msk $0xffff, v32  }
0x397: {  	[tilespmem:s7+$0x12D60] =	vst.add.f32.msk $0xffff, v33  }
0x398: {  	[tilespmem:s7+$0x12D70] =	vst.add.f32.msk $0xffff, v34  }
0x399: {  	[tilespmem:s7+$0x12D80] =	vst.add.f32.msk $0xffff, v35  }
0x39a: {  	[tilespmem:s7+$0x12D90] =	vst.add.f32.msk $0xffff, v36  }
0x39b: {  	[tilespmem:s7+$0x12DA0] =	vst.add.f32.msk $0xffff, v37  }
0x39c: {  	[tilespmem:s7+$0x12DB0] =	vst.add.f32.msk $0xffff, v38  }
0x39d: {  	[tilespmem:s7+$0x12DC0] =	vst.add.f32.msk $0xffff, v39  }
0x39e: {  	[tilespmem:s7+$0x12DD0] =	vst.add.f32.msk $0xffff, v40  }
0x39f: {  	[tilespmem:s7+$0x12DE0] =	vst.add.f32.msk $0xffff, v41  }
0x3a0: {  	[tilespmem:s7+$0x12DF0] =	vst.add.f32.msk $0xffff, v42  }
0x3a1: {  	[tilespmem:s7+$0x12E00] =	vst.add.f32.msk $0xffff, v43  }
0x3a2: {  	s8 =	simm.s32 $0x0;
	s17 =	simm.s32 $0x800;
	[tilespmem:s7+$0x12E10] =	vst.add.f32.msk $0xffff, v44  }
.LBB2_21:
0x3a3: {  	s8 =	sadd.s32 $0x8, s8;
	[tilespmem:s7+$0x12E20] =	vst.add.f32.msk $0xffff, v14;
	s7 =	sshra.s32 s17, $0x2  }
0x3a4: {  	v14 =	vld [tilespmem:s7+$0x6630];
	p0 =	slt.u32 s8, $0xC0  }
0x3a5: {  	v15 =	vld [tilespmem:s7+$0x6440]  }
0x3a6: {  	v16 =	vld [tilespmem:s7+$0x6450]  }
0x3a7: {  	v17 =	vld [tilespmem:s7+$0x6460]  }
0x3a8: {  	v18 =	vld [tilespmem:s7+$0x6470]  }
0x3a9: {  	[tilespmem:s7+$0x12E30] =	vst.add.f32.msk $0xffff, v14  }
0x3aa: {  	v19 =	vld [tilespmem:s7+$0x6480]  }
0x3ab: {  	v20 =	vld [tilespmem:s7+$0x6490]  }
0x3ac: {  	v21 =	vld [tilespmem:s7+$0x64A0]  }
0x3ad: {  	v22 =	vld [tilespmem:s7+$0x64B0]  }
0x3ae: {  	v23 =	vld [tilespmem:s7+$0x64C0]  }
0x3af: {  	v24 =	vld [tilespmem:s7+$0x64D0]  }
0x3b0: {  	v25 =	vld [tilespmem:s7+$0x64E0]  }
0x3b1: {  	v26 =	vld [tilespmem:s7+$0x64F0]  }
0x3b2: {  	v27 =	vld [tilespmem:s7+$0x6500]  }
0x3b3: {  	v28 =	vld [tilespmem:s7+$0x6510]  }
0x3b4: {  	v29 =	vld [tilespmem:s7+$0x6520]  }
0x3b5: {  	v30 =	vld [tilespmem:s7+$0x6530]  }
0x3b6: {  	v31 =	vld [tilespmem:s7+$0x6540]  }
0x3b7: {  	v32 =	vld [tilespmem:s7+$0x6550]  }
0x3b8: {  	v33 =	vld [tilespmem:s7+$0x6560]  }
0x3b9: {  	v34 =	vld [tilespmem:s7+$0x6570]  }
0x3ba: {  	v35 =	vld [tilespmem:s7+$0x6580]  }
0x3bb: {  	v36 =	vld [tilespmem:s7+$0x6590]  }
0x3bc: {  	v37 =	vld [tilespmem:s7+$0x65A0]  }
0x3bd: {  	v38 =	vld [tilespmem:s7+$0x65B0]  }
0x3be: {  	v39 =	vld [tilespmem:s7+$0x65C0]  }
0x3bf: {  	v40 =	vld [tilespmem:s7+$0x65D0]  }
0x3c0: {  	v41 =	vld [tilespmem:s7+$0x65E0]  }
0x3c1: {  	v42 =	vld [tilespmem:s7+$0x65F0]  }
0x3c2: {  	v43 =	vld [tilespmem:s7+$0x6600]  }
0x3c3: {  	v44 =	vld [tilespmem:s7+$0x6610]  }
0x3c4: {  	v14 =	vld [tilespmem:s7+$0x6620]  }
0x3c5: {  	[tilespmem:s7+$0x12C40] =	vst.add.f32.msk $0xffff, v15  }
0x3c6: {  	[tilespmem:s7+$0x12C50] =	vst.add.f32.msk $0xffff, v16  }
0x3c7: {  	[tilespmem:s7+$0x12C60] =	vst.add.f32.msk $0xffff, v17  }
0x3c8: {  	[tilespmem:s7+$0x12C70] =	vst.add.f32.msk $0xffff, v18  }
0x3c9: {  	[tilespmem:s7+$0x12C80] =	vst.add.f32.msk $0xffff, v19  }
0x3ca: {  	[tilespmem:s7+$0x12C90] =	vst.add.f32.msk $0xffff, v20  }
0x3cb: {  	[tilespmem:s7+$0x12CA0] =	vst.add.f32.msk $0xffff, v21  }
0x3cc: {  	[tilespmem:s7+$0x12CB0] =	vst.add.f32.msk $0xffff, v22  }
0x3cd: {  	[tilespmem:s7+$0x12CC0] =	vst.add.f32.msk $0xffff, v23  }
0x3ce: {  	[tilespmem:s7+$0x12CD0] =	vst.add.f32.msk $0xffff, v24  }
0x3cf: {  	[tilespmem:s7+$0x12CE0] =	vst.add.f32.msk $0xffff, v25  }
0x3d0: {  	[tilespmem:s7+$0x12CF0] =	vst.add.f32.msk $0xffff, v26  }
0x3d1: {  	[tilespmem:s7+$0x12D00] =	vst.add.f32.msk $0xffff, v27  }
0x3d2: {  	[tilespmem:s7+$0x12D10] =	vst.add.f32.msk $0xffff, v28  }
0x3d3: {  	[tilespmem:s7+$0x12D20] =	vst.add.f32.msk $0xffff, v29  }
0x3d4: {  	[tilespmem:s7+$0x12D30] =	vst.add.f32.msk $0xffff, v30  }
0x3d5: {  	[tilespmem:s7+$0x12D40] =	vst.add.f32.msk $0xffff, v31  }
0x3d6: {  	[tilespmem:s7+$0x12D50] =	vst.add.f32.msk $0xffff, v32  }
0x3d7: {  	[tilespmem:s7+$0x12D60] =	vst.add.f32.msk $0xffff, v33  }
0x3d8: {  	[tilespmem:s7+$0x12D70] =	vst.add.f32.msk $0xffff, v34  }
0x3d9: {  	[tilespmem:s7+$0x12D80] =	vst.add.f32.msk $0xffff, v35  }
0x3da: {  	[tilespmem:s7+$0x12D90] =	vst.add.f32.msk $0xffff, v36  }
0x3db: {  	[tilespmem:s7+$0x12DA0] =	vst.add.f32.msk $0xffff, v37  }
0x3dc: {  	[tilespmem:s7+$0x12DB0] =	vst.add.f32.msk $0xffff, v38  }
0x3dd: {  	[tilespmem:s7+$0x12DC0] =	vst.add.f32.msk $0xffff, v39  }
.Ltmp13:
0x3de: {  	[tilespmem:s7+$0x12DD0] =	vst.add.f32.msk $0xffff, v40;
	(pc) =	sbr.rel @p0 .LBB2_21-.Ltmp13, $4  }
0x3df: {  	[tilespmem:s7+$0x12DE0] =	vst.add.f32.msk $0xffff, v41  }
0x3e0: {  	[tilespmem:s7+$0x12DF0] =	vst.add.f32.msk $0xffff, v42  }
0x3e1: {  	[tilespmem:s7+$0x12E00] =	vst.add.f32.msk $0xffff, v43  }
0x3e2: {  	s17 =	sadd.s32 $0x800, s17;
	[tilespmem:s7+$0x12E10] =	vst.add.f32.msk $0xffff, v44  }
0x3e3: {  	vm0 =	vlt.s32 v11, v13  }
0x3e4: {  	v11 =	vsel vm0, v11, v13  }
0x3e5: {  	vm0 =	vlt.s32 v11, v12  }
0x3e6: {  	v11 =	vsel vm0, v11, v12  }
0x3e7: {  	vm0 =	vlt.s32 v11, v10  }
0x3e8: {  	v10 =	vsel vm0, v11, v10  }
0x3e9: {  	vm0 =	vlt.s32 v10, v9  }
0x3ea: {  	v9 =	vsel vm0, v10, v9  }
0x3eb: {  	vm0 =	vlt.s32 v9, v8  }
0x3ec: {  	v8 =	vsel vm0, v9, v8  }
0x3ed: {  	vm0 =	vlt.s32 v8, v7  }
0x3ee: {  	v7 =	vsel vm0, v8, v7  }
0x3ef: {  	vm0 =	vlt.s32 v7, v6  }
0x3f0: {  	v6 =	vsel vm0, v7, v6  }
0x3f1: {  	vm0 =	vlt.s32 v6, v5  }
0x3f2: {  	v5 =	vsel vm0, v6, v5  }
0x3f3: {  	vm0 =	vlt.s32 v5, v4  }
0x3f4: {  	v4 =	vsel vm0, v5, v4  }
0x3f5: {  	vm0 =	vlt.s32 v4, v3  }
0x3f6: {  	v3 =	vsel vm0, v4, v3  }
0x3f7: {  	vm0 =	vlt.s32 v3, v2  }
0x3f8: {  	v2 =	vsel vm0, v3, v2  }
0x3f9: {  	vm0 =	vlt.s32 v2, v1  }
0x3fa: {  	v1 =	vsel vm0, v2, v1  }
0x3fb: {  	v1 =	vxor.u32 $0x80000000, v1  }
0x3fc: {  	(xrf0) =	vmin.scan.msk.u32 $0xffff, v1;
	_ =	sdelay $0x5  }
0x3fd: {  	v1, _, _ =	vpop (xrf0)  }
0x3fe: {  	(v2sf) =	vpush v1, $0xF;
	_ =	sdelay $0xe  }
0x3ff: {  	s8 =	spop (v2sf)  }
0x400: {  	p0 =	sne.s32 s8, $0x80000000  }
.Ltmp14:
0x401: {  	_ = 	snop;
	(pc) =	sbr.rel @p0 .LBB2_26-.Ltmp14, $2  }
0x402: {  	_ =	sdelay $0x2  }
0x403: {  	[tilespmem:s7+$0x12E20] =	vst.add.f32.msk $0xffff, v14  }
0x404: {  	v1 =	vmov s10;
	_ =	sdelay $0x2  }
0x405: {  	s7 =	simm.s32 $0x0;
	v3 =	vld [tilespmem:$0x6400]  }
0x406: {  	v2 =	vld [tilespmem:s7+$0x6440]  }
0x407: {  	v1 =	vld.idx.msk [tilespmem:v1+s4+$0x0], $0xffff;
	_ =	sdelay $0x4  }
0x408: {  	v2 =	vsub.f32 v3, v2;
	vm0 =	veq.s32 v1, $0x0  }
0x409: {  	v1 =	vsel vm0, $0x3F800000, v0  }
0x40a: {  	v2 =	vmul.f32 v2, v1  }
0x40b: {  	v3 =	vld [tilespmem:s7+$0x6450]  }
0x40c: {  	[tilespmem:s7+$0x12C40] =	vst.add.f32.msk $0xffff, v2  }
0x40d: {  	v2 =	vld [tilespmem:$0x6410];
	_ =	sdelay $0x4  }
0x40e: {  	v2 =	vsub.f32 v2, v3;
	_ =	sdelay $0x1  }
0x40f: {  	v2 =	vmul.f32 v2, v1  }
0x410: {  	v3 =	vld [tilespmem:s7+$0x6460]  }
0x411: {  	[tilespmem:s7+$0x12C50] =	vst.add.f32.msk $0xffff, v2  }
0x412: {  	v2 =	vld [tilespmem:$0x6420];
	_ =	sdelay $0x4  }
0x413: {  	v2 =	vsub.f32 v2, v3;
	_ =	sdelay $0x1  }
0x414: {  	v2 =	vmul.f32 v2, v1  }
0x415: {  	v3 =	vld [tilespmem:s7+$0x6470]  }
0x416: {  	[tilespmem:s7+$0x12C60] =	vst.add.f32.msk $0xffff, v2  }
0x417: {  	v4 =	vld [tilespmem:$0x6430];
	_ =	sdelay $0x3  }
0x418: {  	s8 =	sadd.s32 $0x1, s10  }
0x419: {  	s17 =	simm.s32 $0x100;
	s26 =	simm.s32 $0x200;
	v2 =	vmov s8;
	v3 =	vsub.f32 v4, v3  }
.LBB2_24:
0x41a: {  	p0 =	sne.s32 s26, $0xC700  }
0x41b: {  	s9 =	sshra.s32 s17, $0x2;
	s17 =	smov.u32 s26;
	v1 =	vmul.f32 v3, v1  }
0x41c: {  	v3 =	vld [tilespmem:s9+$0x6440]  }
0x41d: {  	[tilespmem:s7+$0x12C70] =	vst.add.f32.msk $0xffff, v1;
	s7 =	smov.u32 s9  }
0x41e: {  	v1 =	vld.idx.msk [tilespmem:v2+s4+$0x0], $0xffff  }
0x41f: {  	v2 =	vld [tilespmem:$0x6400];
	_ =	sdelay $0x4  }
0x420: {  	vm0 =	veq.s32 v1, $0x0;
	v2 =	vsub.f32 v2, v3  }
0x421: {  	v1 =	vsel vm0, $0x3F800000, v0  }
0x422: {  	v2 =	vmul.f32 v2, v1  }
0x423: {  	v3 =	vld [tilespmem:s7+$0x6450]  }
0x424: {  	[tilespmem:s7+$0x12C40] =	vst.add.f32.msk $0xffff, v2  }
0x425: {  	v2 =	vld [tilespmem:$0x6410];
	_ =	sdelay $0x4  }
0x426: {  	v2 =	vsub.f32 v2, v3;
	_ =	sdelay $0x1  }
0x427: {  	v2 =	vmul.f32 v2, v1  }
0x428: {  	v3 =	vld [tilespmem:s7+$0x6460]  }
0x429: {  	[tilespmem:s7+$0x12C50] =	vst.add.f32.msk $0xffff, v2  }
0x42a: {  	v2 =	vld [tilespmem:$0x6420];
	_ =	sdelay $0x4  }
0x42b: {  	v2 =	vsub.f32 v2, v3;
	_ =	sdelay $0x1  }
0x42c: {  	v2 =	vmul.f32 v2, v1  }
0x42d: {  	v3 =	vld [tilespmem:s7+$0x6470]  }
0x42e: {  	[tilespmem:s7+$0x12C60] =	vst.add.f32.msk $0xffff, v2  }
0x42f: {  	v4 =	vld [tilespmem:$0x6430]  }
.Ltmp15:
0x430: {  	(pc) =	sbr.rel @p0 .LBB2_24-.Ltmp15, $3  }
0x431: {  	_ =	sdelay $0x1  }
0x432: {  	s8 =	sadd.s32 $0x1, s8  }
0x433: {  	s26 =	sadd.s32 $0x100, s26;
	v2 =	vmov s8;
	v3 =	vsub.f32 v4, v3  }
0x434: {  	_ = 	snop  }
0x435: {  	s8 =	sshra.s32 s17, $0x2;
	v1 =	vmul.f32 v3, v1  }
0x436: {  	v3 =	vld [tilespmem:s8+$0x6440]  }
0x437: {  	[tilespmem:s7+$0x12C70] =	vst.add.f32.msk $0xffff, v1  }
0x438: {  	v1 =	vld.idx.msk [tilespmem:v2+s4+$0x0], $0xffff  }
0x439: {  	v2 =	vld [tilespmem:$0x6400];
	_ =	sdelay $0x4  }
0x43a: {  	vm0 =	veq.s32 v1, $0x0;
	v1 =	vsub.f32 v2, v3  }
0x43b: {  	v2 =	vsel vm0, $0x3F800000, v0  }
0x43c: {  	v1 =	vmul.f32 v1, v2  }
0x43d: {  	v3 =	vld [tilespmem:s8+$0x6450]  }
0x43e: {  	[tilespmem:s8+$0x12C40] =	vst.add.f32.msk $0xffff, v1  }
0x43f: {  	v1 =	vld [tilespmem:$0x6410];
	_ =	sdelay $0x4  }
0x440: {  	v1 =	vsub.f32 v1, v3;
	_ =	sdelay $0x1  }
0x441: {  	v1 =	vmul.f32 v1, v2  }
0x442: {  	v3 =	vld [tilespmem:s8+$0x6460]  }
0x443: {  	[tilespmem:s8+$0x12C50] =	vst.add.f32.msk $0xffff, v1  }
0x444: {  	v1 =	vld [tilespmem:$0x6420];
	_ =	sdelay $0x4  }
0x445: {  	v1 =	vsub.f32 v1, v3;
	_ =	sdelay $0x1  }
0x446: {  	v1 =	vmul.f32 v1, v2  }
0x447: {  	v3 =	vld [tilespmem:s8+$0x6470]  }
0x448: {  	[tilespmem:s8+$0x12C60] =	vst.add.f32.msk $0xffff, v1  }
0x449: {  	v1 =	vld [tilespmem:$0x6430];
	_ =	sdelay $0x4  }
.Ltmp16:
0x44a: {  	v1 =	vsub.f32 v1, v3;
	(pc) =	sbr.rel .LBB2_26-.Ltmp16, $3  }
0x44b: {  	_ = 	snop  }
0x44c: {  	v1 =	vmul.f32 v1, v2;
	_ =	sdelay $0x1  }
0x44d: {  	[tilespmem:s8+$0x12C70] =	vst.add.f32.msk $0xffff, v1  }
.LBB2_28:
0x44e: {  	_ =	sfence.sel $0x180000  }
0x44f: {  	[bflag:$0x0] =	sbarrier.arrive $0xFFFF  }
0x450: {  	_ =	strace $0x90000047  }
0x451: {  	s0 =	stileid.u32;
	[bflag:$0x2] =	sbarrier.arrive $0xFFFF  }
0x452: {  	p0 =	sne.s32 s0, $0x0;
	s0 =	rddreg [dreg:$0x2]  }
0x453: {  	s0 =	sadd.s32 @!p0 $0x100000, s0  }
0x454: {  	[sflag:s0] =	ssyncadd.tile.s32 @!p0 $0x1;
	_ =	shalt  }
.Lfunc_end2:
_tile_overlayer_lowered:
.L_overlay_start_2:
0x455: {  	(tag) =	ssettag $0x2  }
0x456: {  	s0 =	rddreg [dreg:$0x0];
	s2 =	stileid.u32  }
0x457: {  	s1 =	rddreg [dreg:$0x1];
	p0 =	sne.s32 s2, $0x0  }
0x458: {  	s3 =	rddreg [dreg:$0x2];
	[bflag:$0x3] =	sbarrier.arrive $0xFFFF;
	s2 =	simm.s32 @!p0 $0x1C09  }
0x459: {  	[timem:s3], [sflag:s2] =	dma.local @!p0 [hbm:s0], s1  }
0x45a: {  	s0 =	simm.s32 @!p0 $0x9  }
0x45b: {  	_ =	swait.ge @!p0 [sflag:s0], s1  }
0x45c: {  	s1 =	ssub.s32 @!p0 $0x0, s1;
	[sflag:s0] =	ssyncset.done @!p0 $0x0  }
0x45d: {  	[sflag:s0] =	ssyncadd.s32 @!p0 s1  }
0x45e: {  	[bflag:$0x3] =	sbarrier.arrive $0xFFFF  }
0x45f: {  	_ =	shalt  }

// kernel: sparse-core-data-format-call.cloned.1.call-start
scs
called_computation_lowered:
.L_overlay_start_0:
0x0: {  	s2 =	sld [smem:$0x3FD9]  }
0x1: {  	s3 =	sld [smem:$0x3FFE];
	_ =	sdelay $0x1  }
0x2: {  	s1 =	srdreg.scid  }
0x3: {  	s0 =	sand.u32 $0x1, s1  }
0x4: {  	s18 =	sshll.u32 s0, $0xA;
	s2 =	sadd.s32 s3, s2  }
0x5: {  	s2 =	sadd.s32 s2, s18  }
0x6: {  	[smem:$0x3FC5] =	sst s2  }
0x7: {  	_ = 	snop  }
0x8: {  	s2 =	sld [smem:$0x3FD0];
	(tm) =	ssettm $0x1  }
0x9: {  	s19 =	sld [smem:$0x3FFB];
	_ =	sdelay $0x3  }
0xa: {  	_ =	strace s19  }
0xb: {  	s3 =	sld [smem:$0x3FFC];
	_ =	sdelay $0x3  }
0xc: {  	_ =	strace s3  }
0xd: {  	s3 =	sld [smem:$0x3FFD];
	_ =	sdelay $0x3  }
0xe: {  	_ =	strace s3  }
0xf: {  	_ =	strace $0x8FFFFFFF  }
0x10: {  	s20 =	sld [smem:$0x3FDB];
	_ =	sdelay $0x1  }
0x11: {  	s4 =	simm.s32 $_scs_section_size  }
0x12: {  	s5 =	simm.s32 $_size__tile_overlayer_lowered;
	s6 =	simm.s32 $_tile_overlayer_lowered  }
0x13: {  	s23 =	simm.s32 $0x1BFF;
	s22 =	sshll.u32 s6, $0x1;
	s3 =	sadd.s32 s4, s20  }
0x14: {  	s7 =	simm.s32 $0x0;
	s21 =	sshll.u32 s5, $0x1;
	s5 =	sadd.s32 s22, s3  }
0x15: {  	[timem:s7], [sflag:s23] =	dma.local [hbm:s5], s21  }
0x16: {  	_ =	swait.ge [sflag:s23], s21  }
0x17: {  	s4 =	ssub.s32 $0x0, s21;
	[sflag:s23] =	ssyncset.done $0x0  }
0x18: {  	[sflag:s23] =	ssyncadd.s32 s4;
	_ =	sdelay $0x1  }
0x19: {  	s24 =	simm.s32 $0x1B8B  }
0x1a: {  	_ =	swait.ge [sflag:s24], $0x1  }
0x1b: {  	[sflag:s24] =	ssyncset.done $0x0  }
0x1c: {  	s26 =	simm.s32 $0x1B8E;
	s25 =	sld [smem:$0x3FFE];
	[sflag:s24] =	ssyncadd.s32 $0xFFFFFFFF  }
0x1d: {  	s27 =	simm.s32 $execute0_lowered;
	[smem:$0x3FD2] =	sst s26  }
0x1e: {  	s5 =	sshll.u32 s27, $0x1;
	_ =	strace $0x80000049;
	[dreg:$0x1] =	wrdreg $0xFFFFFFFF  }
0x1f: {  	s28 =	simm.s32 $_size_execute0_lowered;
	s3 =	sadd.s32 s3, s5;
	[dreg:$0x0] =	wrdreg $0x0  }
0x20: {  	s5 =	sshll.u32 s28, $0x1;
	[dreg:$0x2] =	wrdreg s3  }
0x21: {  	[dreg:$0x3] =	wrdreg s5  }
0x22: {  	[dreg:$0x4] =	wrdreg $0xC0  }
0x23: {  	_ =	task [dreg:s7], $0x5FFFF  }
0x24: {  	[dreg:$0x1] =	wrdreg $0xFFFFFFFF  }
0x25: {  	[dreg:$0x0] =	wrdreg $0x60  }
0x26: {  	[dreg:$0x2] =	wrdreg s25  }
0x27: {  	[dreg:$0x3] =	wrdreg s2  }
0x28: {  	[dreg:$0x4] =	wrdreg $0x9  }
0x29: {  	_ =	task.clear_ibuf [dreg:s7], $0x5FFFF;
	_ =	strace $0x90000049  }
0x2a: {  	s29 =	simm.s32 $0x9;
	_ =	strace $0x8000004B  }
0x2b: {  	_ =	swait.ge [sflag:s29], $0x1  }
0x2c: {  	[sflag:s29] =	ssyncadd.s32 $0xFFFFFFFF  }
0x2d: {  	_ =	strace $0x9000004B  }
0x2e: {  	_ =	sfence  }
0x2f: {  	s30 =	sld [smem:$0x0];
	_ =	sdelay $0x2  }
0x30: {  	s31 =	sshll.u32 s1, $0xD;
	s1 =	sshrl.u32 s1, $0x2  }
0x31: {  	s3 =	sand.u32 $0x4000, s31;
	s1 =	sadd.s32 s1, s30  }
0x32: {  	s0 =	sor.u32 s3, s0;
	s1 =	sshll.u32 s1, $0x11  }
0x33: {  	s0 =	sor.u32 s1, s0  }
0x34: {  	s0 =	sadd.s32 $0x8F2B, s0  }
0x35: {  	[sflag:s0] =	ssyncadd.remote.s32 $0x1  }
0x36: {  	_ =	sfence.sel $0xFFFF  }
0x37: {  	[dreg:$0x0] =	wrdreg $0xFFFFFFFF;
	(pc) =	sbr.abs _section_cstart, $3  }
0x38: {  	[dreg:$0x1] =	wrdreg $0xFFFFFFFF  }
0x39: {  	_ =	task.clear_ibuf [dreg:s7], $0x2FFFF;
	_ =	strace $0x9FFFFFFF  }
0x3a: {  	(tm) =	ssettm $0x7FFFFFFF  }
0x3b: {  	_ =	shalt  }
tec
execute0_lowered:
.L_overlay_start_1:
0x0: {  	(tag) =	ssettag $0x1  }
0x1: {  	s0 =	srdreg.scid  }
0x2: {  	s1 =	sshll.u32 s0, $0x4  }
0x3: {  	s0 =	stileid.u32;
	s1 =	sand.u32 $0x10, s1  }
0x4: {  	s1 =	sor.u32 s0, s1  }
0x5: {  	s6 =	rddreg [dreg:$0x0];
	s4 =	simm.s32 $0x1;
	s2 =	sshll.u32 s1, $0x7  }
0x6: {  	s7 =	simm.s32 $0x2;
	s12 =	simm.s32 $0x0;
	s1 =	ssub.s32 $0x1000, s2  }
0x7: {  	s8 =	simm.s32 $0x8000;
	s13 =	simm.s32 $0x0;
	s3 =	sand.u32 $0xF80, s1  }
0x8: {  	s9 =	simm.s32 $0x0;
	s5 =	sshrl.u32 s1, $0xC;
	p0 =	sne.s32 s3, $0x0  }
.Ltmp0:
0x9: {  	s1 =	rddreg [dreg:$0x2];
	s4 =	simm.s32 @!p0 $0x0;
	(pc) =	sbr.rel .LBB1_1-.Ltmp0, $4  }
0xa: {  	s11 =	simm.s32 $0x0;
	s3 =	rddreg [dreg:$0x1];
	s5 =	sadd.s32 s4, s5  }
0xb: {  	_ =	strace $0x8000004A;
	s4 =	simm.s32 $0x1;
	s5 =	smul.u32 $0xC8, s5  }
0xc: {  	s6 =	sadd.s32 $0xC00, s6;
	s10 =	smov.u32 s2;
	[sflag:s4] =	ssyncpa.u1 $0x0  }
0xd: {  	p0 =	por $0x0, $0x0;
	[sflag:s7] =	ssyncpa.u1 $0x0;
	s7 =	sor.u32 $0x1, s5  }
.LBB1_4:
0xe: {  	s16 =	sshll.u32 s13, $0x3;
	s17 =	sand.u32 $0x78, s13  }
0xf: {  	s30 =	sand.u32 $0x7E00, s13;
	s12 =	sshll.u32 s12, $0xF;
	s16 =	sand.u32 $0xC00, s16  }
0x10: {  	[tilespmem:s15+$0x810 ss:$0x81] =	vst.msk $0xffff, v2;
	s31 =	sand.u32 $0x7, s13;
	s16 =	sor.u32 s17, s16;
	s17 =	sadd.s32 s3, s30  }
0x11: {  	[tilespmem:s15+$0x1020 ss:$0x81] =	vst.msk $0xffff, v0;
	s13 =	sshll.u32 s31, $0x12;
	s12 =	sadd.s32 s12, s17;
	s16 =	sshrl.u32 s16, $0x3  }
0x12: {  	[tilespmem:s15+$0x0 ss:$0x81] =	vst.msk $0xffff, v1;
	s13 =	sor.u32 $0x400, s13;
	s12 =	sadd.s32 s16, s12  }
0x13: {  	[hbm4b:s12+s13] =	stream.strided.scatter [tilespmem:s14], [sflag:$0x2], $0x2000, s8, s13, $0x20;
	[tilespmem:$0x8080] =	vst v63  }
.LBB1_5:
0x14: {  	s14 =	sadd.s32 $0x1, s9  }
0x15: {  	s12 =	sadd.s32 $0x1000, s10;
	s16 =	smov.u32 s10;
	p2 =	sgt.s32 s14, $0xC7  }
0x16: {  	s16 =	smov.u32 @p2 s12  }
0x17: {  	s14 =	simm.s32 @p2 $0x0;
	p2 =	sgt.s32 s16, $0xFFF  }
0x18: {  	s16 =	smov.u32 @p2 s2;
	p2 =	sne.s32 s11, s7  }
.Ltmp1:
0x19: {  	p1 =	slt.u32 s11, $0x2;
	(pc) =	sbr.rel @!p2 .LBB1_6-.Ltmp1, $4  }
0x1a: {  	s15 =	simm.s32 @!p1 $0x2  }
0x1b: {  	s13 =	smov.u32 s10;
	p0 =	por !p0, !p0;
	_ =	swait.ge @!p1 [sflag:s15], $0x2000  }
0x1c: {  	s12 =	smov.u32 s9;
	[sflag:s15] =	ssyncset.done @!p1 $0x0;
	s9 =	smov.u32 s14  }
0x1d: {  	s11 =	sadd.s32 $0x1, s11;
	[sflag:s15] =	ssyncadd.s32 @!p1 $0xFFFFE000;
	s10 =	smov.u32 s16  }
.LBB1_1:
0x1e: {  	p1 =	sge.u32 s11, s5  }
0x1f: {  	s14 =	sand.u32 @!p1 $0x1FFFFFF, s9  }
0x20: {  	s15 =	smulhi.u32 @!p1 $0x147AE15, s14;
	_ =	sdelay $0x1  }
0x21: {  	s15 =	smul.u32 @!p1 $0xC8, s15  }
0x22: {  	s16 =	sxor.u32 @!p1 $0xFFFFFFFF, s11;
	s17 =	smul.u32 @!p1 $0xC80, s10  }
0x23: {  	s31 =	sadd.s32 $0xFFFFFFFF, s11;
	s16 =	sshll.u32 @!p1 s16, $0xD;
	s14 =	ssub.s32 @!p1 s14, s15  }
0x24: {  	s15 =	sand.u32 @!p1 $0x2000, s16;
	s16 =	sadd.s32 @!p1 s6, s17;
	s14 =	sshll.u32 @!p1 s14, $0x4  }
0x25: {  	s17 =	simm.s32 @!p1 $0x6400;
	s14 =	sadd.s32 @!p1 s14, s16;
	s16 =	simm.s32 @!p1 $0x40  }
0x26: {  	[tilespmem:s15], [sflag:$0x1] =	stream.strided.gather @!p1 [hbm4b:s14+s16], $0x2000, s17, s16, $0x38;
	[tilespmem:$0x8080] =	vst v63  }
0x27: {  	p1 =	sge.u32 s31, s5  }
.Ltmp2:
0x28: {  	_ = 	snop;
	(pc) =	sbr.rel @p1 .LBB1_5-.Ltmp2, $1  }
0x29: {  	_ =	sdelay $0x3  }
0x2a: {  	s14 =	simm.s32 $0x1  }
0x2b: {  	_ =	swait.ge [sflag:s4], $0x2000;
	s14 =	simm.s32 @!p0 $0x0  }
0x2c: {  	[sflag:s4] =	ssyncset.done $0x0;
	s15 =	sshll.u32 s14, $0xD  }
0x2d: {  	[sflag:s4] =	ssyncadd.s32 $0xFFFFE000;
	s18 =	sor.u32 $0x20, s15  }
0x2e: {  	s14 =	smul.u32 $0x8100, s14;
	v3 =	vld [tilespmem:s18+$0x10]  }
0x2f: {  	s30 =	sand.u32 $0x1, s11;
	v2 =	vld [tilespmem:s18+$0xFFFFFFF0]  }
0x30: {  	s15 =	smul.u32 $0x8100, s30;
	s14 =	sshrl.u32 s14, $0x2;
	v0 =	vld [tilespmem:s18+$0x0]  }
0x31: {  	v1 =	vld [tilespmem:s18+$0xFFFFFFE0];
	s16 =	sor.u32 $0x4000, s14  }
0x32: {  	s31 =	sshrl.u32 s15, $0x2;
	s15 =	sadd.s32 $0x0, s16  }
0x33: {  	s17 =	simm.s32 $0x4;
	s18 =	sadd.s32 $0x40, s18;
	s14 =	sor.u32 $0x4000, s31;
	[tilespmem:s15+$0x1830 ss:$0x81] =	vst.msk $0xffff, v3  }
.LBB1_3:
0x34: {  	v3 =	vld [tilespmem:s18+$0x10];
	p1 =	sne.s32 s17, $0x1FC;
	[tilespmem:s15+$0x810 ss:$0x81] =	vst.msk $0xffff, v2;
	s19 =	smov.u32 s17;
	s17 =	sadd.s32 $0x4, s17  }
.Ltmp3:
0x35: {  	v2 =	vld [tilespmem:s18+$0xFFFFFFF0];
	[tilespmem:s15+$0x1020 ss:$0x81] =	vst.msk $0xffff, v0;
	(pc) =	sbr.rel @p1 .LBB1_3-.Ltmp3, $4  }
0x36: {  	v0 =	vld [tilespmem:s18+$0x0];
	[tilespmem:s15+$0x0 ss:$0x81] =	vst.msk $0xffff, v1  }
0x37: {  	s15 =	sshra.s32 s19, $0x2;
	v1 =	vld [tilespmem:s18+$0xFFFFFFE0]  }
0x38: {  	s15 =	sadd.s32 s15, s16  }
0x39: {  	s18 =	sadd.s32 $0x40, s18;
	[tilespmem:s15+$0x1830 ss:$0x81] =	vst.msk $0xffff, v3  }
.Ltmp4:
0x3a: {  	_ = 	snop;
	(pc) =	sbr.rel .LBB1_4-.Ltmp4, $1  }
0x3b: {  	_ =	sdelay $0x3  }
.LBB1_6:
0x3c: {  	_ =	sfence.sel $0x180000  }
0x3d: {  	s2 =	simm.s32 $0x1;
	[bflag:$0x0] =	sbarrier.arrive $0xFFFF  }
0x3e: {  	s31 =	simm.s32 $0x2;
	[sflag:s2] =	ssyncpa.u1 $0x1  }
0x3f: {  	[sflag:s31] =	ssyncpa.u1 $0x1  }
0x40: {  	p0 =	sne.s32 s0, $0x0;
	_ =	strace $0x9000004A  }
0x41: {  	s0 =	sadd.s32 @!p0 $0x100000, s1;
	[bflag:$0x2] =	sbarrier.arrive $0xFFFF  }
0x42: {  	[sflag:s0] =	ssyncadd.tile.s32 @!p0 $0x1;
	_ =	shalt  }
.Lfunc_end1:
_tile_overlayer_lowered:
.L_overlay_start_2:
0x43: {  	(tag) =	ssettag $0x2  }
0x44: {  	s0 =	rddreg [dreg:$0x0];
	s2 =	stileid.u32  }
0x45: {  	s1 =	rddreg [dreg:$0x1];
	p0 =	sne.s32 s2, $0x0  }
0x46: {  	s3 =	rddreg [dreg:$0x2];
	[bflag:$0x3] =	sbarrier.arrive $0xFFFF;
	s2 =	simm.s32 @!p0 $0x1C01  }
0x47: {  	[timem:s3], [sflag:s2] =	dma.local @!p0 [hbm:s0], s1  }
0x48: {  	s0 =	simm.s32 @!p0 $0x1  }
0x49: {  	_ =	swait.ge @!p0 [sflag:s0], s1  }
0x4a: {  	s1 =	ssub.s32 @!p0 $0x0, s1;
	[sflag:s0] =	ssyncset.done @!p0 $0x0  }
0x4b: {  	[sflag:s0] =	ssyncadd.s32 @!p0 s1  }
0x4c: {  	[bflag:$0x3] =	sbarrier.arrive $0xFFFF  }
0x4d: {  	_ =	shalt  }

</sc_bundles>
